<compile_context>
chip_gen: v7x
topology: tpu7x:2x2x1
jax: 0.10.2.dev20260603
libtpu: 0.0.44.dev20260713+nightly
codegen_flags: <defaults>
</compile_context>

<pallas_src>
import jax
import jax.numpy as jnp
from jax import lax
from jax.experimental import pallas as pl
from jax.experimental.pallas import tpu as pltpu
from jax.experimental.pallas import tpu_sc as plsc

_B, _N, _C = 8, 2000, 81
_QPAD = 512
_NPAD = 4 * _QPAD
_MAX_INST = 100
_MIN_CONF = 0.7
_NMS_THR = 0.3
_VROWS = _B * _N * _C * 4 // 128

_OY1, _OX1, _OY2, _OX2, _AREA, _SM, _RY1, _RX1, _RY2, _RX2, _CLS, _SCORE = range(12)
_NCOL = 12

_f32 = jnp.float32
_i32 = jnp.int32


def _splat_f(x):
    return jnp.full((16,), x, _f32)


def _splat_i(x):
    return jnp.full((16,), x, _i32)


def _det_body(probs_hbm, rois_hbm, bbxt_hbm, win_hbm, out_hbm,
              probs_v, rois_v, clsq_v, offq_v, idx_v, dstage_v, colq_v,
              win_v, shared_v, full_v, sel_v, val_v, out_v, sem):
    cidx = lax.axis_index("c")
    sidx = lax.axis_index("s")
    img_local = sidx // 4
    quarter = sidx % 4
    img = cidx * 4 + img_local
    base = img * _N + jnp.where(quarter == 3, _N - _QPAD, quarter * _QPAD)

    lanes = lax.iota(_i32, 16)

    pltpu.sync_copy(probs_hbm.at[pl.ds(base * _C, _QPAD * _C)], probs_v)
    pltpu.sync_copy(rois_hbm.at[pl.ds(base * 4, _QPAD * 4)], rois_v)
    pltpu.sync_copy(win_hbm, win_v)
    wy1v = plsc.load_gather(win_v, [_splat_i(img * 16 + 0)])
    wx1v = plsc.load_gather(win_v, [_splat_i(img * 16 + 1)])
    wy2v = plsc.load_gather(win_v, [_splat_i(img * 16 + 2)])
    wx2v = plsc.load_gather(win_v, [_splat_i(img * 16 + 3)])

    @plsc.parallel_loop(0, _QPAD // 16, unroll=2)
    def group1(g):
        pos = lanes + g * 16
        pbase = pos * _C

        @plsc.parallel_loop(0, _C, unroll=3,
                            carry=(_splat_f(-1.0), _splat_i(0)))
        def cls_loop(c, carry):
            best, bidx = carry
            vals = plsc.load_gather(probs_v, [pbase + c])
            upd = vals > best
            return (jnp.where(upd, vals, best), jnp.where(upd, c, bidx))

        best, bidx = cls_loop
        flat = (base + pos) * (_C * 4) + bidx * 4
        row = lax.shift_right_logical(flat, 7)
        off = lax.bitwise_and(flat, 127)
        o = g * 16
        idx_v[pl.ds(o, 16)] = row
        clsq_v[pl.ds(o, 16)] = bidx
        offq_v[pl.ds(o, 16)] = off
        colq_v[pl.ds(_SCORE * _QPAD + o, 16)] = best

    for h in range(2):
        copies = [
            pltpu.async_copy(
                bbxt_hbm.at[idx_v.at[pl.ds((2 * h + j) * 128, 128)]],
                dstage_v.at[pl.ds(j * 128, 128)], sem)
            for j in range(2)
        ]
        for c in copies:
            c.wait()

        @plsc.parallel_loop(h * 16, (h + 1) * 16, unroll=2)
        def group2(g, h=h):
            pos = lanes + g * 16
            o = g * 16
            lp = pos - h * 256
            offv = offq_v[pl.ds(o, 16)]
            d0 = plsc.load_gather(dstage_v, [lp, offv])
            d1 = plsc.load_gather(dstage_v, [lp, offv + 1])
            d2 = plsc.load_gather(dstage_v, [lp, offv + 2])
            d3 = plsc.load_gather(dstage_v, [lp, offv + 3])
            rbase = pos * 4
            y1 = plsc.load_gather(rois_v, [rbase])
            x1 = plsc.load_gather(rois_v, [rbase + 1])
            y2 = plsc.load_gather(rois_v, [rbase + 2])
            x2 = plsc.load_gather(rois_v, [rbase + 3])
            cls_i = clsq_v[pl.ds(o, 16)]
            score = colq_v[pl.ds(_SCORE * _QPAD + o, 16)]

            hh = y2 - y1
            ww = x2 - x1
            cy = y1 + 0.5 * hh
            cx = x1 + 0.5 * ww
            cy = cy + d0 * hh
            cx = cx + d1 * ww
            hh = hh * jnp.exp(d2)
            ww = ww * jnp.exp(d3)
            ry1 = cy - 0.5 * hh
            rx1 = cx - 0.5 * ww
            ry2 = ry1 + hh
            rx2 = rx1 + ww
            ry1 = jnp.minimum(jnp.maximum(ry1, wy1v), wy2v)
            rx1 = jnp.minimum(jnp.maximum(rx1, wx1v), wx2v)
            ry2 = jnp.minimum(jnp.maximum(ry2, wy1v), wy2v)
            rx2 = jnp.minimum(jnp.maximum(rx2, wx1v), wx2v)

            keep = (cls_i > 0) & (score >= _MIN_CONF)
            sm = jnp.where(keep, score, -1.0)
            clsf = cls_i.astype(_f32)
            off = clsf * 2.0
            oy1 = ry1 + off
            ox1 = rx1 + off
            oy2 = ry2 + off
            ox2 = rx2 + off
            area = (oy2 - oy1) * (ox2 - ox1)

            for col, x in ((_OY1, oy1), (_OX1, ox1), (_OY2, oy2), (_OX2, ox2),
                           (_AREA, area), (_SM, sm), (_RY1, ry1), (_RX1, rx1),
                           (_RY2, ry2), (_RX2, rx2), (_CLS, clsf)):
                colq_v[pl.ds(col * _QPAD + o, 16)] = x

    for c in range(_NCOL):
        pltpu.sync_copy(colq_v.at[pl.ds(c * _QPAD, _QPAD)],
                        shared_v.at[c, img_local, pl.ds(quarter * _QPAD, _QPAD)])
    plsc.subcore_barrier()

    @pl.when(quarter == 0)
    def _nms():
        for c in range(_NCOL):
            pltpu.sync_copy(shared_v.at[c, img_local],
                            full_v.at[pl.ds(c * _NPAD, _NPAD)])

        def step(t, carry):
            by1, bx1, by2, bx2, ba = carry

            @plsc.parallel_loop(0, _NPAD // 16, unroll=4,
                                carry=(_splat_f(-2.0), _splat_i(0)))
            def chunk(ch, acc):
                best, bchunk = acc
                o = ch * 16
                cy1 = full_v[pl.ds(_OY1 * _NPAD + o, 16)]
                cx1 = full_v[pl.ds(_OX1 * _NPAD + o, 16)]
                cy2 = full_v[pl.ds(_OY2 * _NPAD + o, 16)]
                cx2 = full_v[pl.ds(_OX2 * _NPAD + o, 16)]
                ca = full_v[pl.ds(_AREA * _NPAD + o, 16)]
                s = full_v[pl.ds(_SM * _NPAD + o, 16)]
                yy1 = jnp.maximum(by1, cy1)
                xx1 = jnp.maximum(bx1, cx1)
                yy2 = jnp.minimum(by2, cy2)
                xx2 = jnp.minimum(bx2, cx2)
                inter = (jnp.maximum(yy2 - yy1, 0.0)
                         * jnp.maximum(xx2 - xx1, 0.0))
                union = ba + ca - inter
                iou = inter / jnp.maximum(union, 1e-10)
                s = jnp.where(iou >= _NMS_THR, -1.0, s)
                full_v[pl.ds(_SM * _NPAD + o, 16)] = s
                upd = s > best
                best = jnp.where(upd, s, best)
                bchunk = jnp.where(upd, ch, bchunk)
                return (best, bchunk)

            best, bchunk = chunk
            m = jnp.max(best)
            gidx = bchunk * 16 + lanes
            idx = jnp.min(jnp.where(best == m, gidx, _NPAD))
            val = jnp.where(m > 0.0, _f32(1.0), _f32(0.0))
            lane0 = lanes == 0
            plsc.store_scatter(sel_v, [_splat_i(t)], _splat_i(idx), mask=lane0)
            plsc.store_scatter(val_v, [_splat_i(t)], _splat_f(val), mask=lane0)
            iv = _splat_i(idx)
            return (plsc.load_gather(full_v, [_splat_i(_OY1 * _NPAD) + iv]),
                    plsc.load_gather(full_v, [_splat_i(_OX1 * _NPAD) + iv]),
                    plsc.load_gather(full_v, [_splat_i(_OY2 * _NPAD) + iv]),
                    plsc.load_gather(full_v, [_splat_i(_OX2 * _NPAD) + iv]),
                    plsc.load_gather(full_v, [_splat_i(_AREA * _NPAD) + iv]))

        far = _splat_f(-1.0e9)
        lax.fori_loop(0, _MAX_INST, step,
                      (far, far, far, far, _splat_f(0.0)))

        def outg(g, _):
            t16 = lanes + g * 16
            tc = jnp.minimum(t16, _MAX_INST - 1)
            sidxs = plsc.load_gather(sel_v, [tc])
            v = plsc.load_gather(val_v, [tc]) > 0.0
            for k, col in enumerate((_RY1, _RX1, _RY2, _RX2, _CLS, _SCORE)):
                x = plsc.load_gather(full_v, [_splat_i(col * _NPAD) + sidxs])
                x = jnp.where(v, x, 0.0)
                plsc.store_scatter(out_v, [t16 * 8 + k], x)
            return 0

        lax.fori_loop(0, 7, outg, 0)
        pltpu.sync_copy(out_v, out_hbm.at[img])


def kernel(rois, mrcnn_class, mrcnn_bbox, image_meta):
    probs1 = jnp.maximum(mrcnn_class.reshape(_B * _N * _C), 0.0)
    rois1 = jnp.maximum(rois.reshape(_B * _N * 4), 0.0)

    def _scale_body(x_ref, o_ref):
        lane = jax.lax.broadcasted_iota(_i32, (4096, 128), 1)
        std = jnp.where(lane % 4 < 2, _f32(0.1), _f32(0.2))
        o_ref[...] = x_ref[...] * std

    bbxt = pl.pallas_call(
        _scale_body,
        grid=(10,),
        in_specs=[pl.BlockSpec((4096, 128), lambda i: (i, 0))],
        out_specs=pl.BlockSpec((4096, 128), lambda i: (i, 0)),
        out_shape=jax.ShapeDtypeStruct((_VROWS, 128), _f32),
    )(mrcnn_bbox.reshape(_VROWS, 128))
    image_shape = image_meta[0, 4:7]
    h, w = image_shape[0], image_shape[1]
    scale = jnp.stack([h, w, h, w]) - 1.0
    shift = jnp.array([0.0, 0.0, 1.0, 1.0], dtype=_f32)
    windows = (image_meta[:, 7:11] - shift) / scale
    winflat = jnp.pad(windows, ((0, 0), (0, 12))).reshape(128)

    mesh = plsc.VectorSubcoreMesh(core_axis_name="c", subcore_axis_name="s")
    det = pl.kernel(
        _det_body,
        mesh=mesh,
        compiler_params=pltpu.CompilerParams(
            needs_layout_passes=False,
            disable_bounds_checks=True,
            disable_semaphore_checks=True,
        ),
        out_type=jax.ShapeDtypeStruct((_B, 1024), _f32),
        scratch_types=[
            pltpu.VMEM((_QPAD * _C,), _f32),
            pltpu.VMEM((_QPAD * 4,), _f32),
            pltpu.VMEM((_QPAD,), _i32),
            pltpu.VMEM((_QPAD,), _i32),
            pltpu.VMEM((_QPAD,), _i32),
            pltpu.VMEM((256, 128), _f32),
            pltpu.VMEM((_NCOL * _QPAD,), _f32),
            pltpu.VMEM((128,), _f32),
            pltpu.VMEM_SHARED((_NCOL, 4, _NPAD), _f32),
            pltpu.VMEM((_NCOL * _NPAD,), _f32),
            pltpu.VMEM((128,), _i32),
            pltpu.VMEM((128,), _f32),
            pltpu.VMEM((1024,), _f32),
            pltpu.SemaphoreType.DMA,
        ],
    )
    out = det(probs1, rois1, bbxt, winflat)
    return out.reshape(_B, 128, 8)[:, :_MAX_INST, :6]

# --- scband reference (transcript-rebuilt; emitter-appended) ---
"""Pipeline reference for scband-detection-layer-53747220742217 (READ-ONLY COPY).

The authoritative reference and input builder live on the scoring server;
editing this copy changes nothing except your own understanding.
"""

import jax, jax.numpy as jnp
import numpy as np

BBOX_STD_DEV = jnp.array([0.1, 0.1, 0.2, 0.2], dtype=jnp.float32)
MIN_CONF = 0.7
MAX_INST = 100
NMS_THR = 0.3
B, N, C = 8, 2000, 81


def setup_inputs(seed: int = 0):
    key = jax.random.key(seed)
    k1, k2, k3, k4 = jax.random.split(key, 4)
    a = jax.random.uniform(k1, (B, N, 2), dtype=jnp.float32)
    b = jax.random.uniform(k2, (B, N, 2), dtype=jnp.float32)
    rois = jnp.concatenate([jnp.minimum(a, b), jnp.maximum(a, b)], axis=-1)
    logits = jax.random.normal(k3, (B, N, C), dtype=jnp.float32) * 6.0
    mrcnn_class = jax.nn.softmax(logits, axis=-1)
    mrcnn_bbox = jax.random.normal(k4, (B, N, C, 4), dtype=jnp.float32)
    meta = np.zeros((B, 12 + C), dtype=np.float32)
    for i in range(B):
        meta[i, 0] = i
        meta[i, 1:4] = [1024.0, 1024.0, 3.0]
        meta[i, 4:7] = [1024.0, 1024.0, 3.0]
        meta[i, 7:11] = [64.0, 32.0, 960.0, 992.0]
        meta[i, 11] = 1.0
        meta[i, 12:] = 1.0
    image_meta = jnp.asarray(meta)
    return {"rois": rois, "mrcnn_class": mrcnn_class, "mrcnn_bbox": mrcnn_bbox, "image_meta": image_meta}


def apply_box_deltas(boxes, deltas):
    height = boxes[:, 2] - boxes[:, 0]
    width = boxes[:, 3] - boxes[:, 1]
    cy = boxes[:, 0] + 0.5 * height
    cx = boxes[:, 1] + 0.5 * width
    cy = cy + deltas[:, 0] * height
    cx = cx + deltas[:, 1] * width
    height = height * jnp.exp(deltas[:, 2])
    width = width * jnp.exp(deltas[:, 3])
    y1 = cy - 0.5 * height
    x1 = cx - 0.5 * width
    y2 = y1 + height
    x2 = x1 + width
    return jnp.stack([y1, x1, y2, x2], axis=1)


def clip_boxes(boxes, window):
    wy1, wx1, wy2, wx2 = window[0], window[1], window[2], window[3]
    y1 = jnp.clip(boxes[:, 0], wy1, wy2)
    x1 = jnp.clip(boxes[:, 1], wx1, wx2)
    y2 = jnp.clip(boxes[:, 2], wy1, wy2)
    x2 = jnp.clip(boxes[:, 3], wx1, wx2)
    return jnp.stack([y1, x1, y2, x2], axis=1)


def pairwise_iou(boxes):
    y1, x1, y2, x2 = boxes[:, 0], boxes[:, 1], boxes[:, 2], boxes[:, 3]
    area = (y2 - y1) * (x2 - x1)
    yy1 = jnp.maximum(y1[:, None], y1[None, :])
    xx1 = jnp.maximum(x1[:, None], x1[None, :])
    yy2 = jnp.minimum(y2[:, None], y2[None, :])
    xx2 = jnp.minimum(x2[:, None], x2[None, :])
    inter = jnp.maximum(yy2 - yy1, 0.0) * jnp.maximum(xx2 - xx1, 0.0)
    union = area[:, None] + area[None, :] - inter
    return inter / jnp.maximum(union, 1e-10)


def nms_select(boxes, scores):
    # greedy NMS; class-offset boxes make this equivalent to per-class NMS
    iou = pairwise_iou(boxes)

    def body(i, state):
        s, sel, valid = state
        idx = jnp.argmax(s)
        ok = s[idx] > 0.0
        sel = sel.at[i].set(idx.astype(jnp.int32))
        valid = valid.at[i].set(ok)
        s = jnp.where(iou[idx] >= NMS_THR, -1.0, s)
        return (s, sel, valid)

    init = (scores, jnp.zeros((MAX_INST,), jnp.int32), jnp.zeros((MAX_INST,), jnp.bool_))
    s, sel, valid = jax.lax.fori_loop(0, MAX_INST, body, init)
    return sel, valid


def refine_one(rois_i, probs_i, deltas_i, window_i):
    class_ids = jnp.argmax(probs_i, axis=1)
    idx = jnp.arange(N)
    class_scores = probs_i[idx, class_ids]
    deltas_spec = deltas_i[idx, class_ids] * BBOX_STD_DEV
    refined = apply_box_deltas(rois_i, deltas_spec)
    refined = clip_boxes(refined, window_i)
    keep = (class_ids > 0) & (class_scores >= MIN_CONF)
    scores_m = jnp.where(keep, class_scores, -1.0)
    offset_boxes = refined + class_ids.astype(jnp.float32)[:, None] * 2.0
    sel, valid = nms_select(offset_boxes, scores_m)
    v = valid.astype(jnp.float32)[:, None]
    det_boxes = refined[sel] * v
    det_cls = class_ids[sel].astype(jnp.float32)[:, None] * v
    det_scores = class_scores[sel][:, None] * v
    return jnp.concatenate([det_boxes, det_cls, det_scores], axis=1)


def norm_boxes(boxes, shape_hw):
    h, w = shape_hw[0], shape_hw[1]
    scale = jnp.stack([h, w, h, w]) - 1.0
    shift = jnp.array([0.0, 0.0, 1.0, 1.0], dtype=jnp.float32)
    return (boxes - shift) / scale


def reference(rois, mrcnn_class, mrcnn_bbox, image_meta):
    image_shape = image_meta[0, 4:7]
    windows = norm_boxes(image_meta[:, 7:11], image_shape[:2])
    dets = [refine_one(rois[i], mrcnn_class[i], mrcnn_bbox[i], windows[i]) for i in range(B)]
    return jnp.reshape(jnp.stack(dets, axis=0), (B, MAX_INST, 6))

if __name__ == "__main__":
    import jax
    _d = setup_inputs()
    print(jax.jit(kernel)(*tuple(_d.values())))

</pallas_src>

<mosaic_0001>
#map = affine_map<(d0, d1) -> (0)>
#map1 = affine_map<(d0, d1) -> (0, 0)>
module attributes {stable_mosaic.version = 14 : i64} {
  func.func @_det_body(%arg0: i32, %arg1: i32, %arg2: memref<1296000xf32, #tpu.memory_space<hbm>>, %arg3: memref<64000xf32, #tpu.memory_space<hbm>>, %arg4: memref<40500x128xf32, #tpu.memory_space<hbm>>, %arg5: memref<128xf32, #tpu.memory_space<hbm>>, %arg6: memref<8x1024xf32, #tpu.memory_space<hbm>>, %arg7: memref<41472xf32, #tpu.memory_space<vmem>>, %arg8: memref<2048xf32, #tpu.memory_space<vmem>>, %arg9: memref<512xi32, #tpu.memory_space<vmem>>, %arg10: memref<512xi32, #tpu.memory_space<vmem>>, %arg11: memref<512xi32, #tpu.memory_space<vmem>>, %arg12: memref<256x128xf32, #tpu.memory_space<vmem>>, %arg13: memref<6144xf32, #tpu.memory_space<vmem>>, %arg14: memref<128xf32, #tpu.memory_space<vmem>>, %arg15: memref<12x4x2048xf32, #tpu.memory_space<vmem_shared>>, %arg16: memref<24576xf32, #tpu.memory_space<vmem>>, %arg17: memref<128xi32, #tpu.memory_space<vmem>>, %arg18: memref<128xf32, #tpu.memory_space<vmem>>, %arg19: memref<1024xf32, #tpu.memory_space<vmem>>, %arg20: memref<!tpu.dma_semaphore, #tpu.memory_space<semaphore_mem>>) attributes {dimension_semantics = [#tpu.dimension_semantics<core_parallel>, #tpu.dimension_semantics<subcore_parallel>], iteration_bounds = array<i64: 2, 16>, scalar_prefetch = 0 : i64, scratch_operands = 14 : i64, tpu.core_type = #tpu.core_type<sc_vector_subcore>, window_params = [{transform_indices = #map}, {transform_indices = #map}, {transform_indices = #map1}, {transform_indices = #map}, {transform_indices = #map1}]} {
    %jit3A = arith.constant 4 : i32
    %div3A = arith.divsi %arg1, %jit3A : i32
    %sign3A = arith.constant 0 : i32
    %sign3A_0 = arith.cmpi sgt, %arg1, %sign3A : i32
    %sign3A_1 = arith.extui %sign3A_0 : i1 to i32
    %sign3A_2 = arith.constant 0 : i32
    %sign3A_3 = arith.cmpi slt, %arg1, %sign3A_2 : i32
    %sign3A_4 = arith.extui %sign3A_3 : i1 to i32
    %sign3A_5 = arith.subi %sign3A_1, %sign3A_4 : i32
    %sign3A_6 = arith.constant 0 : i32
    %sign3A_7 = arith.cmpi sgt, %jit3A, %sign3A_6 : i32
    %sign3A_8 = arith.extui %sign3A_7 : i1 to i32
    %sign3A_9 = arith.constant 0 : i32
    %sign3A_10 = arith.cmpi slt, %jit3A, %sign3A_9 : i32
    %sign3A_11 = arith.extui %sign3A_10 : i1 to i32
    %sign3A_12 = arith.subi %sign3A_8, %sign3A_11 : i32
    %ne3A = arith.cmpi ne, %sign3A_5, %sign3A_12 : i32
    %rem3A = arith.remsi %arg1, %jit3A : i32
    %ne3A_13 = arith.constant 0 : i32
    %ne3A_14 = arith.cmpi ne, %rem3A, %ne3A_13 : i32
    %and3A = arith.andi %ne3A, %ne3A_14 : i1
    %sub3A = arith.constant 1 : i32
    %sub3A_15 = arith.subi %div3A, %sub3A : i32
    %select_n3A = arith.select %and3A, %sub3A_15, %div3A : i32
    %jit3A_16 = arith.constant 4 : i32
    %eq3A = arith.constant 0 : i32
    %eq3A_17 = arith.cmpi eq, %jit3A_16, %eq3A : i32
    %jit3A_18 = arith.constant 1 : i32
    %select_n3A_19 = arith.select %eq3A_17, %jit3A_18, %jit3A_16 : i32
    %rem3A_20 = arith.remsi %arg1, %select_n3A_19 : i32
    %ne3A_21 = arith.constant 0 : i32
    %ne3A_22 = arith.cmpi ne, %rem3A_20, %ne3A_21 : i32
    %lt3A = arith.constant 0 : i32
    %lt3A_23 = arith.cmpi slt, %rem3A_20, %lt3A : i32
    %lt3A_24 = arith.constant 0 : i32
    %lt3A_25 = arith.cmpi slt, %select_n3A_19, %lt3A_24 : i32
    %ne3A_26 = arith.xori %lt3A_23, %lt3A_25 : i1
    %and3A_27 = arith.andi %ne3A_26, %ne3A_22 : i1
    %add3A = arith.addi %rem3A_20, %select_n3A_19 : i32
    %select_n3A_28 = arith.select %and3A_27, %add3A, %rem3A_20 : i32
    %mul3A = arith.constant 4 : i32
    %mul3A_29 = arith.muli %arg0, %mul3A : i32
    %add3A_30 = arith.addi %mul3A_29, %select_n3A : i32
    %mul3A_31 = arith.constant 2000 : i32
    %mul3A_32 = arith.muli %add3A_30, %mul3A_31 : i32
    %eq3A_33 = arith.constant 3 : i32
    %eq3A_34 = arith.cmpi eq, %select_n3A_28, %eq3A_33 : i32
    %mul3A_35 = arith.constant 512 : i32
    %mul3A_36 = arith.muli %select_n3A_28, %mul3A_35 : i32
    %jit3A_37 = arith.constant 1488 : i32
    %select_n3A_38 = arith.select %eq3A_34, %jit3A_37, %mul3A_36 : i32
    %add3A_39 = arith.addi %mul3A_32, %select_n3A_38 : i32
    %iota3A = tpu.iota {dimensions = array<i32: 0>} : vector<16xi32>
    %mul3A_40 = arith.constant 81 : i32
    %mul3A_41 = arith.muli %add3A_39, %mul3A_40 : i32
    "tpu.region"() ({
      %run_scoped3A_174 = tpu.sem_alloc : memref<!tpu.dma_semaphore, #tpu.memory_space<semaphore_mem>>
      %dma_start3A_175 = tpu.memref_slice %arg2[%mul3A_41] : memref<1296000xf32, #tpu.memory_space<hbm>> -> memref<41472xf32, #tpu.memory_space<hbm>>
      %dma_start3A_176 = tpu.memref_slice %arg2[%mul3A_41] : memref<1296000xf32, #tpu.memory_space<hbm>> -> memref<41472xf32, #tpu.memory_space<hbm>>
      tpu.enqueue_dma source(%dma_start3A_176 : memref<41472xf32, #tpu.memory_space<hbm>>) target(%arg7 : memref<41472xf32, #tpu.memory_space<vmem>>) target_semaphore(%run_scoped3A_174 : memref<!tpu.dma_semaphore, #tpu.memory_space<semaphore_mem>>)
      %dma_wait3A_177 = tpu.memref_slice %arg2[%mul3A_41] : memref<1296000xf32, #tpu.memory_space<hbm>> -> memref<41472xf32, #tpu.memory_space<hbm>>
      %dma_wait3A_178 = tpu.memref_slice %arg2[%mul3A_41] : memref<1296000xf32, #tpu.memory_space<hbm>> -> memref<41472xf32, #tpu.memory_space<hbm>>
      tpu.wait_dma2 semaphore(%run_scoped3A_174 : memref<!tpu.dma_semaphore, #tpu.memory_space<semaphore_mem>>) src(%dma_wait3A_178 : memref<41472xf32, #tpu.memory_space<hbm>>) dst(%arg7 : memref<41472xf32, #tpu.memory_space<vmem>>)
      tpu.yield
    }) : () -> ()
    %mul3A_42 = arith.constant 4 : i32
    %mul3A_43 = arith.muli %add3A_39, %mul3A_42 : i32
    "tpu.region"() ({
      %run_scoped3A_174 = tpu.sem_alloc : memref<!tpu.dma_semaphore, #tpu.memory_space<semaphore_mem>>
      %dma_start3A_175 = tpu.memref_slice %arg3[%mul3A_43] : memref<64000xf32, #tpu.memory_space<hbm>> -> memref<2048xf32, #tpu.memory_space<hbm>>
      %dma_start3A_176 = tpu.memref_slice %arg3[%mul3A_43] : memref<64000xf32, #tpu.memory_space<hbm>> -> memref<2048xf32, #tpu.memory_space<hbm>>
      tpu.enqueue_dma source(%dma_start3A_176 : memref<2048xf32, #tpu.memory_space<hbm>>) target(%arg8 : memref<2048xf32, #tpu.memory_space<vmem>>) target_semaphore(%run_scoped3A_174 : memref<!tpu.dma_semaphore, #tpu.memory_space<semaphore_mem>>)
      %dma_wait3A_177 = tpu.memref_slice %arg3[%mul3A_43] : memref<64000xf32, #tpu.memory_space<hbm>> -> memref<2048xf32, #tpu.memory_space<hbm>>
      %dma_wait3A_178 = tpu.memref_slice %arg3[%mul3A_43] : memref<64000xf32, #tpu.memory_space<hbm>> -> memref<2048xf32, #tpu.memory_space<hbm>>
      tpu.wait_dma2 semaphore(%run_scoped3A_174 : memref<!tpu.dma_semaphore, #tpu.memory_space<semaphore_mem>>) src(%dma_wait3A_178 : memref<2048xf32, #tpu.memory_space<hbm>>) dst(%arg8 : memref<2048xf32, #tpu.memory_space<vmem>>)
      tpu.yield
    }) : () -> ()
    "tpu.region"() ({
      %run_scoped3A_174 = tpu.sem_alloc : memref<!tpu.dma_semaphore, #tpu.memory_space<semaphore_mem>>
      tpu.enqueue_dma source(%arg5 : memref<128xf32, #tpu.memory_space<hbm>>) target(%arg14 : memref<128xf32, #tpu.memory_space<vmem>>) target_semaphore(%run_scoped3A_174 : memref<!tpu.dma_semaphore, #tpu.memory_space<semaphore_mem>>)
      tpu.wait_dma2 semaphore(%run_scoped3A_174 : memref<!tpu.dma_semaphore, #tpu.memory_space<semaphore_mem>>) src(%arg5 : memref<128xf32, #tpu.memory_space<hbm>>) dst(%arg14 : memref<128xf32, #tpu.memory_space<vmem>>)
      tpu.yield
    }) : () -> ()
    %mul3A_44 = arith.constant 16 : i32
    %mul3A_45 = arith.muli %add3A_30, %mul3A_44 : i32
    %add3A_46 = arith.constant 0 : i32
    %add3A_47 = arith.addi %mul3A_45, %add3A_46 : i32
    %broadcast_in_dim3A = vector.broadcast %add3A_47 : i32 to vector<16xi32>
    %gather3A = tpu.vector_load_idx %arg14[%broadcast_in_dim3A] : memref<128xf32, #tpu.memory_space<vmem>>[vector<16xi32>], vector<16xf32>,
    %mul3A_48 = arith.constant 16 : i32
    %mul3A_49 = arith.muli %add3A_30, %mul3A_48 : i32
    %add3A_50 = arith.constant 1 : i32
    %add3A_51 = arith.addi %mul3A_49, %add3A_50 : i32
    %broadcast_in_dim3A_52 = vector.broadcast %add3A_51 : i32 to vector<16xi32>
    %gather3A_53 = tpu.vector_load_idx %arg14[%broadcast_in_dim3A_52] : memref<128xf32, #tpu.memory_space<vmem>>[vector<16xi32>], vector<16xf32>,
    %mul3A_54 = arith.constant 16 : i32
    %mul3A_55 = arith.muli %add3A_30, %mul3A_54 : i32
    %add3A_56 = arith.constant 2 : i32
    %add3A_57 = arith.addi %mul3A_55, %add3A_56 : i32
    %broadcast_in_dim3A_58 = vector.broadcast %add3A_57 : i32 to vector<16xi32>
    %gather3A_59 = tpu.vector_load_idx %arg14[%broadcast_in_dim3A_58] : memref<128xf32, #tpu.memory_space<vmem>>[vector<16xi32>], vector<16xf32>,
    %mul3A_60 = arith.constant 16 : i32
    %mul3A_61 = arith.muli %add3A_30, %mul3A_60 : i32
    %add3A_62 = arith.constant 3 : i32
    %add3A_63 = arith.addi %mul3A_61, %add3A_62 : i32
    %broadcast_in_dim3A_64 = vector.broadcast %add3A_63 : i32 to vector<16xi32>
    %gather3A_65 = tpu.vector_load_idx %arg14[%broadcast_in_dim3A_64] : memref<128xf32, #tpu.memory_space<vmem>>[vector<16xi32>], vector<16xf32>,
    %parallel_loop3A = arith.constant 0 : i32
    %parallel_loop3A_66 = arith.constant 32 : i32
    %parallel_loop3A_67 = arith.constant 1 : i32
    scf.for %parallel_loop3A_174 = %parallel_loop3A to %parallel_loop3A_66 step %parallel_loop3A_67  : i32 {
      %parallel_loop3A_175 = arith.constant 16 : i32
      %parallel_loop3A_176 = arith.muli %parallel_loop3A_174, %parallel_loop3A_175 : i32
      %parallel_loop3A_177 = vector.broadcast %parallel_loop3A_176 : i32 to vector<16xi32>
      %parallel_loop3A_178 = arith.addi %iota3A, %parallel_loop3A_177 : vector<16xi32>
      %parallel_loop3A_179 = arith.constant 81 : i32
      %parallel_loop3A_180 = vector.broadcast %parallel_loop3A_179 : i32 to vector<16xi32>
      %parallel_loop3A_181 = arith.muli %parallel_loop3A_178, %parallel_loop3A_180 : vector<16xi32>
      %parallel_loop3A_182 = arith.constant -1.000000e+00 : f32
      %parallel_loop3A_183 = vector.broadcast %parallel_loop3A_182 : f32 to vector<16xf32>
      %parallel_loop3A_184 = arith.constant 0 : i32
      %parallel_loop3A_185 = vector.broadcast %parallel_loop3A_184 : i32 to vector<16xi32>
      %parallel_loop3A_186 = arith.constant 0 : i32
      %parallel_loop3A_187 = arith.constant 81 : i32
      %parallel_loop3A_188 = arith.constant 1 : i32
      %parallel_loop3A_189:2 = scf.for %parallel_loop3A_217 = %parallel_loop3A_186 to %parallel_loop3A_187 step %parallel_loop3A_188 iter_args(%parallel_loop3A_218 = %parallel_loop3A_183, %parallel_loop3A_219 = %parallel_loop3A_185) -> (vector<16xf32>, vector<16xi32>)  : i32 {
        %parallel_loop3A_220 = vector.broadcast %parallel_loop3A_217 : i32 to vector<16xi32>
        %parallel_loop3A_221 = arith.addi %parallel_loop3A_181, %parallel_loop3A_220 : vector<16xi32>
        %parallel_loop3A_222 = tpu.vector_load_idx %arg7[%parallel_loop3A_221] : memref<41472xf32, #tpu.memory_space<vmem>>[vector<16xi32>], vector<16xf32>,
        %parallel_loop3A_223 = arith.cmpf ogt, %parallel_loop3A_222, %parallel_loop3A_218 : vector<16xf32>
        %parallel_loop3A_224 = arith.select %parallel_loop3A_223, %parallel_loop3A_222, %parallel_loop3A_218 : vector<16xi1>, vector<16xf32>
        %parallel_loop3A_225 = vector.broadcast %parallel_loop3A_217 : i32 to vector<16xi32>
        %parallel_loop3A_226 = arith.select %parallel_loop3A_223, %parallel_loop3A_225, %parallel_loop3A_219 : vector<16xi1>, vector<16xi32>
        scf.yield %parallel_loop3A_224, %parallel_loop3A_226 : vector<16xf32>, vector<16xi32>
      } {sc.loop_unroll_factor = 3 : i64, sc.parallel_access}
      %parallel_loop3A_190 = vector.broadcast %add3A_39 : i32 to vector<16xi32>
      %parallel_loop3A_191 = arith.addi %parallel_loop3A_190, %parallel_loop3A_178 : vector<16xi32>
      %parallel_loop3A_192 = arith.constant 324 : i32
      %parallel_loop3A_193 = vector.broadcast %parallel_loop3A_192 : i32 to vector<16xi32>
      %parallel_loop3A_194 = arith.muli %parallel_loop3A_191, %parallel_loop3A_193 : vector<16xi32>
      %parallel_loop3A_195 = arith.constant 4 : i32
      %parallel_loop3A_196 = vector.broadcast %parallel_loop3A_195 : i32 to vector<16xi32>
      %parallel_loop3A_197 = arith.muli %parallel_loop3A_189#1, %parallel_loop3A_196 : vector<16xi32>
      %parallel_loop3A_198 = arith.addi %parallel_loop3A_194, %parallel_loop3A_197 : vector<16xi32>
      %parallel_loop3A_199 = arith.constant 7 : i32
      %parallel_loop3A_200 = vector.broadcast %parallel_loop3A_199 : i32 to vector<16xi32>
      %parallel_loop3A_201 = arith.shrui %parallel_loop3A_198, %parallel_loop3A_200 : vector<16xi32>
      %parallel_loop3A_202 = arith.constant 127 : i32
      %parallel_loop3A_203 = vector.broadcast %parallel_loop3A_202 : i32 to vector<16xi32>
      %parallel_loop3A_204 = arith.andi %parallel_loop3A_198, %parallel_loop3A_203 : vector<16xi32>
      %parallel_loop3A_205 = arith.constant 16 : i32
      %parallel_loop3A_206 = arith.muli %parallel_loop3A_174, %parallel_loop3A_205 : i32
      %parallel_loop3A_207 = arith.index_cast %parallel_loop3A_206 : i32 to index
      %parallel_loop3A_208 = tpu.vector_load %arg11[%parallel_loop3A_207] {strides = array<i32>} : memref<512xi32, #tpu.memory_space<vmem>>, vector<16xi32>,
      tpu.vector_store %arg11[%parallel_loop3A_207], %parallel_loop3A_201 {strides = array<i32>} : memref<512xi32, #tpu.memory_space<vmem>>, vector<16xi32>,
      %parallel_loop3A_209 = arith.index_cast %parallel_loop3A_206 : i32 to index
      %parallel_loop3A_210 = tpu.vector_load %arg9[%parallel_loop3A_209] {strides = array<i32>} : memref<512xi32, #tpu.memory_space<vmem>>, vector<16xi32>,
      tpu.vector_store %arg9[%parallel_loop3A_209], %parallel_loop3A_189#1 {strides = array<i32>} : memref<512xi32, #tpu.memory_space<vmem>>, vector<16xi32>,
      %parallel_loop3A_211 = arith.index_cast %parallel_loop3A_206 : i32 to index
      %parallel_loop3A_212 = tpu.vector_load %arg10[%parallel_loop3A_211] {strides = array<i32>} : memref<512xi32, #tpu.memory_space<vmem>>, vector<16xi32>,
      tpu.vector_store %arg10[%parallel_loop3A_211], %parallel_loop3A_204 {strides = array<i32>} : memref<512xi32, #tpu.memory_space<vmem>>, vector<16xi32>,
      %parallel_loop3A_213 = arith.constant 5632 : i32
      %parallel_loop3A_214 = arith.addi %parallel_loop3A_213, %parallel_loop3A_206 : i32
      %parallel_loop3A_215 = arith.index_cast %parallel_loop3A_214 : i32 to index
      %parallel_loop3A_216 = tpu.vector_load %arg13[%parallel_loop3A_215] {strides = array<i32>} : memref<6144xf32, #tpu.memory_space<vmem>>, vector<16xf32>,
      tpu.vector_store %arg13[%parallel_loop3A_215], %parallel_loop3A_189#0 {strides = array<i32>} : memref<6144xf32, #tpu.memory_space<vmem>>, vector<16xf32>,
    } {sc.loop_unroll_factor = 2 : i64, sc.parallel_access}
    %dma_start3A = arith.constant 0 : i32
    %dma_start3A_68 = arith.constant 0 : i32
    %dma_start3A_69 = tpu.memref_slice %arg12[%dma_start3A, %dma_start3A_68] : memref<256x128xf32, #tpu.memory_space<vmem>> -> memref<128x128xf32, #tpu.memory_space<vmem>>
    %dma_start3A_70 = arith.constant 0 : i32
    %dma_start3A_71 = tpu.memref_slice %arg11[%dma_start3A_70] : memref<512xi32, #tpu.memory_space<vmem>> -> memref<128xi32, #tpu.memory_space<vmem>>
    %dma_start3A_72 = arith.constant 0 : i32
    %dma_start3A_73 = arith.constant 0 : i32
    %dma_start3A_74 = tpu.memref_slice %arg4[%dma_start3A_72, %dma_start3A_73] : memref<40500x128xf32, #tpu.memory_space<hbm>> -> memref<40500x128xf32, #tpu.memory_space<hbm>>
    tpu.enqueue_indirect_dma source(%dma_start3A_74 : memref<40500x128xf32, #tpu.memory_space<hbm>>) target(%dma_start3A_69 : memref<128x128xf32, #tpu.memory_space<vmem>>) offsets(%dma_start3A_71 : memref<128xi32, #tpu.memory_space<vmem>>) semaphore(%arg20 : memref<!tpu.dma_semaphore, #tpu.memory_space<semaphore_mem>>)
    %dma_start3A_75 = arith.constant 128 : i32
    %dma_start3A_76 = arith.constant 0 : i32
    %dma_start3A_77 = tpu.memref_slice %arg12[%dma_start3A_75, %dma_start3A_76] : memref<256x128xf32, #tpu.memory_space<vmem>> -> memref<128x128xf32, #tpu.memory_space<vmem>>
    %dma_start3A_78 = arith.constant 128 : i32
    %dma_start3A_79 = tpu.memref_slice %arg11[%dma_start3A_78] : memref<512xi32, #tpu.memory_space<vmem>> -> memref<128xi32, #tpu.memory_space<vmem>>
    %dma_start3A_80 = arith.constant 0 : i32
    %dma_start3A_81 = arith.constant 0 : i32
    %dma_start3A_82 = tpu.memref_slice %arg4[%dma_start3A_80, %dma_start3A_81] : memref<40500x128xf32, #tpu.memory_space<hbm>> -> memref<40500x128xf32, #tpu.memory_space<hbm>>
    tpu.enqueue_indirect_dma source(%dma_start3A_82 : memref<40500x128xf32, #tpu.memory_space<hbm>>) target(%dma_start3A_77 : memref<128x128xf32, #tpu.memory_space<vmem>>) offsets(%dma_start3A_79 : memref<128xi32, #tpu.memory_space<vmem>>) semaphore(%arg20 : memref<!tpu.dma_semaphore, #tpu.memory_space<semaphore_mem>>)
    %dma_wait3A = arith.constant 0 : i32
    %dma_wait3A_83 = arith.constant 0 : i32
    %dma_wait3A_84 = tpu.memref_slice %arg12[%dma_wait3A, %dma_wait3A_83] : memref<256x128xf32, #tpu.memory_space<vmem>> -> memref<128x128xf32, #tpu.memory_space<vmem>>
    %dma_wait3A_85 = arith.constant 0 : i32
    %dma_wait3A_86 = tpu.memref_slice %arg11[%dma_wait3A_85] : memref<512xi32, #tpu.memory_space<vmem>> -> memref<128xi32, #tpu.memory_space<vmem>>
    %dma_wait3A_87 = arith.constant 0 : i32
    %dma_wait3A_88 = arith.constant 0 : i32
    %dma_wait3A_89 = tpu.memref_slice %arg4[%dma_wait3A_87, %dma_wait3A_88] : memref<40500x128xf32, #tpu.memory_space<hbm>> -> memref<40500x128xf32, #tpu.memory_space<hbm>>
    tpu.wait_indirect_dma semaphore(%arg20 : memref<!tpu.dma_semaphore, #tpu.memory_space<semaphore_mem>>) src(%dma_wait3A_89 : memref<40500x128xf32, #tpu.memory_space<hbm>>) dst(%dma_wait3A_84 : memref<128x128xf32, #tpu.memory_space<vmem>>)
    %dma_wait3A_90 = arith.constant 128 : i32
    %dma_wait3A_91 = arith.constant 0 : i32
    %dma_wait3A_92 = tpu.memref_slice %arg12[%dma_wait3A_90, %dma_wait3A_91] : memref<256x128xf32, #tpu.memory_space<vmem>> -> memref<128x128xf32, #tpu.memory_space<vmem>>
    %dma_wait3A_93 = arith.constant 128 : i32
    %dma_wait3A_94 = tpu.memref_slice %arg11[%dma_wait3A_93] : memref<512xi32, #tpu.memory_space<vmem>> -> memref<128xi32, #tpu.memory_space<vmem>>
    %dma_wait3A_95 = arith.constant 0 : i32
    %dma_wait3A_96 = arith.constant 0 : i32
    %dma_wait3A_97 = tpu.memref_slice %arg4[%dma_wait3A_95, %dma_wait3A_96] : memref<40500x128xf32, #tpu.memory_space<hbm>> -> memref<40500x128xf32, #tpu.memory_space<hbm>>
    tpu.wait_indirect_dma semaphore(%arg20 : memref<!tpu.dma_semaphore, #tpu.memory_space<semaphore_mem>>) src(%dma_wait3A_97 : memref<40500x128xf32, #tpu.memory_space<hbm>>) dst(%dma_wait3A_92 : memref<128x128xf32, #tpu.memory_space<vmem>>)
    %parallel_loop3A_98 = arith.constant 0 : i32
    %parallel_loop3A_99 = arith.constant 16 : i32
    %parallel_loop3A_100 = arith.constant 1 : i32
    scf.for %parallel_loop3A_174 = %parallel_loop3A_98 to %parallel_loop3A_99 step %parallel_loop3A_100  : i32 {
      %parallel_loop3A_175 = arith.constant 16 : i32
      %parallel_loop3A_176 = arith.muli %parallel_loop3A_174, %parallel_loop3A_175 : i32
      %parallel_loop3A_177 = vector.broadcast %parallel_loop3A_176 : i32 to vector<16xi32>
      %parallel_loop3A_178 = arith.addi %iota3A, %parallel_loop3A_177 : vector<16xi32>
      %parallel_loop3A_179 = arith.constant 16 : i32
      %parallel_loop3A_180 = arith.muli %parallel_loop3A_174, %parallel_loop3A_179 : i32
      %parallel_loop3A_181 = arith.constant 0 : i32
      %parallel_loop3A_182 = vector.broadcast %parallel_loop3A_181 : i32 to vector<16xi32>
      %parallel_loop3A_183 = arith.subi %parallel_loop3A_178, %parallel_loop3A_182 : vector<16xi32>
      %parallel_loop3A_184 = arith.index_cast %parallel_loop3A_180 : i32 to index
      %parallel_loop3A_185 = tpu.vector_load %arg10[%parallel_loop3A_184] {strides = array<i32>} : memref<512xi32, #tpu.memory_space<vmem>>, vector<16xi32>,
      %parallel_loop3A_186 = tpu.vector_load_idx %arg12[%parallel_loop3A_183, %parallel_loop3A_185] : memref<256x128xf32, #tpu.memory_space<vmem>>[vector<16xi32>, vector<16xi32>], vector<16xf32>,
      %parallel_loop3A_187 = arith.constant 1 : i32
      %parallel_loop3A_188 = vector.broadcast %parallel_loop3A_187 : i32 to vector<16xi32>
      %parallel_loop3A_189 = arith.addi %parallel_loop3A_185, %parallel_loop3A_188 : vector<16xi32>
      %parallel_loop3A_190 = tpu.vector_load_idx %arg12[%parallel_loop3A_183, %parallel_loop3A_189] : memref<256x128xf32, #tpu.memory_space<vmem>>[vector<16xi32>, vector<16xi32>], vector<16xf32>,
      %parallel_loop3A_191 = arith.constant 2 : i32
      %parallel_loop3A_192 = vector.broadcast %parallel_loop3A_191 : i32 to vector<16xi32>
      %parallel_loop3A_193 = arith.addi %parallel_loop3A_185, %parallel_loop3A_192 : vector<16xi32>
      %parallel_loop3A_194 = tpu.vector_load_idx %arg12[%parallel_loop3A_183, %parallel_loop3A_193] : memref<256x128xf32, #tpu.memory_space<vmem>>[vector<16xi32>, vector<16xi32>], vector<16xf32>,
      %parallel_loop3A_195 = arith.constant 3 : i32
      %parallel_loop3A_196 = vector.broadcast %parallel_loop3A_195 : i32 to vector<16xi32>
      %parallel_loop3A_197 = arith.addi %parallel_loop3A_185, %parallel_loop3A_196 : vector<16xi32>
      %parallel_loop3A_198 = tpu.vector_load_idx %arg12[%parallel_loop3A_183, %parallel_loop3A_197] : memref<256x128xf32, #tpu.memory_space<vmem>>[vector<16xi32>, vector<16xi32>], vector<16xf32>,
      %parallel_loop3A_199 = arith.constant 4 : i32
      %parallel_loop3A_200 = vector.broadcast %parallel_loop3A_199 : i32 to vector<16xi32>
      %parallel_loop3A_201 = arith.muli %parallel_loop3A_178, %parallel_loop3A_200 : vector<16xi32>
      %parallel_loop3A_202 = tpu.vector_load_idx %arg8[%parallel_loop3A_201] : memref<2048xf32, #tpu.memory_space<vmem>>[vector<16xi32>], vector<16xf32>,
      %parallel_loop3A_203 = arith.constant 1 : i32
      %parallel_loop3A_204 = vector.broadcast %parallel_loop3A_203 : i32 to vector<16xi32>
      %parallel_loop3A_205 = arith.addi %parallel_loop3A_201, %parallel_loop3A_204 : vector<16xi32>
      %parallel_loop3A_206 = tpu.vector_load_idx %arg8[%parallel_loop3A_205] : memref<2048xf32, #tpu.memory_space<vmem>>[vector<16xi32>], vector<16xf32>,
      %parallel_loop3A_207 = arith.constant 2 : i32
      %parallel_loop3A_208 = vector.broadcast %parallel_loop3A_207 : i32 to vector<16xi32>
      %parallel_loop3A_209 = arith.addi %parallel_loop3A_201, %parallel_loop3A_208 : vector<16xi32>
      %parallel_loop3A_210 = tpu.vector_load_idx %arg8[%parallel_loop3A_209] : memref<2048xf32, #tpu.memory_space<vmem>>[vector<16xi32>], vector<16xf32>,
      %parallel_loop3A_211 = arith.constant 3 : i32
      %parallel_loop3A_212 = vector.broadcast %parallel_loop3A_211 : i32 to vector<16xi32>
      %parallel_loop3A_213 = arith.addi %parallel_loop3A_201, %parallel_loop3A_212 : vector<16xi32>
      %parallel_loop3A_214 = tpu.vector_load_idx %arg8[%parallel_loop3A_213] : memref<2048xf32, #tpu.memory_space<vmem>>[vector<16xi32>], vector<16xf32>,
      %parallel_loop3A_215 = arith.index_cast %parallel_loop3A_180 : i32 to index
      %parallel_loop3A_216 = tpu.vector_load %arg9[%parallel_loop3A_215] {strides = array<i32>} : memref<512xi32, #tpu.memory_space<vmem>>, vector<16xi32>,
      %parallel_loop3A_217 = arith.constant 5632 : i32
      %parallel_loop3A_218 = arith.addi %parallel_loop3A_217, %parallel_loop3A_180 : i32
      %parallel_loop3A_219 = arith.index_cast %parallel_loop3A_218 : i32 to index
      %parallel_loop3A_220 = tpu.vector_load %arg13[%parallel_loop3A_219] {strides = array<i32>} : memref<6144xf32, #tpu.memory_space<vmem>>, vector<16xf32>,
      %parallel_loop3A_221 = arith.subf %parallel_loop3A_210, %parallel_loop3A_202 : vector<16xf32>
      %parallel_loop3A_222 = arith.subf %parallel_loop3A_214, %parallel_loop3A_206 : vector<16xf32>
      %parallel_loop3A_223 = arith.constant 5.000000e-01 : f32
      %parallel_loop3A_224 = vector.broadcast %parallel_loop3A_223 : f32 to vector<16xf32>
      %parallel_loop3A_225 = arith.mulf %parallel_loop3A_224, %parallel_loop3A_221 : vector<16xf32>
      %parallel_loop3A_226 = arith.addf %parallel_loop3A_202, %parallel_loop3A_225 : vector<16xf32>
      %parallel_loop3A_227 = arith.constant 5.000000e-01 : f32
      %parallel_loop3A_228 = vector.broadcast %parallel_loop3A_227 : f32 to vector<16xf32>
      %parallel_loop3A_229 = arith.mulf %parallel_loop3A_228, %parallel_loop3A_222 : vector<16xf32>
      %parallel_loop3A_230 = arith.addf %parallel_loop3A_206, %parallel_loop3A_229 : vector<16xf32>
      %parallel_loop3A_231 = arith.mulf %parallel_loop3A_186, %parallel_loop3A_221 : vector<16xf32>
      %parallel_loop3A_232 = arith.addf %parallel_loop3A_226, %parallel_loop3A_231 : vector<16xf32>
      %parallel_loop3A_233 = arith.mulf %parallel_loop3A_190, %parallel_loop3A_222 : vector<16xf32>
      %parallel_loop3A_234 = arith.addf %parallel_loop3A_230, %parallel_loop3A_233 : vector<16xf32>
      %parallel_loop3A_235 = math.exp %parallel_loop3A_194 : vector<16xf32>
      %parallel_loop3A_236 = arith.mulf %parallel_loop3A_221, %parallel_loop3A_235 : vector<16xf32>
      %parallel_loop3A_237 = math.exp %parallel_loop3A_198 : vector<16xf32>
      %parallel_loop3A_238 = arith.mulf %parallel_loop3A_222, %parallel_loop3A_237 : vector<16xf32>
      %parallel_loop3A_239 = arith.constant 5.000000e-01 : f32
      %parallel_loop3A_240 = vector.broadcast %parallel_loop3A_239 : f32 to vector<16xf32>
      %parallel_loop3A_241 = arith.mulf %parallel_loop3A_240, %parallel_loop3A_236 : vector<16xf32>
      %parallel_loop3A_242 = arith.subf %parallel_loop3A_232, %parallel_loop3A_241 : vector<16xf32>
      %parallel_loop3A_243 = arith.constant 5.000000e-01 : f32
      %parallel_loop3A_244 = vector.broadcast %parallel_loop3A_243 : f32 to vector<16xf32>
      %parallel_loop3A_245 = arith.mulf %parallel_loop3A_244, %parallel_loop3A_238 : vector<16xf32>
      %parallel_loop3A_246 = arith.subf %parallel_loop3A_234, %parallel_loop3A_245 : vector<16xf32>
      %parallel_loop3A_247 = arith.addf %parallel_loop3A_242, %parallel_loop3A_236 : vector<16xf32>
      %parallel_loop3A_248 = arith.addf %parallel_loop3A_246, %parallel_loop3A_238 : vector<16xf32>
      %parallel_loop3A_249 = arith.maximumf %parallel_loop3A_242, %gather3A : vector<16xf32>
      %parallel_loop3A_250 = arith.minimumf %parallel_loop3A_249, %gather3A_59 : vector<16xf32>
      %parallel_loop3A_251 = arith.maximumf %parallel_loop3A_246, %gather3A_53 : vector<16xf32>
      %parallel_loop3A_252 = arith.minimumf %parallel_loop3A_251, %gather3A_65 : vector<16xf32>
      %parallel_loop3A_253 = arith.maximumf %parallel_loop3A_247, %gather3A : vector<16xf32>
      %parallel_loop3A_254 = arith.minimumf %parallel_loop3A_253, %gather3A_59 : vector<16xf32>
      %parallel_loop3A_255 = arith.maximumf %parallel_loop3A_248, %gather3A_53 : vector<16xf32>
      %parallel_loop3A_256 = arith.minimumf %parallel_loop3A_255, %gather3A_65 : vector<16xf32>
      %parallel_loop3A_257 = arith.constant 0 : i32
      %parallel_loop3A_258 = vector.broadcast %parallel_loop3A_257 : i32 to vector<16xi32>
      %parallel_loop3A_259 = arith.cmpi sgt, %parallel_loop3A_216, %parallel_loop3A_258 : vector<16xi32>
      %parallel_loop3A_260 = arith.constant 0.699999988 : f32
      %parallel_loop3A_261 = vector.broadcast %parallel_loop3A_260 : f32 to vector<16xf32>
      %parallel_loop3A_262 = arith.cmpf oge, %parallel_loop3A_220, %parallel_loop3A_261 : vector<16xf32>
      %parallel_loop3A_263 = arith.andi %parallel_loop3A_259, %parallel_loop3A_262 : vector<16xi1>
      %parallel_loop3A_264 = arith.constant -1.000000e+00 : f32
      %parallel_loop3A_265 = vector.broadcast %parallel_loop3A_264 : f32 to vector<16xf32>
      %parallel_loop3A_266 = arith.select %parallel_loop3A_263, %parallel_loop3A_220, %parallel_loop3A_265 : vector<16xi1>, vector<16xf32>
      %parallel_loop3A_267 = arith.sitofp %parallel_loop3A_216 : vector<16xi32> to vector<16xf32>
      %parallel_loop3A_268 = arith.constant 2.000000e+00 : f32
      %parallel_loop3A_269 = vector.broadcast %parallel_loop3A_268 : f32 to vector<16xf32>
      %parallel_loop3A_270 = arith.mulf %parallel_loop3A_267, %parallel_loop3A_269 : vector<16xf32>
      %parallel_loop3A_271 = arith.addf %parallel_loop3A_250, %parallel_loop3A_270 : vector<16xf32>
      %parallel_loop3A_272 = arith.addf %parallel_loop3A_252, %parallel_loop3A_270 : vector<16xf32>
      %parallel_loop3A_273 = arith.addf %parallel_loop3A_254, %parallel_loop3A_270 : vector<16xf32>
      %parallel_loop3A_274 = arith.addf %parallel_loop3A_256, %parallel_loop3A_270 : vector<16xf32>
      %parallel_loop3A_275 = arith.subf %parallel_loop3A_273, %parallel_loop3A_271 : vector<16xf32>
      %parallel_loop3A_276 = arith.subf %parallel_loop3A_274, %parallel_loop3A_272 : vector<16xf32>
      %parallel_loop3A_277 = arith.mulf %parallel_loop3A_275, %parallel_loop3A_276 : vector<16xf32>
      %parallel_loop3A_278 = arith.constant 0 : i32
      %parallel_loop3A_279 = arith.addi %parallel_loop3A_278, %parallel_loop3A_180 : i32
      %parallel_loop3A_280 = arith.index_cast %parallel_loop3A_279 : i32 to index
      %parallel_loop3A_281 = tpu.vector_load %arg13[%parallel_loop3A_280] {strides = array<i32>} : memref<6144xf32, #tpu.memory_space<vmem>>, vector<16xf32>,
      tpu.vector_store %arg13[%parallel_loop3A_280], %parallel_loop3A_271 {strides = array<i32>} : memref<6144xf32, #tpu.memory_space<vmem>>, vector<16xf32>,
      %parallel_loop3A_282 = arith.constant 512 : i32
      %parallel_loop3A_283 = arith.addi %parallel_loop3A_282, %parallel_loop3A_180 : i32
      %parallel_loop3A_284 = arith.index_cast %parallel_loop3A_283 : i32 to index
      %parallel_loop3A_285 = tpu.vector_load %arg13[%parallel_loop3A_284] {strides = array<i32>} : memref<6144xf32, #tpu.memory_space<vmem>>, vector<16xf32>,
      tpu.vector_store %arg13[%parallel_loop3A_284], %parallel_loop3A_272 {strides = array<i32>} : memref<6144xf32, #tpu.memory_space<vmem>>, vector<16xf32>,
      %parallel_loop3A_286 = arith.constant 1024 : i32
      %parallel_loop3A_287 = arith.addi %parallel_loop3A_286, %parallel_loop3A_180 : i32
      %parallel_loop3A_288 = arith.index_cast %parallel_loop3A_287 : i32 to index
      %parallel_loop3A_289 = tpu.vector_load %arg13[%parallel_loop3A_288] {strides = array<i32>} : memref<6144xf32, #tpu.memory_space<vmem>>, vector<16xf32>,
      tpu.vector_store %arg13[%parallel_loop3A_288], %parallel_loop3A_273 {strides = array<i32>} : memref<6144xf32, #tpu.memory_space<vmem>>, vector<16xf32>,
      %parallel_loop3A_290 = arith.constant 1536 : i32
      %parallel_loop3A_291 = arith.addi %parallel_loop3A_290, %parallel_loop3A_180 : i32
      %parallel_loop3A_292 = arith.index_cast %parallel_loop3A_291 : i32 to index
      %parallel_loop3A_293 = tpu.vector_load %arg13[%parallel_loop3A_292] {strides = array<i32>} : memref<6144xf32, #tpu.memory_space<vmem>>, vector<16xf32>,
      tpu.vector_store %arg13[%parallel_loop3A_292], %parallel_loop3A_274 {strides = array<i32>} : memref<6144xf32, #tpu.memory_space<vmem>>, vector<16xf32>,
      %parallel_loop3A_294 = arith.constant 2048 : i32
      %parallel_loop3A_295 = arith.addi %parallel_loop3A_294, %parallel_loop3A_180 : i32
      %parallel_loop3A_296 = arith.index_cast %parallel_loop3A_295 : i32 to index
      %parallel_loop3A_297 = tpu.vector_load %arg13[%parallel_loop3A_296] {strides = array<i32>} : memref<6144xf32, #tpu.memory_space<vmem>>, vector<16xf32>,
      tpu.vector_store %arg13[%parallel_loop3A_296], %parallel_loop3A_277 {strides = array<i32>} : memref<6144xf32, #tpu.memory_space<vmem>>, vector<16xf32>,
      %parallel_loop3A_298 = arith.constant 2560 : i32
      %parallel_loop3A_299 = arith.addi %parallel_loop3A_298, %parallel_loop3A_180 : i32
      %parallel_loop3A_300 = arith.index_cast %parallel_loop3A_299 : i32 to index
      %parallel_loop3A_301 = tpu.vector_load %arg13[%parallel_loop3A_300] {strides = array<i32>} : memref<6144xf32, #tpu.memory_space<vmem>>, vector<16xf32>,
      tpu.vector_store %arg13[%parallel_loop3A_300], %parallel_loop3A_266 {strides = array<i32>} : memref<6144xf32, #tpu.memory_space<vmem>>, vector<16xf32>,
      %parallel_loop3A_302 = arith.constant 3072 : i32
      %parallel_loop3A_303 = arith.addi %parallel_loop3A_302, %parallel_loop3A_180 : i32
      %parallel_loop3A_304 = arith.index_cast %parallel_loop3A_303 : i32 to index
      %parallel_loop3A_305 = tpu.vector_load %arg13[%parallel_loop3A_304] {strides = array<i32>} : memref<6144xf32, #tpu.memory_space<vmem>>, vector<16xf32>,
      tpu.vector_store %arg13[%parallel_loop3A_304], %parallel_loop3A_250 {strides = array<i32>} : memref<6144xf32, #tpu.memory_space<vmem>>, vector<16xf32>,
      %parallel_loop3A_306 = arith.constant 3584 : i32
      %parallel_loop3A_307 = arith.addi %parallel_loop3A_306, %parallel_loop3A_180 : i32
      %parallel_loop3A_308 = arith.index_cast %parallel_loop3A_307 : i32 to index
      %parallel_loop3A_309 = tpu.vector_load %arg13[%parallel_loop3A_308] {strides = array<i32>} : memref<6144xf32, #tpu.memory_space<vmem>>, vector<16xf32>,
      tpu.vector_store %arg13[%parallel_loop3A_308], %parallel_loop3A_252 {strides = array<i32>} : memref<6144xf32, #tpu.memory_space<vmem>>, vector<16xf32>,
      %parallel_loop3A_310 = arith.constant 4096 : i32
      %parallel_loop3A_311 = arith.addi %parallel_loop3A_310, %parallel_loop3A_180 : i32
      %parallel_loop3A_312 = arith.index_cast %parallel_loop3A_311 : i32 to index
      %parallel_loop3A_313 = tpu.vector_load %arg13[%parallel_loop3A_312] {strides = array<i32>} : memref<6144xf32, #tpu.memory_space<vmem>>, vector<16xf32>,
      tpu.vector_store %arg13[%parallel_loop3A_312], %parallel_loop3A_254 {strides = array<i32>} : memref<6144xf32, #tpu.memory_space<vmem>>, vector<16xf32>,
      %parallel_loop3A_314 = arith.constant 4608 : i32
      %parallel_loop3A_315 = arith.addi %parallel_loop3A_314, %parallel_loop3A_180 : i32
      %parallel_loop3A_316 = arith.index_cast %parallel_loop3A_315 : i32 to index
      %parallel_loop3A_317 = tpu.vector_load %arg13[%parallel_loop3A_316] {strides = array<i32>} : memref<6144xf32, #tpu.memory_space<vmem>>, vector<16xf32>,
      tpu.vector_store %arg13[%parallel_loop3A_316], %parallel_loop3A_256 {strides = array<i32>} : memref<6144xf32, #tpu.memory_space<vmem>>, vector<16xf32>,
      %parallel_loop3A_318 = arith.constant 5120 : i32
      %parallel_loop3A_319 = arith.addi %parallel_loop3A_318, %parallel_loop3A_180 : i32
      %parallel_loop3A_320 = arith.index_cast %parallel_loop3A_319 : i32 to index
      %parallel_loop3A_321 = tpu.vector_load %arg13[%parallel_loop3A_320] {strides = array<i32>} : memref<6144xf32, #tpu.memory_space<vmem>>, vector<16xf32>,
      tpu.vector_store %arg13[%parallel_loop3A_320], %parallel_loop3A_267 {strides = array<i32>} : memref<6144xf32, #tpu.memory_space<vmem>>, vector<16xf32>,
    } {sc.loop_unroll_factor = 2 : i64, sc.parallel_access}
    %dma_start3A_101 = arith.constant 0 : i32
    %dma_start3A_102 = arith.constant 0 : i32
    %dma_start3A_103 = tpu.memref_slice %arg12[%dma_start3A_101, %dma_start3A_102] : memref<256x128xf32, #tpu.memory_space<vmem>> -> memref<128x128xf32, #tpu.memory_space<vmem>>
    %dma_start3A_104 = arith.constant 256 : i32
    %dma_start3A_105 = tpu.memref_slice %arg11[%dma_start3A_104] : memref<512xi32, #tpu.memory_space<vmem>> -> memref<128xi32, #tpu.memory_space<vmem>>
    %dma_start3A_106 = arith.constant 0 : i32
    %dma_start3A_107 = arith.constant 0 : i32
    %dma_start3A_108 = tpu.memref_slice %arg4[%dma_start3A_106, %dma_start3A_107] : memref<40500x128xf32, #tpu.memory_space<hbm>> -> memref<40500x128xf32, #tpu.memory_space<hbm>>
    tpu.enqueue_indirect_dma source(%dma_start3A_108 : memref<40500x128xf32, #tpu.memory_space<hbm>>) target(%dma_start3A_103 : memref<128x128xf32, #tpu.memory_space<vmem>>) offsets(%dma_start3A_105 : memref<128xi32, #tpu.memory_space<vmem>>) semaphore(%arg20 : memref<!tpu.dma_semaphore, #tpu.memory_space<semaphore_mem>>)
    %dma_start3A_109 = arith.constant 128 : i32
    %dma_start3A_110 = arith.constant 0 : i32
    %dma_start3A_111 = tpu.memref_slice %arg12[%dma_start3A_109, %dma_start3A_110] : memref<256x128xf32, #tpu.memory_space<vmem>> -> memref<128x128xf32, #tpu.memory_space<vmem>>
    %dma_start3A_112 = arith.constant 384 : i32
    %dma_start3A_113 = tpu.memref_slice %arg11[%dma_start3A_112] : memref<512xi32, #tpu.memory_space<vmem>> -> memref<128xi32, #tpu.memory_space<vmem>>
    %dma_start3A_114 = arith.constant 0 : i32
    %dma_start3A_115 = arith.constant 0 : i32
    %dma_start3A_116 = tpu.memref_slice %arg4[%dma_start3A_114, %dma_start3A_115] : memref<40500x128xf32, #tpu.memory_space<hbm>> -> memref<40500x128xf32, #tpu.memory_space<hbm>>
    tpu.enqueue_indirect_dma source(%dma_start3A_116 : memref<40500x128xf32, #tpu.memory_space<hbm>>) target(%dma_start3A_111 : memref<128x128xf32, #tpu.memory_space<vmem>>) offsets(%dma_start3A_113 : memref<128xi32, #tpu.memory_space<vmem>>) semaphore(%arg20 : memref<!tpu.dma_semaphore, #tpu.memory_space<semaphore_mem>>)
    %dma_wait3A_117 = arith.constant 0 : i32
    %dma_wait3A_118 = arith.constant 0 : i32
    %dma_wait3A_119 = tpu.memref_slice %arg12[%dma_wait3A_117, %dma_wait3A_118] : memref<256x128xf32, #tpu.memory_space<vmem>> -> memref<128x128xf32, #tpu.memory_space<vmem>>
    %dma_wait3A_120 = arith.constant 256 : i32
    %dma_wait3A_121 = tpu.memref_slice %arg11[%dma_wait3A_120] : memref<512xi32, #tpu.memory_space<vmem>> -> memref<128xi32, #tpu.memory_space<vmem>>
    %dma_wait3A_122 = arith.constant 0 : i32
    %dma_wait3A_123 = arith.constant 0 : i32
    %dma_wait3A_124 = tpu.memref_slice %arg4[%dma_wait3A_122, %dma_wait3A_123] : memref<40500x128xf32, #tpu.memory_space<hbm>> -> memref<40500x128xf32, #tpu.memory_space<hbm>>
    tpu.wait_indirect_dma semaphore(%arg20 : memref<!tpu.dma_semaphore, #tpu.memory_space<semaphore_mem>>) src(%dma_wait3A_124 : memref<40500x128xf32, #tpu.memory_space<hbm>>) dst(%dma_wait3A_119 : memref<128x128xf32, #tpu.memory_space<vmem>>)
    %dma_wait3A_125 = arith.constant 128 : i32
    %dma_wait3A_126 = arith.constant 0 : i32
    %dma_wait3A_127 = tpu.memref_slice %arg12[%dma_wait3A_125, %dma_wait3A_126] : memref<256x128xf32, #tpu.memory_space<vmem>> -> memref<128x128xf32, #tpu.memory_space<vmem>>
    %dma_wait3A_128 = arith.constant 384 : i32
    %dma_wait3A_129 = tpu.memref_slice %arg11[%dma_wait3A_128] : memref<512xi32, #tpu.memory_space<vmem>> -> memref<128xi32, #tpu.memory_space<vmem>>
    %dma_wait3A_130 = arith.constant 0 : i32
    %dma_wait3A_131 = arith.constant 0 : i32
    %dma_wait3A_132 = tpu.memref_slice %arg4[%dma_wait3A_130, %dma_wait3A_131] : memref<40500x128xf32, #tpu.memory_space<hbm>> -> memref<40500x128xf32, #tpu.memory_space<hbm>>
    tpu.wait_indirect_dma semaphore(%arg20 : memref<!tpu.dma_semaphore, #tpu.memory_space<semaphore_mem>>) src(%dma_wait3A_132 : memref<40500x128xf32, #tpu.memory_space<hbm>>) dst(%dma_wait3A_127 : memref<128x128xf32, #tpu.memory_space<vmem>>)
    %parallel_loop3A_133 = arith.constant 16 : i32
    %parallel_loop3A_134 = arith.constant 32 : i32
    %parallel_loop3A_135 = arith.constant 1 : i32
    scf.for %parallel_loop3A_174 = %parallel_loop3A_133 to %parallel_loop3A_134 step %parallel_loop3A_135  : i32 {
      %parallel_loop3A_175 = arith.constant 16 : i32
      %parallel_loop3A_176 = arith.muli %parallel_loop3A_174, %parallel_loop3A_175 : i32
      %parallel_loop3A_177 = vector.broadcast %parallel_loop3A_176 : i32 to vector<16xi32>
      %parallel_loop3A_178 = arith.addi %iota3A, %parallel_loop3A_177 : vector<16xi32>
      %parallel_loop3A_179 = arith.constant 16 : i32
      %parallel_loop3A_180 = arith.muli %parallel_loop3A_174, %parallel_loop3A_179 : i32
      %parallel_loop3A_181 = arith.constant 256 : i32
      %parallel_loop3A_182 = vector.broadcast %parallel_loop3A_181 : i32 to vector<16xi32>
      %parallel_loop3A_183 = arith.subi %parallel_loop3A_178, %parallel_loop3A_182 : vector<16xi32>
      %parallel_loop3A_184 = arith.index_cast %parallel_loop3A_180 : i32 to index
      %parallel_loop3A_185 = tpu.vector_load %arg10[%parallel_loop3A_184] {strides = array<i32>} : memref<512xi32, #tpu.memory_space<vmem>>, vector<16xi32>,
      %parallel_loop3A_186 = tpu.vector_load_idx %arg12[%parallel_loop3A_183, %parallel_loop3A_185] : memref<256x128xf32, #tpu.memory_space<vmem>>[vector<16xi32>, vector<16xi32>], vector<16xf32>,
      %parallel_loop3A_187 = arith.constant 1 : i32
      %parallel_loop3A_188 = vector.broadcast %parallel_loop3A_187 : i32 to vector<16xi32>
      %parallel_loop3A_189 = arith.addi %parallel_loop3A_185, %parallel_loop3A_188 : vector<16xi32>
      %parallel_loop3A_190 = tpu.vector_load_idx %arg12[%parallel_loop3A_183, %parallel_loop3A_189] : memref<256x128xf32, #tpu.memory_space<vmem>>[vector<16xi32>, vector<16xi32>], vector<16xf32>,
      %parallel_loop3A_191 = arith.constant 2 : i32
      %parallel_loop3A_192 = vector.broadcast %parallel_loop3A_191 : i32 to vector<16xi32>
      %parallel_loop3A_193 = arith.addi %parallel_loop3A_185, %parallel_loop3A_192 : vector<16xi32>
      %parallel_loop3A_194 = tpu.vector_load_idx %arg12[%parallel_loop3A_183, %parallel_loop3A_193] : memref<256x128xf32, #tpu.memory_space<vmem>>[vector<16xi32>, vector<16xi32>], vector<16xf32>,
      %parallel_loop3A_195 = arith.constant 3 : i32
      %parallel_loop3A_196 = vector.broadcast %parallel_loop3A_195 : i32 to vector<16xi32>
      %parallel_loop3A_197 = arith.addi %parallel_loop3A_185, %parallel_loop3A_196 : vector<16xi32>
      %parallel_loop3A_198 = tpu.vector_load_idx %arg12[%parallel_loop3A_183, %parallel_loop3A_197] : memref<256x128xf32, #tpu.memory_space<vmem>>[vector<16xi32>, vector<16xi32>], vector<16xf32>,
      %parallel_loop3A_199 = arith.constant 4 : i32
      %parallel_loop3A_200 = vector.broadcast %parallel_loop3A_199 : i32 to vector<16xi32>
      %parallel_loop3A_201 = arith.muli %parallel_loop3A_178, %parallel_loop3A_200 : vector<16xi32>
      %parallel_loop3A_202 = tpu.vector_load_idx %arg8[%parallel_loop3A_201] : memref<2048xf32, #tpu.memory_space<vmem>>[vector<16xi32>], vector<16xf32>,
      %parallel_loop3A_203 = arith.constant 1 : i32
      %parallel_loop3A_204 = vector.broadcast %parallel_loop3A_203 : i32 to vector<16xi32>
      %parallel_loop3A_205 = arith.addi %parallel_loop3A_201, %parallel_loop3A_204 : vector<16xi32>
      %parallel_loop3A_206 = tpu.vector_load_idx %arg8[%parallel_loop3A_205] : memref<2048xf32, #tpu.memory_space<vmem>>[vector<16xi32>], vector<16xf32>,
      %parallel_loop3A_207 = arith.constant 2 : i32
      %parallel_loop3A_208 = vector.broadcast %parallel_loop3A_207 : i32 to vector<16xi32>
      %parallel_loop3A_209 = arith.addi %parallel_loop3A_201, %parallel_loop3A_208 : vector<16xi32>
      %parallel_loop3A_210 = tpu.vector_load_idx %arg8[%parallel_loop3A_209] : memref<2048xf32, #tpu.memory_space<vmem>>[vector<16xi32>], vector<16xf32>,
      %parallel_loop3A_211 = arith.constant 3 : i32
      %parallel_loop3A_212 = vector.broadcast %parallel_loop3A_211 : i32 to vector<16xi32>
      %parallel_loop3A_213 = arith.addi %parallel_loop3A_201, %parallel_loop3A_212 : vector<16xi32>
      %parallel_loop3A_214 = tpu.vector_load_idx %arg8[%parallel_loop3A_213] : memref<2048xf32, #tpu.memory_space<vmem>>[vector<16xi32>], vector<16xf32>,
      %parallel_loop3A_215 = arith.index_cast %parallel_loop3A_180 : i32 to index
      %parallel_loop3A_216 = tpu.vector_load %arg9[%parallel_loop3A_215] {strides = array<i32>} : memref<512xi32, #tpu.memory_space<vmem>>, vector<16xi32>,
      %parallel_loop3A_217 = arith.constant 5632 : i32
      %parallel_loop3A_218 = arith.addi %parallel_loop3A_217, %parallel_loop3A_180 : i32
      %parallel_loop3A_219 = arith.index_cast %parallel_loop3A_218 : i32 to index
      %parallel_loop3A_220 = tpu.vector_load %arg13[%parallel_loop3A_219] {strides = array<i32>} : memref<6144xf32, #tpu.memory_space<vmem>>, vector<16xf32>,
      %parallel_loop3A_221 = arith.subf %parallel_loop3A_210, %parallel_loop3A_202 : vector<16xf32>
      %parallel_loop3A_222 = arith.subf %parallel_loop3A_214, %parallel_loop3A_206 : vector<16xf32>
      %parallel_loop3A_223 = arith.constant 5.000000e-01 : f32
      %parallel_loop3A_224 = vector.broadcast %parallel_loop3A_223 : f32 to vector<16xf32>
      %parallel_loop3A_225 = arith.mulf %parallel_loop3A_224, %parallel_loop3A_221 : vector<16xf32>
      %parallel_loop3A_226 = arith.addf %parallel_loop3A_202, %parallel_loop3A_225 : vector<16xf32>
      %parallel_loop3A_227 = arith.constant 5.000000e-01 : f32
      %parallel_loop3A_228 = vector.broadcast %parallel_loop3A_227 : f32 to vector<16xf32>
      %parallel_loop3A_229 = arith.mulf %parallel_loop3A_228, %parallel_loop3A_222 : vector<16xf32>
      %parallel_loop3A_230 = arith.addf %parallel_loop3A_206, %parallel_loop3A_229 : vector<16xf32>
      %parallel_loop3A_231 = arith.mulf %parallel_loop3A_186, %parallel_loop3A_221 : vector<16xf32>
      %parallel_loop3A_232 = arith.addf %parallel_loop3A_226, %parallel_loop3A_231 : vector<16xf32>
      %parallel_loop3A_233 = arith.mulf %parallel_loop3A_190, %parallel_loop3A_222 : vector<16xf32>
      %parallel_loop3A_234 = arith.addf %parallel_loop3A_230, %parallel_loop3A_233 : vector<16xf32>
      %parallel_loop3A_235 = math.exp %parallel_loop3A_194 : vector<16xf32>
      %parallel_loop3A_236 = arith.mulf %parallel_loop3A_221, %parallel_loop3A_235 : vector<16xf32>
      %parallel_loop3A_237 = math.exp %parallel_loop3A_198 : vector<16xf32>
      %parallel_loop3A_238 = arith.mulf %parallel_loop3A_222, %parallel_loop3A_237 : vector<16xf32>
      %parallel_loop3A_239 = arith.constant 5.000000e-01 : f32
      %parallel_loop3A_240 = vector.broadcast %parallel_loop3A_239 : f32 to vector<16xf32>
      %parallel_loop3A_241 = arith.mulf %parallel_loop3A_240, %parallel_loop3A_236 : vector<16xf32>
      %parallel_loop3A_242 = arith.subf %parallel_loop3A_232, %parallel_loop3A_241 : vector<16xf32>
      %parallel_loop3A_243 = arith.constant 5.000000e-01 : f32
      %parallel_loop3A_244 = vector.broadcast %parallel_loop3A_243 : f32 to vector<16xf32>
      %parallel_loop3A_245 = arith.mulf %parallel_loop3A_244, %parallel_loop3A_238 : vector<16xf32>
      %parallel_loop3A_246 = arith.subf %parallel_loop3A_234, %parallel_loop3A_245 : vector<16xf32>
      %parallel_loop3A_247 = arith.addf %parallel_loop3A_242, %parallel_loop3A_236 : vector<16xf32>
      %parallel_loop3A_248 = arith.addf %parallel_loop3A_246, %parallel_loop3A_238 : vector<16xf32>
      %parallel_loop3A_249 = arith.maximumf %parallel_loop3A_242, %gather3A : vector<16xf32>
      %parallel_loop3A_250 = arith.minimumf %parallel_loop3A_249, %gather3A_59 : vector<16xf32>
      %parallel_loop3A_251 = arith.maximumf %parallel_loop3A_246, %gather3A_53 : vector<16xf32>
      %parallel_loop3A_252 = arith.minimumf %parallel_loop3A_251, %gather3A_65 : vector<16xf32>
      %parallel_loop3A_253 = arith.maximumf %parallel_loop3A_247, %gather3A : vector<16xf32>
      %parallel_loop3A_254 = arith.minimumf %parallel_loop3A_253, %gather3A_59 : vector<16xf32>
      %parallel_loop3A_255 = arith.maximumf %parallel_loop3A_248, %gather3A_53 : vector<16xf32>
      %parallel_loop3A_256 = arith.minimumf %parallel_loop3A_255, %gather3A_65 : vector<16xf32>
      %parallel_loop3A_257 = arith.constant 0 : i32
      %parallel_loop3A_258 = vector.broadcast %parallel_loop3A_257 : i32 to vector<16xi32>
      %parallel_loop3A_259 = arith.cmpi sgt, %parallel_loop3A_216, %parallel_loop3A_258 : vector<16xi32>
      %parallel_loop3A_260 = arith.constant 0.699999988 : f32
      %parallel_loop3A_261 = vector.broadcast %parallel_loop3A_260 : f32 to vector<16xf32>
      %parallel_loop3A_262 = arith.cmpf oge, %parallel_loop3A_220, %parallel_loop3A_261 : vector<16xf32>
      %parallel_loop3A_263 = arith.andi %parallel_loop3A_259, %parallel_loop3A_262 : vector<16xi1>
      %parallel_loop3A_264 = arith.constant -1.000000e+00 : f32
      %parallel_loop3A_265 = vector.broadcast %parallel_loop3A_264 : f32 to vector<16xf32>
      %parallel_loop3A_266 = arith.select %parallel_loop3A_263, %parallel_loop3A_220, %parallel_loop3A_265 : vector<16xi1>, vector<16xf32>
      %parallel_loop3A_267 = arith.sitofp %parallel_loop3A_216 : vector<16xi32> to vector<16xf32>
      %parallel_loop3A_268 = arith.constant 2.000000e+00 : f32
      %parallel_loop3A_269 = vector.broadcast %parallel_loop3A_268 : f32 to vector<16xf32>
      %parallel_loop3A_270 = arith.mulf %parallel_loop3A_267, %parallel_loop3A_269 : vector<16xf32>
      %parallel_loop3A_271 = arith.addf %parallel_loop3A_250, %parallel_loop3A_270 : vector<16xf32>
      %parallel_loop3A_272 = arith.addf %parallel_loop3A_252, %parallel_loop3A_270 : vector<16xf32>
      %parallel_loop3A_273 = arith.addf %parallel_loop3A_254, %parallel_loop3A_270 : vector<16xf32>
      %parallel_loop3A_274 = arith.addf %parallel_loop3A_256, %parallel_loop3A_270 : vector<16xf32>
      %parallel_loop3A_275 = arith.subf %parallel_loop3A_273, %parallel_loop3A_271 : vector<16xf32>
      %parallel_loop3A_276 = arith.subf %parallel_loop3A_274, %parallel_loop3A_272 : vector<16xf32>
      %parallel_loop3A_277 = arith.mulf %parallel_loop3A_275, %parallel_loop3A_276 : vector<16xf32>
      %parallel_loop3A_278 = arith.constant 0 : i32
      %parallel_loop3A_279 = arith.addi %parallel_loop3A_278, %parallel_loop3A_180 : i32
      %parallel_loop3A_280 = arith.index_cast %parallel_loop3A_279 : i32 to index
      %parallel_loop3A_281 = tpu.vector_load %arg13[%parallel_loop3A_280] {strides = array<i32>} : memref<6144xf32, #tpu.memory_space<vmem>>, vector<16xf32>,
      tpu.vector_store %arg13[%parallel_loop3A_280], %parallel_loop3A_271 {strides = array<i32>} : memref<6144xf32, #tpu.memory_space<vmem>>, vector<16xf32>,
      %parallel_loop3A_282 = arith.constant 512 : i32
      %parallel_loop3A_283 = arith.addi %parallel_loop3A_282, %parallel_loop3A_180 : i32
      %parallel_loop3A_284 = arith.index_cast %parallel_loop3A_283 : i32 to index
      %parallel_loop3A_285 = tpu.vector_load %arg13[%parallel_loop3A_284] {strides = array<i32>} : memref<6144xf32, #tpu.memory_space<vmem>>, vector<16xf32>,
      tpu.vector_store %arg13[%parallel_loop3A_284], %parallel_loop3A_272 {strides = array<i32>} : memref<6144xf32, #tpu.memory_space<vmem>>, vector<16xf32>,
      %parallel_loop3A_286 = arith.constant 1024 : i32
      %parallel_loop3A_287 = arith.addi %parallel_loop3A_286, %parallel_loop3A_180 : i32
      %parallel_loop3A_288 = arith.index_cast %parallel_loop3A_287 : i32 to index
      %parallel_loop3A_289 = tpu.vector_load %arg13[%parallel_loop3A_288] {strides = array<i32>} : memref<6144xf32, #tpu.memory_space<vmem>>, vector<16xf32>,
      tpu.vector_store %arg13[%parallel_loop3A_288], %parallel_loop3A_273 {strides = array<i32>} : memref<6144xf32, #tpu.memory_space<vmem>>, vector<16xf32>,
      %parallel_loop3A_290 = arith.constant 1536 : i32
      %parallel_loop3A_291 = arith.addi %parallel_loop3A_290, %parallel_loop3A_180 : i32
      %parallel_loop3A_292 = arith.index_cast %parallel_loop3A_291 : i32 to index
      %parallel_loop3A_293 = tpu.vector_load %arg13[%parallel_loop3A_292] {strides = array<i32>} : memref<6144xf32, #tpu.memory_space<vmem>>, vector<16xf32>,
      tpu.vector_store %arg13[%parallel_loop3A_292], %parallel_loop3A_274 {strides = array<i32>} : memref<6144xf32, #tpu.memory_space<vmem>>, vector<16xf32>,
      %parallel_loop3A_294 = arith.constant 2048 : i32
      %parallel_loop3A_295 = arith.addi %parallel_loop3A_294, %parallel_loop3A_180 : i32
      %parallel_loop3A_296 = arith.index_cast %parallel_loop3A_295 : i32 to index
      %parallel_loop3A_297 = tpu.vector_load %arg13[%parallel_loop3A_296] {strides = array<i32>} : memref<6144xf32, #tpu.memory_space<vmem>>, vector<16xf32>,
      tpu.vector_store %arg13[%parallel_loop3A_296], %parallel_loop3A_277 {strides = array<i32>} : memref<6144xf32, #tpu.memory_space<vmem>>, vector<16xf32>,
      %parallel_loop3A_298 = arith.constant 2560 : i32
      %parallel_loop3A_299 = arith.addi %parallel_loop3A_298, %parallel_loop3A_180 : i32
      %parallel_loop3A_300 = arith.index_cast %parallel_loop3A_299 : i32 to index
      %parallel_loop3A_301 = tpu.vector_load %arg13[%parallel_loop3A_300] {strides = array<i32>} : memref<6144xf32, #tpu.memory_space<vmem>>, vector<16xf32>,
      tpu.vector_store %arg13[%parallel_loop3A_300], %parallel_loop3A_266 {strides = array<i32>} : memref<6144xf32, #tpu.memory_space<vmem>>, vector<16xf32>,
      %parallel_loop3A_302 = arith.constant 3072 : i32
      %parallel_loop3A_303 = arith.addi %parallel_loop3A_302, %parallel_loop3A_180 : i32
      %parallel_loop3A_304 = arith.index_cast %parallel_loop3A_303 : i32 to index
      %parallel_loop3A_305 = tpu.vector_load %arg13[%parallel_loop3A_304] {strides = array<i32>} : memref<6144xf32, #tpu.memory_space<vmem>>, vector<16xf32>,
      tpu.vector_store %arg13[%parallel_loop3A_304], %parallel_loop3A_250 {strides = array<i32>} : memref<6144xf32, #tpu.memory_space<vmem>>, vector<16xf32>,
      %parallel_loop3A_306 = arith.constant 3584 : i32
      %parallel_loop3A_307 = arith.addi %parallel_loop3A_306, %parallel_loop3A_180 : i32
      %parallel_loop3A_308 = arith.index_cast %parallel_loop3A_307 : i32 to index
      %parallel_loop3A_309 = tpu.vector_load %arg13[%parallel_loop3A_308] {strides = array<i32>} : memref<6144xf32, #tpu.memory_space<vmem>>, vector<16xf32>,
      tpu.vector_store %arg13[%parallel_loop3A_308], %parallel_loop3A_252 {strides = array<i32>} : memref<6144xf32, #tpu.memory_space<vmem>>, vector<16xf32>,
      %parallel_loop3A_310 = arith.constant 4096 : i32
      %parallel_loop3A_311 = arith.addi %parallel_loop3A_310, %parallel_loop3A_180 : i32
      %parallel_loop3A_312 = arith.index_cast %parallel_loop3A_311 : i32 to index
      %parallel_loop3A_313 = tpu.vector_load %arg13[%parallel_loop3A_312] {strides = array<i32>} : memref<6144xf32, #tpu.memory_space<vmem>>, vector<16xf32>,
      tpu.vector_store %arg13[%parallel_loop3A_312], %parallel_loop3A_254 {strides = array<i32>} : memref<6144xf32, #tpu.memory_space<vmem>>, vector<16xf32>,
      %parallel_loop3A_314 = arith.constant 4608 : i32
      %parallel_loop3A_315 = arith.addi %parallel_loop3A_314, %parallel_loop3A_180 : i32
      %parallel_loop3A_316 = arith.index_cast %parallel_loop3A_315 : i32 to index
      %parallel_loop3A_317 = tpu.vector_load %arg13[%parallel_loop3A_316] {strides = array<i32>} : memref<6144xf32, #tpu.memory_space<vmem>>, vector<16xf32>,
      tpu.vector_store %arg13[%parallel_loop3A_316], %parallel_loop3A_256 {strides = array<i32>} : memref<6144xf32, #tpu.memory_space<vmem>>, vector<16xf32>,
      %parallel_loop3A_318 = arith.constant 5120 : i32
      %parallel_loop3A_319 = arith.addi %parallel_loop3A_318, %parallel_loop3A_180 : i32
      %parallel_loop3A_320 = arith.index_cast %parallel_loop3A_319 : i32 to index
      %parallel_loop3A_321 = tpu.vector_load %arg13[%parallel_loop3A_320] {strides = array<i32>} : memref<6144xf32, #tpu.memory_space<vmem>>, vector<16xf32>,
      tpu.vector_store %arg13[%parallel_loop3A_320], %parallel_loop3A_267 {strides = array<i32>} : memref<6144xf32, #tpu.memory_space<vmem>>, vector<16xf32>,
    } {sc.loop_unroll_factor = 2 : i64, sc.parallel_access}
    %mul3A_136 = arith.constant 512 : i32
    %mul3A_137 = arith.muli %select_n3A_28, %mul3A_136 : i32
    %run_scoped3A = arith.constant 0 : i32
    "tpu.region"() ({
      %run_scoped3A_174 = tpu.sem_alloc : memref<!tpu.dma_semaphore, #tpu.memory_space<semaphore_mem>>
      %dma_start3A_175 = arith.constant 0 : i32
      %dma_start3A_176 = tpu.memref_slice %arg13[%dma_start3A_175] : memref<6144xf32, #tpu.memory_space<vmem>> -> memref<512xf32, #tpu.memory_space<vmem>>
      %dma_start3A_177 = tpu.memref_slice %arg15[%run_scoped3A, %select_n3A, %mul3A_137] : memref<12x4x2048xf32, #tpu.memory_space<vmem_shared>> -> memref<1x1x512xf32, #tpu.memory_space<vmem_shared>>
      %dma_start3A_178 = tpu.memref_squeeze %dma_start3A_177 : memref<1x1x512xf32, #tpu.memory_space<vmem_shared>> -> memref<512xf32, #tpu.memory_space<vmem_shared>>
      %dma_start3A_179 = tpu.memref_slice %arg15[%run_scoped3A, %select_n3A, %mul3A_137] : memref<12x4x2048xf32, #tpu.memory_space<vmem_shared>> -> memref<1x1x512xf32, #tpu.memory_space<vmem_shared>>
      %dma_start3A_180 = tpu.memref_squeeze %dma_start3A_179 : memref<1x1x512xf32, #tpu.memory_space<vmem_shared>> -> memref<512xf32, #tpu.memory_space<vmem_shared>>
      %dma_start3A_181 = arith.constant 0 : i32
      %dma_start3A_182 = tpu.memref_slice %arg13[%dma_start3A_181] : memref<6144xf32, #tpu.memory_space<vmem>> -> memref<512xf32, #tpu.memory_space<vmem>>
      tpu.enqueue_dma source(%dma_start3A_182 : memref<512xf32, #tpu.memory_space<vmem>>) target(%dma_start3A_180 : memref<512xf32, #tpu.memory_space<vmem_shared>>) target_semaphore(%run_scoped3A_174 : memref<!tpu.dma_semaphore, #tpu.memory_space<semaphore_mem>>)
      %dma_wait3A_183 = arith.constant 0 : i32
      %dma_wait3A_184 = tpu.memref_slice %arg13[%dma_wait3A_183] : memref<6144xf32, #tpu.memory_space<vmem>> -> memref<512xf32, #tpu.memory_space<vmem>>
      %dma_wait3A_185 = tpu.memref_slice %arg15[%run_scoped3A, %select_n3A, %mul3A_137] : memref<12x4x2048xf32, #tpu.memory_space<vmem_shared>> -> memref<1x1x512xf32, #tpu.memory_space<vmem_shared>>
      %dma_wait3A_186 = tpu.memref_squeeze %dma_wait3A_185 : memref<1x1x512xf32, #tpu.memory_space<vmem_shared>> -> memref<512xf32, #tpu.memory_space<vmem_shared>>
      %dma_wait3A_187 = tpu.memref_slice %arg15[%run_scoped3A, %select_n3A, %mul3A_137] : memref<12x4x2048xf32, #tpu.memory_space<vmem_shared>> -> memref<1x1x512xf32, #tpu.memory_space<vmem_shared>>
      %dma_wait3A_188 = tpu.memref_squeeze %dma_wait3A_187 : memref<1x1x512xf32, #tpu.memory_space<vmem_shared>> -> memref<512xf32, #tpu.memory_space<vmem_shared>>
      %dma_wait3A_189 = arith.constant 0 : i32
      %dma_wait3A_190 = tpu.memref_slice %arg13[%dma_wait3A_189] : memref<6144xf32, #tpu.memory_space<vmem>> -> memref<512xf32, #tpu.memory_space<vmem>>
      tpu.wait_dma2 semaphore(%run_scoped3A_174 : memref<!tpu.dma_semaphore, #tpu.memory_space<semaphore_mem>>) src(%dma_wait3A_190 : memref<512xf32, #tpu.memory_space<vmem>>) dst(%dma_wait3A_188 : memref<512xf32, #tpu.memory_space<vmem_shared>>)
      tpu.yield
    }) : () -> ()
    %mul3A_138 = arith.constant 512 : i32
    %mul3A_139 = arith.muli %select_n3A_28, %mul3A_138 : i32
    %run_scoped3A_140 = arith.constant 1 : i32
    "tpu.region"() ({
      %run_scoped3A_174 = tpu.sem_alloc : memref<!tpu.dma_semaphore, #tpu.memory_space<semaphore_mem>>
      %dma_start3A_175 = arith.constant 512 : i32
      %dma_start3A_176 = tpu.memref_slice %arg13[%dma_start3A_175] : memref<6144xf32, #tpu.memory_space<vmem>> -> memref<512xf32, #tpu.memory_space<vmem>>
      %dma_start3A_177 = tpu.memref_slice %arg15[%run_scoped3A_140, %select_n3A, %mul3A_139] : memref<12x4x2048xf32, #tpu.memory_space<vmem_shared>> -> memref<1x1x512xf32, #tpu.memory_space<vmem_shared>>
      %dma_start3A_178 = tpu.memref_squeeze %dma_start3A_177 : memref<1x1x512xf32, #tpu.memory_space<vmem_shared>> -> memref<512xf32, #tpu.memory_space<vmem_shared>>
      %dma_start3A_179 = tpu.memref_slice %arg15[%run_scoped3A_140, %select_n3A, %mul3A_139] : memref<12x4x2048xf32, #tpu.memory_space<vmem_shared>> -> memref<1x1x512xf32, #tpu.memory_space<vmem_shared>>
      %dma_start3A_180 = tpu.memref_squeeze %dma_start3A_179 : memref<1x1x512xf32, #tpu.memory_space<vmem_shared>> -> memref<512xf32, #tpu.memory_space<vmem_shared>>
      %dma_start3A_181 = arith.constant 512 : i32
      %dma_start3A_182 = tpu.memref_slice %arg13[%dma_start3A_181] : memref<6144xf32, #tpu.memory_space<vmem>> -> memref<512xf32, #tpu.memory_space<vmem>>
      tpu.enqueue_dma source(%dma_start3A_182 : memref<512xf32, #tpu.memory_space<vmem>>) target(%dma_start3A_180 : memref<512xf32, #tpu.memory_space<vmem_shared>>) target_semaphore(%run_scoped3A_174 : memref<!tpu.dma_semaphore, #tpu.memory_space<semaphore_mem>>)
      %dma_wait3A_183 = arith.constant 512 : i32
      %dma_wait3A_184 = tpu.memref_slice %arg13[%dma_wait3A_183] : memref<6144xf32, #tpu.memory_space<vmem>> -> memref<512xf32, #tpu.memory_space<vmem>>
      %dma_wait3A_185 = tpu.memref_slice %arg15[%run_scoped3A_140, %select_n3A, %mul3A_139] : memref<12x4x2048xf32, #tpu.memory_space<vmem_shared>> -> memref<1x1x512xf32, #tpu.memory_space<vmem_shared>>
      %dma_wait3A_186 = tpu.memref_squeeze %dma_wait3A_185 : memref<1x1x512xf32, #tpu.memory_space<vmem_shared>> -> memref<512xf32, #tpu.memory_space<vmem_shared>>
      %dma_wait3A_187 = tpu.memref_slice %arg15[%run_scoped3A_140, %select_n3A, %mul3A_139] : memref<12x4x2048xf32, #tpu.memory_space<vmem_shared>> -> memref<1x1x512xf32, #tpu.memory_space<vmem_shared>>
      %dma_wait3A_188 = tpu.memref_squeeze %dma_wait3A_187 : memref<1x1x512xf32, #tpu.memory_space<vmem_shared>> -> memref<512xf32, #tpu.memory_space<vmem_shared>>
      %dma_wait3A_189 = arith.constant 512 : i32
      %dma_wait3A_190 = tpu.memref_slice %arg13[%dma_wait3A_189] : memref<6144xf32, #tpu.memory_space<vmem>> -> memref<512xf32, #tpu.memory_space<vmem>>
      tpu.wait_dma2 semaphore(%run_scoped3A_174 : memref<!tpu.dma_semaphore, #tpu.memory_space<semaphore_mem>>) src(%dma_wait3A_190 : memref<512xf32, #tpu.memory_space<vmem>>) dst(%dma_wait3A_188 : memref<512xf32, #tpu.memory_space<vmem_shared>>)
      tpu.yield
    }) : () -> ()
    %mul3A_141 = arith.constant 512 : i32
    %mul3A_142 = arith.muli %select_n3A_28, %mul3A_141 : i32
    %run_scoped3A_143 = arith.constant 2 : i32
    "tpu.region"() ({
      %run_scoped3A_174 = tpu.sem_alloc : memref<!tpu.dma_semaphore, #tpu.memory_space<semaphore_mem>>
      %dma_start3A_175 = arith.constant 1024 : i32
      %dma_start3A_176 = tpu.memref_slice %arg13[%dma_start3A_175] : memref<6144xf32, #tpu.memory_space<vmem>> -> memref<512xf32, #tpu.memory_space<vmem>>
      %dma_start3A_177 = tpu.memref_slice %arg15[%run_scoped3A_143, %select_n3A, %mul3A_142] : memref<12x4x2048xf32, #tpu.memory_space<vmem_shared>> -> memref<1x1x512xf32, #tpu.memory_space<vmem_shared>>
      %dma_start3A_178 = tpu.memref_squeeze %dma_start3A_177 : memref<1x1x512xf32, #tpu.memory_space<vmem_shared>> -> memref<512xf32, #tpu.memory_space<vmem_shared>>
      %dma_start3A_179 = tpu.memref_slice %arg15[%run_scoped3A_143, %select_n3A, %mul3A_142] : memref<12x4x2048xf32, #tpu.memory_space<vmem_shared>> -> memref<1x1x512xf32, #tpu.memory_space<vmem_shared>>
      %dma_start3A_180 = tpu.memref_squeeze %dma_start3A_179 : memref<1x1x512xf32, #tpu.memory_space<vmem_shared>> -> memref<512xf32, #tpu.memory_space<vmem_shared>>
      %dma_start3A_181 = arith.constant 1024 : i32
      %dma_start3A_182 = tpu.memref_slice %arg13[%dma_start3A_181] : memref<6144xf32, #tpu.memory_space<vmem>> -> memref<512xf32, #tpu.memory_space<vmem>>
      tpu.enqueue_dma source(%dma_start3A_182 : memref<512xf32, #tpu.memory_space<vmem>>) target(%dma_start3A_180 : memref<512xf32, #tpu.memory_space<vmem_shared>>) target_semaphore(%run_scoped3A_174 : memref<!tpu.dma_semaphore, #tpu.memory_space<semaphore_mem>>)
      %dma_wait3A_183 = arith.constant 1024 : i32
      %dma_wait3A_184 = tpu.memref_slice %arg13[%dma_wait3A_183] : memref<6144xf32, #tpu.memory_space<vmem>> -> memref<512xf32, #tpu.memory_space<vmem>>
      %dma_wait3A_185 = tpu.memref_slice %arg15[%run_scoped3A_143, %select_n3A, %mul3A_142] : memref<12x4x2048xf32, #tpu.memory_space<vmem_shared>> -> memref<1x1x512xf32, #tpu.memory_space<vmem_shared>>
      %dma_wait3A_186 = tpu.memref_squeeze %dma_wait3A_185 : memref<1x1x512xf32, #tpu.memory_space<vmem_shared>> -> memref<512xf32, #tpu.memory_space<vmem_shared>>
      %dma_wait3A_187 = tpu.memref_slice %arg15[%run_scoped3A_143, %select_n3A, %mul3A_142] : memref<12x4x2048xf32, #tpu.memory_space<vmem_shared>> -> memref<1x1x512xf32, #tpu.memory_space<vmem_shared>>
      %dma_wait3A_188 = tpu.memref_squeeze %dma_wait3A_187 : memref<1x1x512xf32, #tpu.memory_space<vmem_shared>> -> memref<512xf32, #tpu.memory_space<vmem_shared>>
      %dma_wait3A_189 = arith.constant 1024 : i32
      %dma_wait3A_190 = tpu.memref_slice %arg13[%dma_wait3A_189] : memref<6144xf32, #tpu.memory_space<vmem>> -> memref<512xf32, #tpu.memory_space<vmem>>
      tpu.wait_dma2 semaphore(%run_scoped3A_174 : memref<!tpu.dma_semaphore, #tpu.memory_space<semaphore_mem>>) src(%dma_wait3A_190 : memref<512xf32, #tpu.memory_space<vmem>>) dst(%dma_wait3A_188 : memref<512xf32, #tpu.memory_space<vmem_shared>>)
      tpu.yield
    }) : () -> ()
    %mul3A_144 = arith.constant 512 : i32
    %mul3A_145 = arith.muli %select_n3A_28, %mul3A_144 : i32
    %run_scoped3A_146 = arith.constant 3 : i32
    "tpu.region"() ({
      %run_scoped3A_174 = tpu.sem_alloc : memref<!tpu.dma_semaphore, #tpu.memory_space<semaphore_mem>>
      %dma_start3A_175 = arith.constant 1536 : i32
      %dma_start3A_176 = tpu.memref_slice %arg13[%dma_start3A_175] : memref<6144xf32, #tpu.memory_space<vmem>> -> memref<512xf32, #tpu.memory_space<vmem>>
      %dma_start3A_177 = tpu.memref_slice %arg15[%run_scoped3A_146, %select_n3A, %mul3A_145] : memref<12x4x2048xf32, #tpu.memory_space<vmem_shared>> -> memref<1x1x512xf32, #tpu.memory_space<vmem_shared>>
      %dma_start3A_178 = tpu.memref_squeeze %dma_start3A_177 : memref<1x1x512xf32, #tpu.memory_space<vmem_shared>> -> memref<512xf32, #tpu.memory_space<vmem_shared>>
      %dma_start3A_179 = tpu.memref_slice %arg15[%run_scoped3A_146, %select_n3A, %mul3A_145] : memref<12x4x2048xf32, #tpu.memory_space<vmem_shared>> -> memref<1x1x512xf32, #tpu.memory_space<vmem_shared>>
      %dma_start3A_180 = tpu.memref_squeeze %dma_start3A_179 : memref<1x1x512xf32, #tpu.memory_space<vmem_shared>> -> memref<512xf32, #tpu.memory_space<vmem_shared>>
      %dma_start3A_181 = arith.constant 1536 : i32
      %dma_start3A_182 = tpu.memref_slice %arg13[%dma_start3A_181] : memref<6144xf32, #tpu.memory_space<vmem>> -> memref<512xf32, #tpu.memory_space<vmem>>
      tpu.enqueue_dma source(%dma_start3A_182 : memref<512xf32, #tpu.memory_space<vmem>>) target(%dma_start3A_180 : memref<512xf32, #tpu.memory_space<vmem_shared>>) target_semaphore(%run_scoped3A_174 : memref<!tpu.dma_semaphore, #tpu.memory_space<semaphore_mem>>)
      %dma_wait3A_183 = arith.constant 1536 : i32
      %dma_wait3A_184 = tpu.memref_slice %arg13[%dma_wait3A_183] : memref<6144xf32, #tpu.memory_space<vmem>> -> memref<512xf32, #tpu.memory_space<vmem>>
      %dma_wait3A_185 = tpu.memref_slice %arg15[%run_scoped3A_146, %select_n3A, %mul3A_145] : memref<12x4x2048xf32, #tpu.memory_space<vmem_shared>> -> memref<1x1x512xf32, #tpu.memory_space<vmem_shared>>
      %dma_wait3A_186 = tpu.memref_squeeze %dma_wait3A_185 : memref<1x1x512xf32, #tpu.memory_space<vmem_shared>> -> memref<512xf32, #tpu.memory_space<vmem_shared>>
      %dma_wait3A_187 = tpu.memref_slice %arg15[%run_scoped3A_146, %select_n3A, %mul3A_145] : memref<12x4x2048xf32, #tpu.memory_space<vmem_shared>> -> memref<1x1x512xf32, #tpu.memory_space<vmem_shared>>
      %dma_wait3A_188 = tpu.memref_squeeze %dma_wait3A_187 : memref<1x1x512xf32, #tpu.memory_space<vmem_shared>> -> memref<512xf32, #tpu.memory_space<vmem_shared>>
      %dma_wait3A_189 = arith.constant 1536 : i32
      %dma_wait3A_190 = tpu.memref_slice %arg13[%dma_wait3A_189] : memref<6144xf32, #tpu.memory_space<vmem>> -> memref<512xf32, #tpu.memory_space<vmem>>
      tpu.wait_dma2 semaphore(%run_scoped3A_174 : memref<!tpu.dma_semaphore, #tpu.memory_space<semaphore_mem>>) src(%dma_wait3A_190 : memref<512xf32, #tpu.memory_space<vmem>>) dst(%dma_wait3A_188 : memref<512xf32, #tpu.memory_space<vmem_shared>>)
      tpu.yield
    }) : () -> ()
    %mul3A_147 = arith.constant 512 : i32
    %mul3A_148 = arith.muli %select_n3A_28, %mul3A_147 : i32
    %run_scoped3A_149 = arith.constant 4 : i32
    "tpu.region"() ({
      %run_scoped3A_174 = tpu.sem_alloc : memref<!tpu.dma_semaphore, #tpu.memory_space<semaphore_mem>>
      %dma_start3A_175 = arith.constant 2048 : i32
      %dma_start3A_176 = tpu.memref_slice %arg13[%dma_start3A_175] : memref<6144xf32, #tpu.memory_space<vmem>> -> memref<512xf32, #tpu.memory_space<vmem>>
      %dma_start3A_177 = tpu.memref_slice %arg15[%run_scoped3A_149, %select_n3A, %mul3A_148] : memref<12x4x2048xf32, #tpu.memory_space<vmem_shared>> -> memref<1x1x512xf32, #tpu.memory_space<vmem_shared>>
      %dma_start3A_178 = tpu.memref_squeeze %dma_start3A_177 : memref<1x1x512xf32, #tpu.memory_space<vmem_shared>> -> memref<512xf32, #tpu.memory_space<vmem_shared>>
      %dma_start3A_179 = tpu.memref_slice %arg15[%run_scoped3A_149, %select_n3A, %mul3A_148] : memref<12x4x2048xf32, #tpu.memory_space<vmem_shared>> -> memref<1x1x512xf32, #tpu.memory_space<vmem_shared>>
      %dma_start3A_180 = tpu.memref_squeeze %dma_start3A_179 : memref<1x1x512xf32, #tpu.memory_space<vmem_shared>> -> memref<512xf32, #tpu.memory_space<vmem_shared>>
      %dma_start3A_181 = arith.constant 2048 : i32
      %dma_start3A_182 = tpu.memref_slice %arg13[%dma_start3A_181] : memref<6144xf32, #tpu.memory_space<vmem>> -> memref<512xf32, #tpu.memory_space<vmem>>
      tpu.enqueue_dma source(%dma_start3A_182 : memref<512xf32, #tpu.memory_space<vmem>>) target(%dma_start3A_180 : memref<512xf32, #tpu.memory_space<vmem_shared>>) target_semaphore(%run_scoped3A_174 : memref<!tpu.dma_semaphore, #tpu.memory_space<semaphore_mem>>)
      %dma_wait3A_183 = arith.constant 2048 : i32
      %dma_wait3A_184 = tpu.memref_slice %arg13[%dma_wait3A_183] : memref<6144xf32, #tpu.memory_space<vmem>> -> memref<512xf32, #tpu.memory_space<vmem>>
      %dma_wait3A_185 = tpu.memref_slice %arg15[%run_scoped3A_149, %select_n3A, %mul3A_148] : memref<12x4x2048xf32, #tpu.memory_space<vmem_shared>> -> memref<1x1x512xf32, #tpu.memory_space<vmem_shared>>
      %dma_wait3A_186 = tpu.memref_squeeze %dma_wait3A_185 : memref<1x1x512xf32, #tpu.memory_space<vmem_shared>> -> memref<512xf32, #tpu.memory_space<vmem_shared>>
      %dma_wait3A_187 = tpu.memref_slice %arg15[%run_scoped3A_149, %select_n3A, %mul3A_148] : memref<12x4x2048xf32, #tpu.memory_space<vmem_shared>> -> memref<1x1x512xf32, #tpu.memory_space<vmem_shared>>
      %dma_wait3A_188 = tpu.memref_squeeze %dma_wait3A_187 : memref<1x1x512xf32, #tpu.memory_space<vmem_shared>> -> memref<512xf32, #tpu.memory_space<vmem_shared>>
      %dma_wait3A_189 = arith.constant 2048 : i32
      %dma_wait3A_190 = tpu.memref_slice %arg13[%dma_wait3A_189] : memref<6144xf32, #tpu.memory_space<vmem>> -> memref<512xf32, #tpu.memory_space<vmem>>
      tpu.wait_dma2 semaphore(%run_scoped3A_174 : memref<!tpu.dma_semaphore, #tpu.memory_space<semaphore_mem>>) src(%dma_wait3A_190 : memref<512xf32, #tpu.memory_space<vmem>>) dst(%dma_wait3A_188 : memref<512xf32, #tpu.memory_space<vmem_shared>>)
      tpu.yield
    }) : () -> ()
    %mul3A_150 = arith.constant 512 : i32
    %mul3A_151 = arith.muli %select_n3A_28, %mul3A_150 : i32
    %run_scoped3A_152 = arith.constant 5 : i32
    "tpu.region"() ({
      %run_scoped3A_174 = tpu.sem_alloc : memref<!tpu.dma_semaphore, #tpu.memory_space<semaphore_mem>>
      %dma_start3A_175 = arith.constant 2560 : i32
      %dma_start3A_176 = tpu.memref_slice %arg13[%dma_start3A_175] : memref<6144xf32, #tpu.memory_space<vmem>> -> memref<512xf32, #tpu.memory_space<vmem>>
      %dma_start3A_177 = tpu.memref_slice %arg15[%run_scoped3A_152, %select_n3A, %mul3A_151] : memref<12x4x2048xf32, #tpu.memory_space<vmem_shared>> -> memref<1x1x512xf32, #tpu.memory_space<vmem_shared>>
      %dma_start3A_178 = tpu.memref_squeeze %dma_start3A_177 : memref<1x1x512xf32, #tpu.memory_space<vmem_shared>> -> memref<512xf32, #tpu.memory_space<vmem_shared>>
      %dma_start3A_179 = tpu.memref_slice %arg15[%run_scoped3A_152, %select_n3A, %mul3A_151] : memref<12x4x2048xf32, #tpu.memory_space<vmem_shared>> -> memref<1x1x512xf32, #tpu.memory_space<vmem_shared>>
      %dma_start3A_180 = tpu.memref_squeeze %dma_start3A_179 : memref<1x1x512xf32, #tpu.memory_space<vmem_shared>> -> memref<512xf32, #tpu.memory_space<vmem_shared>>
      %dma_start3A_181 = arith.constant 2560 : i32
      %dma_start3A_182 = tpu.memref_slice %arg13[%dma_start3A_181] : memref<6144xf32, #tpu.memory_space<vmem>> -> memref<512xf32, #tpu.memory_space<vmem>>
      tpu.enqueue_dma source(%dma_start3A_182 : memref<512xf32, #tpu.memory_space<vmem>>) target(%dma_start3A_180 : memref<512xf32, #tpu.memory_space<vmem_shared>>) target_semaphore(%run_scoped3A_174 : memref<!tpu.dma_semaphore, #tpu.memory_space<semaphore_mem>>)
      %dma_wait3A_183 = arith.constant 2560 : i32
      %dma_wait3A_184 = tpu.memref_slice %arg13[%dma_wait3A_183] : memref<6144xf32, #tpu.memory_space<vmem>> -> memref<512xf32, #tpu.memory_space<vmem>>
      %dma_wait3A_185 = tpu.memref_slice %arg15[%run_scoped3A_152, %select_n3A, %mul3A_151] : memref<12x4x2048xf32, #tpu.memory_space<vmem_shared>> -> memref<1x1x512xf32, #tpu.memory_space<vmem_shared>>
      %dma_wait3A_186 = tpu.memref_squeeze %dma_wait3A_185 : memref<1x1x512xf32, #tpu.memory_space<vmem_shared>> -> memref<512xf32, #tpu.memory_space<vmem_shared>>
      %dma_wait3A_187 = tpu.memref_slice %arg15[%run_scoped3A_152, %select_n3A, %mul3A_151] : memref<12x4x2048xf32, #tpu.memory_space<vmem_shared>> -> memref<1x1x512xf32, #tpu.memory_space<vmem_shared>>
      %dma_wait3A_188 = tpu.memref_squeeze %dma_wait3A_187 : memref<1x1x512xf32, #tpu.memory_space<vmem_shared>> -> memref<512xf32, #tpu.memory_space<vmem_shared>>
      %dma_wait3A_189 = arith.constant 2560 : i32
      %dma_wait3A_190 = tpu.memref_slice %arg13[%dma_wait3A_189] : memref<6144xf32, #tpu.memory_space<vmem>> -> memref<512xf32, #tpu.memory_space<vmem>>
      tpu.wait_dma2 semaphore(%run_scoped3A_174 : memref<!tpu.dma_semaphore, #tpu.memory_space<semaphore_mem>>) src(%dma_wait3A_190 : memref<512xf32, #tpu.memory_space<vmem>>) dst(%dma_wait3A_188 : memref<512xf32, #tpu.memory_space<vmem_shared>>)
      tpu.yield
    }) : () -> ()
    %mul3A_153 = arith.constant 512 : i32
    %mul3A_154 = arith.muli %select_n3A_28, %mul3A_153 : i32
    %run_scoped3A_155 = arith.constant 6 : i32
    "tpu.region"() ({
      %run_scoped3A_174 = tpu.sem_alloc : memref<!tpu.dma_semaphore, #tpu.memory_space<semaphore_mem>>
      %dma_start3A_175 = arith.constant 3072 : i32
      %dma_start3A_176 = tpu.memref_slice %arg13[%dma_start3A_175] : memref<6144xf32, #tpu.memory_space<vmem>> -> memref<512xf32, #tpu.memory_space<vmem>>
      %dma_start3A_177 = tpu.memref_slice %arg15[%run_scoped3A_155, %select_n3A, %mul3A_154] : memref<12x4x2048xf32, #tpu.memory_space<vmem_shared>> -> memref<1x1x512xf32, #tpu.memory_space<vmem_shared>>
      %dma_start3A_178 = tpu.memref_squeeze %dma_start3A_177 : memref<1x1x512xf32, #tpu.memory_space<vmem_shared>> -> memref<512xf32, #tpu.memory_space<vmem_shared>>
      %dma_start3A_179 = tpu.memref_slice %arg15[%run_scoped3A_155, %select_n3A, %mul3A_154] : memref<12x4x2048xf32, #tpu.memory_space<vmem_shared>> -> memref<1x1x512xf32, #tpu.memory_space<vmem_shared>>
      %dma_start3A_180 = tpu.memref_squeeze %dma_start3A_179 : memref<1x1x512xf32, #tpu.memory_space<vmem_shared>> -> memref<512xf32, #tpu.memory_space<vmem_shared>>
      %dma_start3A_181 = arith.constant 3072 : i32
      %dma_start3A_182 = tpu.memref_slice %arg13[%dma_start3A_181] : memref<6144xf32, #tpu.memory_space<vmem>> -> memref<512xf32, #tpu.memory_space<vmem>>
      tpu.enqueue_dma source(%dma_start3A_182 : memref<512xf32, #tpu.memory_space<vmem>>) target(%dma_start3A_180 : memref<512xf32, #tpu.memory_space<vmem_shared>>) target_semaphore(%run_scoped3A_174 : memref<!tpu.dma_semaphore, #tpu.memory_space<semaphore_mem>>)
      %dma_wait3A_183 = arith.constant 3072 : i32
      %dma_wait3A_184 = tpu.memref_slice %arg13[%dma_wait3A_183] : memref<6144xf32, #tpu.memory_space<vmem>> -> memref<512xf32, #tpu.memory_space<vmem>>
      %dma_wait3A_185 = tpu.memref_slice %arg15[%run_scoped3A_155, %select_n3A, %mul3A_154] : memref<12x4x2048xf32, #tpu.memory_space<vmem_shared>> -> memref<1x1x512xf32, #tpu.memory_space<vmem_shared>>
      %dma_wait3A_186 = tpu.memref_squeeze %dma_wait3A_185 : memref<1x1x512xf32, #tpu.memory_space<vmem_shared>> -> memref<512xf32, #tpu.memory_space<vmem_shared>>
      %dma_wait3A_187 = tpu.memref_slice %arg15[%run_scoped3A_155, %select_n3A, %mul3A_154] : memref<12x4x2048xf32, #tpu.memory_space<vmem_shared>> -> memref<1x1x512xf32, #tpu.memory_space<vmem_shared>>
      %dma_wait3A_188 = tpu.memref_squeeze %dma_wait3A_187 : memref<1x1x512xf32, #tpu.memory_space<vmem_shared>> -> memref<512xf32, #tpu.memory_space<vmem_shared>>
      %dma_wait3A_189 = arith.constant 3072 : i32
      %dma_wait3A_190 = tpu.memref_slice %arg13[%dma_wait3A_189] : memref<6144xf32, #tpu.memory_space<vmem>> -> memref<512xf32, #tpu.memory_space<vmem>>
      tpu.wait_dma2 semaphore(%run_scoped3A_174 : memref<!tpu.dma_semaphore, #tpu.memory_space<semaphore_mem>>) src(%dma_wait3A_190 : memref<512xf32, #tpu.memory_space<vmem>>) dst(%dma_wait3A_188 : memref<512xf32, #tpu.memory_space<vmem_shared>>)
      tpu.yield
    }) : () -> ()
    %mul3A_156 = arith.constant 512 : i32
    %mul3A_157 = arith.muli %select_n3A_28, %mul3A_156 : i32
    %run_scoped3A_158 = arith.constant 7 : i32
    "tpu.region"() ({
      %run_scoped3A_174 = tpu.sem_alloc : memref<!tpu.dma_semaphore, #tpu.memory_space<semaphore_mem>>
      %dma_start3A_175 = arith.constant 3584 : i32
      %dma_start3A_176 = tpu.memref_slice %arg13[%dma_start3A_175] : memref<6144xf32, #tpu.memory_space<vmem>> -> memref<512xf32, #tpu.memory_space<vmem>>
      %dma_start3A_177 = tpu.memref_slice %arg15[%run_scoped3A_158, %select_n3A, %mul3A_157] : memref<12x4x2048xf32, #tpu.memory_space<vmem_shared>> -> memref<1x1x512xf32, #tpu.memory_space<vmem_shared>>
      %dma_start3A_178 = tpu.memref_squeeze %dma_start3A_177 : memref<1x1x512xf32, #tpu.memory_space<vmem_shared>> -> memref<512xf32, #tpu.memory_space<vmem_shared>>
      %dma_start3A_179 = tpu.memref_slice %arg15[%run_scoped3A_158, %select_n3A, %mul3A_157] : memref<12x4x2048xf32, #tpu.memory_space<vmem_shared>> -> memref<1x1x512xf32, #tpu.memory_space<vmem_shared>>
      %dma_start3A_180 = tpu.memref_squeeze %dma_start3A_179 : memref<1x1x512xf32, #tpu.memory_space<vmem_shared>> -> memref<512xf32, #tpu.memory_space<vmem_shared>>
      %dma_start3A_181 = arith.constant 3584 : i32
      %dma_start3A_182 = tpu.memref_slice %arg13[%dma_start3A_181] : memref<6144xf32, #tpu.memory_space<vmem>> -> memref<512xf32, #tpu.memory_space<vmem>>
      tpu.enqueue_dma source(%dma_start3A_182 : memref<512xf32, #tpu.memory_space<vmem>>) target(%dma_start3A_180 : memref<512xf32, #tpu.memory_space<vmem_shared>>) target_semaphore(%run_scoped3A_174 : memref<!tpu.dma_semaphore, #tpu.memory_space<semaphore_mem>>)
      %dma_wait3A_183 = arith.constant 3584 : i32
      %dma_wait3A_184 = tpu.memref_slice %arg13[%dma_wait3A_183] : memref<6144xf32, #tpu.memory_space<vmem>> -> memref<512xf32, #tpu.memory_space<vmem>>
      %dma_wait3A_185 = tpu.memref_slice %arg15[%run_scoped3A_158, %select_n3A, %mul3A_157] : memref<12x4x2048xf32, #tpu.memory_space<vmem_shared>> -> memref<1x1x512xf32, #tpu.memory_space<vmem_shared>>
      %dma_wait3A_186 = tpu.memref_squeeze %dma_wait3A_185 : memref<1x1x512xf32, #tpu.memory_space<vmem_shared>> -> memref<512xf32, #tpu.memory_space<vmem_shared>>
      %dma_wait3A_187 = tpu.memref_slice %arg15[%run_scoped3A_158, %select_n3A, %mul3A_157] : memref<12x4x2048xf32, #tpu.memory_space<vmem_shared>> -> memref<1x1x512xf32, #tpu.memory_space<vmem_shared>>
      %dma_wait3A_188 = tpu.memref_squeeze %dma_wait3A_187 : memref<1x1x512xf32, #tpu.memory_space<vmem_shared>> -> memref<512xf32, #tpu.memory_space<vmem_shared>>
      %dma_wait3A_189 = arith.constant 3584 : i32
      %dma_wait3A_190 = tpu.memref_slice %arg13[%dma_wait3A_189] : memref<6144xf32, #tpu.memory_space<vmem>> -> memref<512xf32, #tpu.memory_space<vmem>>
      tpu.wait_dma2 semaphore(%run_scoped3A_174 : memref<!tpu.dma_semaphore, #tpu.memory_space<semaphore_mem>>) src(%dma_wait3A_190 : memref<512xf32, #tpu.memory_space<vmem>>) dst(%dma_wait3A_188 : memref<512xf32, #tpu.memory_space<vmem_shared>>)
      tpu.yield
    }) : () -> ()
    %mul3A_159 = arith.constant 512 : i32
    %mul3A_160 = arith.muli %select_n3A_28, %mul3A_159 : i32
    %run_scoped3A_161 = arith.constant 8 : i32
    "tpu.region"() ({
      %run_scoped3A_174 = tpu.sem_alloc : memref<!tpu.dma_semaphore, #tpu.memory_space<semaphore_mem>>
      %dma_start3A_175 = arith.constant 4096 : i32
      %dma_start3A_176 = tpu.memref_slice %arg13[%dma_start3A_175] : memref<6144xf32, #tpu.memory_space<vmem>> -> memref<512xf32, #tpu.memory_space<vmem>>
      %dma_start3A_177 = tpu.memref_slice %arg15[%run_scoped3A_161, %select_n3A, %mul3A_160] : memref<12x4x2048xf32, #tpu.memory_space<vmem_shared>> -> memref<1x1x512xf32, #tpu.memory_space<vmem_shared>>
      %dma_start3A_178 = tpu.memref_squeeze %dma_start3A_177 : memref<1x1x512xf32, #tpu.memory_space<vmem_shared>> -> memref<512xf32, #tpu.memory_space<vmem_shared>>
      %dma_start3A_179 = tpu.memref_slice %arg15[%run_scoped3A_161, %select_n3A, %mul3A_160] : memref<12x4x2048xf32, #tpu.memory_space<vmem_shared>> -> memref<1x1x512xf32, #tpu.memory_space<vmem_shared>>
      %dma_start3A_180 = tpu.memref_squeeze %dma_start3A_179 : memref<1x1x512xf32, #tpu.memory_space<vmem_shared>> -> memref<512xf32, #tpu.memory_space<vmem_shared>>
      %dma_start3A_181 = arith.constant 4096 : i32
      %dma_start3A_182 = tpu.memref_slice %arg13[%dma_start3A_181] : memref<6144xf32, #tpu.memory_space<vmem>> -> memref<512xf32, #tpu.memory_space<vmem>>
      tpu.enqueue_dma source(%dma_start3A_182 : memref<512xf32, #tpu.memory_space<vmem>>) target(%dma_start3A_180 : memref<512xf32, #tpu.memory_space<vmem_shared>>) target_semaphore(%run_scoped3A_174 : memref<!tpu.dma_semaphore, #tpu.memory_space<semaphore_mem>>)
      %dma_wait3A_183 = arith.constant 4096 : i32
      %dma_wait3A_184 = tpu.memref_slice %arg13[%dma_wait3A_183] : memref<6144xf32, #tpu.memory_space<vmem>> -> memref<512xf32, #tpu.memory_space<vmem>>
      %dma_wait3A_185 = tpu.memref_slice %arg15[%run_scoped3A_161, %select_n3A, %mul3A_160] : memref<12x4x2048xf32, #tpu.memory_space<vmem_shared>> -> memref<1x1x512xf32, #tpu.memory_space<vmem_shared>>
      %dma_wait3A_186 = tpu.memref_squeeze %dma_wait3A_185 : memref<1x1x512xf32, #tpu.memory_space<vmem_shared>> -> memref<512xf32, #tpu.memory_space<vmem_shared>>
      %dma_wait3A_187 = tpu.memref_slice %arg15[%run_scoped3A_161, %select_n3A, %mul3A_160] : memref<12x4x2048xf32, #tpu.memory_space<vmem_shared>> -> memref<1x1x512xf32, #tpu.memory_space<vmem_shared>>
      %dma_wait3A_188 = tpu.memref_squeeze %dma_wait3A_187 : memref<1x1x512xf32, #tpu.memory_space<vmem_shared>> -> memref<512xf32, #tpu.memory_space<vmem_shared>>
      %dma_wait3A_189 = arith.constant 4096 : i32
      %dma_wait3A_190 = tpu.memref_slice %arg13[%dma_wait3A_189] : memref<6144xf32, #tpu.memory_space<vmem>> -> memref<512xf32, #tpu.memory_space<vmem>>
      tpu.wait_dma2 semaphore(%run_scoped3A_174 : memref<!tpu.dma_semaphore, #tpu.memory_space<semaphore_mem>>) src(%dma_wait3A_190 : memref<512xf32, #tpu.memory_space<vmem>>) dst(%dma_wait3A_188 : memref<512xf32, #tpu.memory_space<vmem_shared>>)
      tpu.yield
    }) : () -> ()
    %mul3A_162 = arith.constant 512 : i32
    %mul3A_163 = arith.muli %select_n3A_28, %mul3A_162 : i32
    %run_scoped3A_164 = arith.constant 9 : i32
    "tpu.region"() ({
      %run_scoped3A_174 = tpu.sem_alloc : memref<!tpu.dma_semaphore, #tpu.memory_space<semaphore_mem>>
      %dma_start3A_175 = arith.constant 4608 : i32
      %dma_start3A_176 = tpu.memref_slice %arg13[%dma_start3A_175] : memref<6144xf32, #tpu.memory_space<vmem>> -> memref<512xf32, #tpu.memory_space<vmem>>
      %dma_start3A_177 = tpu.memref_slice %arg15[%run_scoped3A_164, %select_n3A, %mul3A_163] : memref<12x4x2048xf32, #tpu.memory_space<vmem_shared>> -> memref<1x1x512xf32, #tpu.memory_space<vmem_shared>>
      %dma_start3A_178 = tpu.memref_squeeze %dma_start3A_177 : memref<1x1x512xf32, #tpu.memory_space<vmem_shared>> -> memref<512xf32, #tpu.memory_space<vmem_shared>>
      %dma_start3A_179 = tpu.memref_slice %arg15[%run_scoped3A_164, %select_n3A, %mul3A_163] : memref<12x4x2048xf32, #tpu.memory_space<vmem_shared>> -> memref<1x1x512xf32, #tpu.memory_space<vmem_shared>>
      %dma_start3A_180 = tpu.memref_squeeze %dma_start3A_179 : memref<1x1x512xf32, #tpu.memory_space<vmem_shared>> -> memref<512xf32, #tpu.memory_space<vmem_shared>>
      %dma_start3A_181 = arith.constant 4608 : i32
      %dma_start3A_182 = tpu.memref_slice %arg13[%dma_start3A_181] : memref<6144xf32, #tpu.memory_space<vmem>> -> memref<512xf32, #tpu.memory_space<vmem>>
      tpu.enqueue_dma source(%dma_start3A_182 : memref<512xf32, #tpu.memory_space<vmem>>) target(%dma_start3A_180 : memref<512xf32, #tpu.memory_space<vmem_shared>>) target_semaphore(%run_scoped3A_174 : memref<!tpu.dma_semaphore, #tpu.memory_space<semaphore_mem>>)
      %dma_wait3A_183 = arith.constant 4608 : i32
      %dma_wait3A_184 = tpu.memref_slice %arg13[%dma_wait3A_183] : memref<6144xf32, #tpu.memory_space<vmem>> -> memref<512xf32, #tpu.memory_space<vmem>>
      %dma_wait3A_185 = tpu.memref_slice %arg15[%run_scoped3A_164, %select_n3A, %mul3A_163] : memref<12x4x2048xf32, #tpu.memory_space<vmem_shared>> -> memref<1x1x512xf32, #tpu.memory_space<vmem_shared>>
      %dma_wait3A_186 = tpu.memref_squeeze %dma_wait3A_185 : memref<1x1x512xf32, #tpu.memory_space<vmem_shared>> -> memref<512xf32, #tpu.memory_space<vmem_shared>>
      %dma_wait3A_187 = tpu.memref_slice %arg15[%run_scoped3A_164, %select_n3A, %mul3A_163] : memref<12x4x2048xf32, #tpu.memory_space<vmem_shared>> -> memref<1x1x512xf32, #tpu.memory_space<vmem_shared>>
      %dma_wait3A_188 = tpu.memref_squeeze %dma_wait3A_187 : memref<1x1x512xf32, #tpu.memory_space<vmem_shared>> -> memref<512xf32, #tpu.memory_space<vmem_shared>>
      %dma_wait3A_189 = arith.constant 4608 : i32
      %dma_wait3A_190 = tpu.memref_slice %arg13[%dma_wait3A_189] : memref<6144xf32, #tpu.memory_space<vmem>> -> memref<512xf32, #tpu.memory_space<vmem>>
      tpu.wait_dma2 semaphore(%run_scoped3A_174 : memref<!tpu.dma_semaphore, #tpu.memory_space<semaphore_mem>>) src(%dma_wait3A_190 : memref<512xf32, #tpu.memory_space<vmem>>) dst(%dma_wait3A_188 : memref<512xf32, #tpu.memory_space<vmem_shared>>)
      tpu.yield
    }) : () -> ()
    %mul3A_165 = arith.constant 512 : i32
    %mul3A_166 = arith.muli %select_n3A_28, %mul3A_165 : i32
    %run_scoped3A_167 = arith.constant 10 : i32
    "tpu.region"() ({
      %run_scoped3A_174 = tpu.sem_alloc : memref<!tpu.dma_semaphore, #tpu.memory_space<semaphore_mem>>
      %dma_start3A_175 = arith.constant 5120 : i32
      %dma_start3A_176 = tpu.memref_slice %arg13[%dma_start3A_175] : memref<6144xf32, #tpu.memory_space<vmem>> -> memref<512xf32, #tpu.memory_space<vmem>>
      %dma_start3A_177 = tpu.memref_slice %arg15[%run_scoped3A_167, %select_n3A, %mul3A_166] : memref<12x4x2048xf32, #tpu.memory_space<vmem_shared>> -> memref<1x1x512xf32, #tpu.memory_space<vmem_shared>>
      %dma_start3A_178 = tpu.memref_squeeze %dma_start3A_177 : memref<1x1x512xf32, #tpu.memory_space<vmem_shared>> -> memref<512xf32, #tpu.memory_space<vmem_shared>>
      %dma_start3A_179 = tpu.memref_slice %arg15[%run_scoped3A_167, %select_n3A, %mul3A_166] : memref<12x4x2048xf32, #tpu.memory_space<vmem_shared>> -> memref<1x1x512xf32, #tpu.memory_space<vmem_shared>>
      %dma_start3A_180 = tpu.memref_squeeze %dma_start3A_179 : memref<1x1x512xf32, #tpu.memory_space<vmem_shared>> -> memref<512xf32, #tpu.memory_space<vmem_shared>>
      %dma_start3A_181 = arith.constant 5120 : i32
      %dma_start3A_182 = tpu.memref_slice %arg13[%dma_start3A_181] : memref<6144xf32, #tpu.memory_space<vmem>> -> memref<512xf32, #tpu.memory_space<vmem>>
      tpu.enqueue_dma source(%dma_start3A_182 : memref<512xf32, #tpu.memory_space<vmem>>) target(%dma_start3A_180 : memref<512xf32, #tpu.memory_space<vmem_shared>>) target_semaphore(%run_scoped3A_174 : memref<!tpu.dma_semaphore, #tpu.memory_space<semaphore_mem>>)
      %dma_wait3A_183 = arith.constant 5120 : i32
      %dma_wait3A_184 = tpu.memref_slice %arg13[%dma_wait3A_183] : memref<6144xf32, #tpu.memory_space<vmem>> -> memref<512xf32, #tpu.memory_space<vmem>>
      %dma_wait3A_185 = tpu.memref_slice %arg15[%run_scoped3A_167, %select_n3A, %mul3A_166] : memref<12x4x2048xf32, #tpu.memory_space<vmem_shared>> -> memref<1x1x512xf32, #tpu.memory_space<vmem_shared>>
      %dma_wait3A_186 = tpu.memref_squeeze %dma_wait3A_185 : memref<1x1x512xf32, #tpu.memory_space<vmem_shared>> -> memref<512xf32, #tpu.memory_space<vmem_shared>>
      %dma_wait3A_187 = tpu.memref_slice %arg15[%run_scoped3A_167, %select_n3A, %mul3A_166] : memref<12x4x2048xf32, #tpu.memory_space<vmem_shared>> -> memref<1x1x512xf32, #tpu.memory_space<vmem_shared>>
      %dma_wait3A_188 = tpu.memref_squeeze %dma_wait3A_187 : memref<1x1x512xf32, #tpu.memory_space<vmem_shared>> -> memref<512xf32, #tpu.memory_space<vmem_shared>>
      %dma_wait3A_189 = arith.constant 5120 : i32
      %dma_wait3A_190 = tpu.memref_slice %arg13[%dma_wait3A_189] : memref<6144xf32, #tpu.memory_space<vmem>> -> memref<512xf32, #tpu.memory_space<vmem>>
      tpu.wait_dma2 semaphore(%run_scoped3A_174 : memref<!tpu.dma_semaphore, #tpu.memory_space<semaphore_mem>>) src(%dma_wait3A_190 : memref<512xf32, #tpu.memory_space<vmem>>) dst(%dma_wait3A_188 : memref<512xf32, #tpu.memory_space<vmem_shared>>)
      tpu.yield
    }) : () -> ()
    %mul3A_168 = arith.constant 512 : i32
    %mul3A_169 = arith.muli %select_n3A_28, %mul3A_168 : i32
    %run_scoped3A_170 = arith.constant 11 : i32
    "tpu.region"() ({
      %run_scoped3A_174 = tpu.sem_alloc : memref<!tpu.dma_semaphore, #tpu.memory_space<semaphore_mem>>
      %dma_start3A_175 = arith.constant 5632 : i32
      %dma_start3A_176 = tpu.memref_slice %arg13[%dma_start3A_175] : memref<6144xf32, #tpu.memory_space<vmem>> -> memref<512xf32, #tpu.memory_space<vmem>>
      %dma_start3A_177 = tpu.memref_slice %arg15[%run_scoped3A_170, %select_n3A, %mul3A_169] : memref<12x4x2048xf32, #tpu.memory_space<vmem_shared>> -> memref<1x1x512xf32, #tpu.memory_space<vmem_shared>>
      %dma_start3A_178 = tpu.memref_squeeze %dma_start3A_177 : memref<1x1x512xf32, #tpu.memory_space<vmem_shared>> -> memref<512xf32, #tpu.memory_space<vmem_shared>>
      %dma_start3A_179 = tpu.memref_slice %arg15[%run_scoped3A_170, %select_n3A, %mul3A_169] : memref<12x4x2048xf32, #tpu.memory_space<vmem_shared>> -> memref<1x1x512xf32, #tpu.memory_space<vmem_shared>>
      %dma_start3A_180 = tpu.memref_squeeze %dma_start3A_179 : memref<1x1x512xf32, #tpu.memory_space<vmem_shared>> -> memref<512xf32, #tpu.memory_space<vmem_shared>>
      %dma_start3A_181 = arith.constant 5632 : i32
      %dma_start3A_182 = tpu.memref_slice %arg13[%dma_start3A_181] : memref<6144xf32, #tpu.memory_space<vmem>> -> memref<512xf32, #tpu.memory_space<vmem>>
      tpu.enqueue_dma source(%dma_start3A_182 : memref<512xf32, #tpu.memory_space<vmem>>) target(%dma_start3A_180 : memref<512xf32, #tpu.memory_space<vmem_shared>>) target_semaphore(%run_scoped3A_174 : memref<!tpu.dma_semaphore, #tpu.memory_space<semaphore_mem>>)
      %dma_wait3A_183 = arith.constant 5632 : i32
      %dma_wait3A_184 = tpu.memref_slice %arg13[%dma_wait3A_183] : memref<6144xf32, #tpu.memory_space<vmem>> -> memref<512xf32, #tpu.memory_space<vmem>>
      %dma_wait3A_185 = tpu.memref_slice %arg15[%run_scoped3A_170, %select_n3A, %mul3A_169] : memref<12x4x2048xf32, #tpu.memory_space<vmem_shared>> -> memref<1x1x512xf32, #tpu.memory_space<vmem_shared>>
      %dma_wait3A_186 = tpu.memref_squeeze %dma_wait3A_185 : memref<1x1x512xf32, #tpu.memory_space<vmem_shared>> -> memref<512xf32, #tpu.memory_space<vmem_shared>>
      %dma_wait3A_187 = tpu.memref_slice %arg15[%run_scoped3A_170, %select_n3A, %mul3A_169] : memref<12x4x2048xf32, #tpu.memory_space<vmem_shared>> -> memref<1x1x512xf32, #tpu.memory_space<vmem_shared>>
      %dma_wait3A_188 = tpu.memref_squeeze %dma_wait3A_187 : memref<1x1x512xf32, #tpu.memory_space<vmem_shared>> -> memref<512xf32, #tpu.memory_space<vmem_shared>>
      %dma_wait3A_189 = arith.constant 5632 : i32
      %dma_wait3A_190 = tpu.memref_slice %arg13[%dma_wait3A_189] : memref<6144xf32, #tpu.memory_space<vmem>> -> memref<512xf32, #tpu.memory_space<vmem>>
      tpu.wait_dma2 semaphore(%run_scoped3A_174 : memref<!tpu.dma_semaphore, #tpu.memory_space<semaphore_mem>>) src(%dma_wait3A_190 : memref<512xf32, #tpu.memory_space<vmem>>) dst(%dma_wait3A_188 : memref<512xf32, #tpu.memory_space<vmem_shared>>)
      tpu.yield
    }) : () -> ()
    %barrier3A = arith.constant 0 : index
    tpu.barrier barrier_id(%barrier3A)
    %eq3A_171 = arith.constant 0 : i32
    %eq3A_172 = arith.cmpi eq, %select_n3A_28, %eq3A_171 : i32
    %convert_element_type3A = arith.extui %eq3A_172 : i1 to i32
    %cond3A = arith.constant 0 : i32
    %cond3A_173 = arith.cmpi ne, %convert_element_type3A, %cond3A : i32
    scf.if %cond3A_173 {
      %run_scoped3A_174 = arith.constant 0 : i32
      "tpu.region"() ({
        %run_scoped3A_202 = tpu.sem_alloc : memref<!tpu.dma_semaphore, #tpu.memory_space<semaphore_mem>>
        %dma_start3A_203 = arith.constant 0 : i32
        %dma_start3A_204 = tpu.memref_slice %arg16[%dma_start3A_203] : memref<24576xf32, #tpu.memory_space<vmem>> -> memref<2048xf32, #tpu.memory_space<vmem>>
        %dma_start3A_205 = arith.constant 0 : i32
        %dma_start3A_206 = tpu.memref_slice %arg15[%run_scoped3A_174, %select_n3A, %dma_start3A_205] : memref<12x4x2048xf32, #tpu.memory_space<vmem_shared>> -> memref<1x1x2048xf32, #tpu.memory_space<vmem_shared>>
        %dma_start3A_207 = tpu.memref_squeeze %dma_start3A_206 : memref<1x1x2048xf32, #tpu.memory_space<vmem_shared>> -> memref<2048xf32, #tpu.memory_space<vmem_shared>>
        %dma_start3A_208 = arith.constant 0 : i32
        %dma_start3A_209 = tpu.memref_slice %arg16[%dma_start3A_208] : memref<24576xf32, #tpu.memory_space<vmem>> -> memref<2048xf32, #tpu.memory_space<vmem>>
        %dma_start3A_210 = arith.constant 0 : i32
        %dma_start3A_211 = tpu.memref_slice %arg15[%run_scoped3A_174, %select_n3A, %dma_start3A_210] : memref<12x4x2048xf32, #tpu.memory_space<vmem_shared>> -> memref<1x1x2048xf32, #tpu.memory_space<vmem_shared>>
        %dma_start3A_212 = tpu.memref_squeeze %dma_start3A_211 : memref<1x1x2048xf32, #tpu.memory_space<vmem_shared>> -> memref<2048xf32, #tpu.memory_space<vmem_shared>>
        tpu.enqueue_dma source(%dma_start3A_212 : memref<2048xf32, #tpu.memory_space<vmem_shared>>) target(%dma_start3A_209 : memref<2048xf32, #tpu.memory_space<vmem>>) target_semaphore(%run_scoped3A_202 : memref<!tpu.dma_semaphore, #tpu.memory_space<semaphore_mem>>)
        %dma_wait3A_213 = arith.constant 0 : i32
        %dma_wait3A_214 = tpu.memref_slice %arg16[%dma_wait3A_213] : memref<24576xf32, #tpu.memory_space<vmem>> -> memref<2048xf32, #tpu.memory_space<vmem>>
        %dma_wait3A_215 = arith.constant 0 : i32
        %dma_wait3A_216 = tpu.memref_slice %arg15[%run_scoped3A_174, %select_n3A, %dma_wait3A_215] : memref<12x4x2048xf32, #tpu.memory_space<vmem_shared>> -> memref<1x1x2048xf32, #tpu.memory_space<vmem_shared>>
        %dma_wait3A_217 = tpu.memref_squeeze %dma_wait3A_216 : memref<1x1x2048xf32, #tpu.memory_space<vmem_shared>> -> memref<2048xf32, #tpu.memory_space<vmem_shared>>
        %dma_wait3A_218 = arith.constant 0 : i32
        %dma_wait3A_219 = tpu.memref_slice %arg16[%dma_wait3A_218] : memref<24576xf32, #tpu.memory_space<vmem>> -> memref<2048xf32, #tpu.memory_space<vmem>>
        %dma_wait3A_220 = arith.constant 0 : i32
        %dma_wait3A_221 = tpu.memref_slice %arg15[%run_scoped3A_174, %select_n3A, %dma_wait3A_220] : memref<12x4x2048xf32, #tpu.memory_space<vmem_shared>> -> memref<1x1x2048xf32, #tpu.memory_space<vmem_shared>>
        %dma_wait3A_222 = tpu.memref_squeeze %dma_wait3A_221 : memref<1x1x2048xf32, #tpu.memory_space<vmem_shared>> -> memref<2048xf32, #tpu.memory_space<vmem_shared>>
        tpu.wait_dma2 semaphore(%run_scoped3A_202 : memref<!tpu.dma_semaphore, #tpu.memory_space<semaphore_mem>>) src(%dma_wait3A_222 : memref<2048xf32, #tpu.memory_space<vmem_shared>>) dst(%dma_wait3A_219 : memref<2048xf32, #tpu.memory_space<vmem>>)
        tpu.yield
      }) : () -> ()
      %run_scoped3A_175 = arith.constant 1 : i32
      "tpu.region"() ({
        %run_scoped3A_202 = tpu.sem_alloc : memref<!tpu.dma_semaphore, #tpu.memory_space<semaphore_mem>>
        %dma_start3A_203 = arith.constant 2048 : i32
        %dma_start3A_204 = tpu.memref_slice %arg16[%dma_start3A_203] : memref<24576xf32, #tpu.memory_space<vmem>> -> memref<2048xf32, #tpu.memory_space<vmem>>
        %dma_start3A_205 = arith.constant 0 : i32
        %dma_start3A_206 = tpu.memref_slice %arg15[%run_scoped3A_175, %select_n3A, %dma_start3A_205] : memref<12x4x2048xf32, #tpu.memory_space<vmem_shared>> -> memref<1x1x2048xf32, #tpu.memory_space<vmem_shared>>
        %dma_start3A_207 = tpu.memref_squeeze %dma_start3A_206 : memref<1x1x2048xf32, #tpu.memory_space<vmem_shared>> -> memref<2048xf32, #tpu.memory_space<vmem_shared>>
        %dma_start3A_208 = arith.constant 2048 : i32
        %dma_start3A_209 = tpu.memref_slice %arg16[%dma_start3A_208] : memref<24576xf32, #tpu.memory_space<vmem>> -> memref<2048xf32, #tpu.memory_space<vmem>>
        %dma_start3A_210 = arith.constant 0 : i32
        %dma_start3A_211 = tpu.memref_slice %arg15[%run_scoped3A_175, %select_n3A, %dma_start3A_210] : memref<12x4x2048xf32, #tpu.memory_space<vmem_shared>> -> memref<1x1x2048xf32, #tpu.memory_space<vmem_shared>>
        %dma_start3A_212 = tpu.memref_squeeze %dma_start3A_211 : memref<1x1x2048xf32, #tpu.memory_space<vmem_shared>> -> memref<2048xf32, #tpu.memory_space<vmem_shared>>
        tpu.enqueue_dma source(%dma_start3A_212 : memref<2048xf32, #tpu.memory_space<vmem_shared>>) target(%dma_start3A_209 : memref<2048xf32, #tpu.memory_space<vmem>>) target_semaphore(%run_scoped3A_202 : memref<!tpu.dma_semaphore, #tpu.memory_space<semaphore_mem>>)
        %dma_wait3A_213 = arith.constant 2048 : i32
        %dma_wait3A_214 = tpu.memref_slice %arg16[%dma_wait3A_213] : memref<24576xf32, #tpu.memory_space<vmem>> -> memref<2048xf32, #tpu.memory_space<vmem>>
        %dma_wait3A_215 = arith.constant 0 : i32
        %dma_wait3A_216 = tpu.memref_slice %arg15[%run_scoped3A_175, %select_n3A, %dma_wait3A_215] : memref<12x4x2048xf32, #tpu.memory_space<vmem_shared>> -> memref<1x1x2048xf32, #tpu.memory_space<vmem_shared>>
        %dma_wait3A_217 = tpu.memref_squeeze %dma_wait3A_216 : memref<1x1x2048xf32, #tpu.memory_space<vmem_shared>> -> memref<2048xf32, #tpu.memory_space<vmem_shared>>
        %dma_wait3A_218 = arith.constant 2048 : i32
        %dma_wait3A_219 = tpu.memref_slice %arg16[%dma_wait3A_218] : memref<24576xf32, #tpu.memory_space<vmem>> -> memref<2048xf32, #tpu.memory_space<vmem>>
        %dma_wait3A_220 = arith.constant 0 : i32
        %dma_wait3A_221 = tpu.memref_slice %arg15[%run_scoped3A_175, %select_n3A, %dma_wait3A_220] : memref<12x4x2048xf32, #tpu.memory_space<vmem_shared>> -> memref<1x1x2048xf32, #tpu.memory_space<vmem_shared>>
        %dma_wait3A_222 = tpu.memref_squeeze %dma_wait3A_221 : memref<1x1x2048xf32, #tpu.memory_space<vmem_shared>> -> memref<2048xf32, #tpu.memory_space<vmem_shared>>
        tpu.wait_dma2 semaphore(%run_scoped3A_202 : memref<!tpu.dma_semaphore, #tpu.memory_space<semaphore_mem>>) src(%dma_wait3A_222 : memref<2048xf32, #tpu.memory_space<vmem_shared>>) dst(%dma_wait3A_219 : memref<2048xf32, #tpu.memory_space<vmem>>)
        tpu.yield
      }) : () -> ()
      %run_scoped3A_176 = arith.constant 2 : i32
      "tpu.region"() ({
        %run_scoped3A_202 = tpu.sem_alloc : memref<!tpu.dma_semaphore, #tpu.memory_space<semaphore_mem>>
        %dma_start3A_203 = arith.constant 4096 : i32
        %dma_start3A_204 = tpu.memref_slice %arg16[%dma_start3A_203] : memref<24576xf32, #tpu.memory_space<vmem>> -> memref<2048xf32, #tpu.memory_space<vmem>>
        %dma_start3A_205 = arith.constant 0 : i32
        %dma_start3A_206 = tpu.memref_slice %arg15[%run_scoped3A_176, %select_n3A, %dma_start3A_205] : memref<12x4x2048xf32, #tpu.memory_space<vmem_shared>> -> memref<1x1x2048xf32, #tpu.memory_space<vmem_shared>>
        %dma_start3A_207 = tpu.memref_squeeze %dma_start3A_206 : memref<1x1x2048xf32, #tpu.memory_space<vmem_shared>> -> memref<2048xf32, #tpu.memory_space<vmem_shared>>
        %dma_start3A_208 = arith.constant 4096 : i32
        %dma_start3A_209 = tpu.memref_slice %arg16[%dma_start3A_208] : memref<24576xf32, #tpu.memory_space<vmem>> -> memref<2048xf32, #tpu.memory_space<vmem>>
        %dma_start3A_210 = arith.constant 0 : i32
        %dma_start3A_211 = tpu.memref_slice %arg15[%run_scoped3A_176, %select_n3A, %dma_start3A_210] : memref<12x4x2048xf32, #tpu.memory_space<vmem_shared>> -> memref<1x1x2048xf32, #tpu.memory_space<vmem_shared>>
        %dma_start3A_212 = tpu.memref_squeeze %dma_start3A_211 : memref<1x1x2048xf32, #tpu.memory_space<vmem_shared>> -> memref<2048xf32, #tpu.memory_space<vmem_shared>>
        tpu.enqueue_dma source(%dma_start3A_212 : memref<2048xf32, #tpu.memory_space<vmem_shared>>) target(%dma_start3A_209 : memref<2048xf32, #tpu.memory_space<vmem>>) target_semaphore(%run_scoped3A_202 : memref<!tpu.dma_semaphore, #tpu.memory_space<semaphore_mem>>)
        %dma_wait3A_213 = arith.constant 4096 : i32
        %dma_wait3A_214 = tpu.memref_slice %arg16[%dma_wait3A_213] : memref<24576xf32, #tpu.memory_space<vmem>> -> memref<2048xf32, #tpu.memory_space<vmem>>
        %dma_wait3A_215 = arith.constant 0 : i32
        %dma_wait3A_216 = tpu.memref_slice %arg15[%run_scoped3A_176, %select_n3A, %dma_wait3A_215] : memref<12x4x2048xf32, #tpu.memory_space<vmem_shared>> -> memref<1x1x2048xf32, #tpu.memory_space<vmem_shared>>
        %dma_wait3A_217 = tpu.memref_squeeze %dma_wait3A_216 : memref<1x1x2048xf32, #tpu.memory_space<vmem_shared>> -> memref<2048xf32, #tpu.memory_space<vmem_shared>>
        %dma_wait3A_218 = arith.constant 4096 : i32
        %dma_wait3A_219 = tpu.memref_slice %arg16[%dma_wait3A_218] : memref<24576xf32, #tpu.memory_space<vmem>> -> memref<2048xf32, #tpu.memory_space<vmem>>
        %dma_wait3A_220 = arith.constant 0 : i32
        %dma_wait3A_221 = tpu.memref_slice %arg15[%run_scoped3A_176, %select_n3A, %dma_wait3A_220] : memref<12x4x2048xf32, #tpu.memory_space<vmem_shared>> -> memref<1x1x2048xf32, #tpu.memory_space<vmem_shared>>
        %dma_wait3A_222 = tpu.memref_squeeze %dma_wait3A_221 : memref<1x1x2048xf32, #tpu.memory_space<vmem_shared>> -> memref<2048xf32, #tpu.memory_space<vmem_shared>>
        tpu.wait_dma2 semaphore(%run_scoped3A_202 : memref<!tpu.dma_semaphore, #tpu.memory_space<semaphore_mem>>) src(%dma_wait3A_222 : memref<2048xf32, #tpu.memory_space<vmem_shared>>) dst(%dma_wait3A_219 : memref<2048xf32, #tpu.memory_space<vmem>>)
        tpu.yield
      }) : () -> ()
      %run_scoped3A_177 = arith.constant 3 : i32
      "tpu.region"() ({
        %run_scoped3A_202 = tpu.sem_alloc : memref<!tpu.dma_semaphore, #tpu.memory_space<semaphore_mem>>
        %dma_start3A_203 = arith.constant 6144 : i32
        %dma_start3A_204 = tpu.memref_slice %arg16[%dma_start3A_203] : memref<24576xf32, #tpu.memory_space<vmem>> -> memref<2048xf32, #tpu.memory_space<vmem>>
        %dma_start3A_205 = arith.constant 0 : i32
        %dma_start3A_206 = tpu.memref_slice %arg15[%run_scoped3A_177, %select_n3A, %dma_start3A_205] : memref<12x4x2048xf32, #tpu.memory_space<vmem_shared>> -> memref<1x1x2048xf32, #tpu.memory_space<vmem_shared>>
        %dma_start3A_207 = tpu.memref_squeeze %dma_start3A_206 : memref<1x1x2048xf32, #tpu.memory_space<vmem_shared>> -> memref<2048xf32, #tpu.memory_space<vmem_shared>>
        %dma_start3A_208 = arith.constant 6144 : i32
        %dma_start3A_209 = tpu.memref_slice %arg16[%dma_start3A_208] : memref<24576xf32, #tpu.memory_space<vmem>> -> memref<2048xf32, #tpu.memory_space<vmem>>
        %dma_start3A_210 = arith.constant 0 : i32
        %dma_start3A_211 = tpu.memref_slice %arg15[%run_scoped3A_177, %select_n3A, %dma_start3A_210] : memref<12x4x2048xf32, #tpu.memory_space<vmem_shared>> -> memref<1x1x2048xf32, #tpu.memory_space<vmem_shared>>
        %dma_start3A_212 = tpu.memref_squeeze %dma_start3A_211 : memref<1x1x2048xf32, #tpu.memory_space<vmem_shared>> -> memref<2048xf32, #tpu.memory_space<vmem_shared>>
        tpu.enqueue_dma source(%dma_start3A_212 : memref<2048xf32, #tpu.memory_space<vmem_shared>>) target(%dma_start3A_209 : memref<2048xf32, #tpu.memory_space<vmem>>) target_semaphore(%run_scoped3A_202 : memref<!tpu.dma_semaphore, #tpu.memory_space<semaphore_mem>>)
        %dma_wait3A_213 = arith.constant 6144 : i32
        %dma_wait3A_214 = tpu.memref_slice %arg16[%dma_wait3A_213] : memref<24576xf32, #tpu.memory_space<vmem>> -> memref<2048xf32, #tpu.memory_space<vmem>>
        %dma_wait3A_215 = arith.constant 0 : i32
        %dma_wait3A_216 = tpu.memref_slice %arg15[%run_scoped3A_177, %select_n3A, %dma_wait3A_215] : memref<12x4x2048xf32, #tpu.memory_space<vmem_shared>> -> memref<1x1x2048xf32, #tpu.memory_space<vmem_shared>>
        %dma_wait3A_217 = tpu.memref_squeeze %dma_wait3A_216 : memref<1x1x2048xf32, #tpu.memory_space<vmem_shared>> -> memref<2048xf32, #tpu.memory_space<vmem_shared>>
        %dma_wait3A_218 = arith.constant 6144 : i32
        %dma_wait3A_219 = tpu.memref_slice %arg16[%dma_wait3A_218] : memref<24576xf32, #tpu.memory_space<vmem>> -> memref<2048xf32, #tpu.memory_space<vmem>>
        %dma_wait3A_220 = arith.constant 0 : i32
        %dma_wait3A_221 = tpu.memref_slice %arg15[%run_scoped3A_177, %select_n3A, %dma_wait3A_220] : memref<12x4x2048xf32, #tpu.memory_space<vmem_shared>> -> memref<1x1x2048xf32, #tpu.memory_space<vmem_shared>>
        %dma_wait3A_222 = tpu.memref_squeeze %dma_wait3A_221 : memref<1x1x2048xf32, #tpu.memory_space<vmem_shared>> -> memref<2048xf32, #tpu.memory_space<vmem_shared>>
        tpu.wait_dma2 semaphore(%run_scoped3A_202 : memref<!tpu.dma_semaphore, #tpu.memory_space<semaphore_mem>>) src(%dma_wait3A_222 : memref<2048xf32, #tpu.memory_space<vmem_shared>>) dst(%dma_wait3A_219 : memref<2048xf32, #tpu.memory_space<vmem>>)
        tpu.yield
      }) : () -> ()
      %run_scoped3A_178 = arith.constant 4 : i32
      "tpu.region"() ({
        %run_scoped3A_202 = tpu.sem_alloc : memref<!tpu.dma_semaphore, #tpu.memory_space<semaphore_mem>>
        %dma_start3A_203 = arith.constant 8192 : i32
        %dma_start3A_204 = tpu.memref_slice %arg16[%dma_start3A_203] : memref<24576xf32, #tpu.memory_space<vmem>> -> memref<2048xf32, #tpu.memory_space<vmem>>
        %dma_start3A_205 = arith.constant 0 : i32
        %dma_start3A_206 = tpu.memref_slice %arg15[%run_scoped3A_178, %select_n3A, %dma_start3A_205] : memref<12x4x2048xf32, #tpu.memory_space<vmem_shared>> -> memref<1x1x2048xf32, #tpu.memory_space<vmem_shared>>
        %dma_start3A_207 = tpu.memref_squeeze %dma_start3A_206 : memref<1x1x2048xf32, #tpu.memory_space<vmem_shared>> -> memref<2048xf32, #tpu.memory_space<vmem_shared>>
        %dma_start3A_208 = arith.constant 8192 : i32
        %dma_start3A_209 = tpu.memref_slice %arg16[%dma_start3A_208] : memref<24576xf32, #tpu.memory_space<vmem>> -> memref<2048xf32, #tpu.memory_space<vmem>>
        %dma_start3A_210 = arith.constant 0 : i32
        %dma_start3A_211 = tpu.memref_slice %arg15[%run_scoped3A_178, %select_n3A, %dma_start3A_210] : memref<12x4x2048xf32, #tpu.memory_space<vmem_shared>> -> memref<1x1x2048xf32, #tpu.memory_space<vmem_shared>>
        %dma_start3A_212 = tpu.memref_squeeze %dma_start3A_211 : memref<1x1x2048xf32, #tpu.memory_space<vmem_shared>> -> memref<2048xf32, #tpu.memory_space<vmem_shared>>
        tpu.enqueue_dma source(%dma_start3A_212 : memref<2048xf32, #tpu.memory_space<vmem_shared>>) target(%dma_start3A_209 : memref<2048xf32, #tpu.memory_space<vmem>>) target_semaphore(%run_scoped3A_202 : memref<!tpu.dma_semaphore, #tpu.memory_space<semaphore_mem>>)
        %dma_wait3A_213 = arith.constant 8192 : i32
        %dma_wait3A_214 = tpu.memref_slice %arg16[%dma_wait3A_213] : memref<24576xf32, #tpu.memory_space<vmem>> -> memref<2048xf32, #tpu.memory_space<vmem>>
        %dma_wait3A_215 = arith.constant 0 : i32
        %dma_wait3A_216 = tpu.memref_slice %arg15[%run_scoped3A_178, %select_n3A, %dma_wait3A_215] : memref<12x4x2048xf32, #tpu.memory_space<vmem_shared>> -> memref<1x1x2048xf32, #tpu.memory_space<vmem_shared>>
        %dma_wait3A_217 = tpu.memref_squeeze %dma_wait3A_216 : memref<1x1x2048xf32, #tpu.memory_space<vmem_shared>> -> memref<2048xf32, #tpu.memory_space<vmem_shared>>
        %dma_wait3A_218 = arith.constant 8192 : i32
        %dma_wait3A_219 = tpu.memref_slice %arg16[%dma_wait3A_218] : memref<24576xf32, #tpu.memory_space<vmem>> -> memref<2048xf32, #tpu.memory_space<vmem>>
        %dma_wait3A_220 = arith.constant 0 : i32
        %dma_wait3A_221 = tpu.memref_slice %arg15[%run_scoped3A_178, %select_n3A, %dma_wait3A_220] : memref<12x4x2048xf32, #tpu.memory_space<vmem_shared>> -> memref<1x1x2048xf32, #tpu.memory_space<vmem_shared>>
        %dma_wait3A_222 = tpu.memref_squeeze %dma_wait3A_221 : memref<1x1x2048xf32, #tpu.memory_space<vmem_shared>> -> memref<2048xf32, #tpu.memory_space<vmem_shared>>
        tpu.wait_dma2 semaphore(%run_scoped3A_202 : memref<!tpu.dma_semaphore, #tpu.memory_space<semaphore_mem>>) src(%dma_wait3A_222 : memref<2048xf32, #tpu.memory_space<vmem_shared>>) dst(%dma_wait3A_219 : memref<2048xf32, #tpu.memory_space<vmem>>)
        tpu.yield
      }) : () -> ()
      %run_scoped3A_179 = arith.constant 5 : i32
      "tpu.region"() ({
        %run_scoped3A_202 = tpu.sem_alloc : memref<!tpu.dma_semaphore, #tpu.memory_space<semaphore_mem>>
        %dma_start3A_203 = arith.constant 10240 : i32
        %dma_start3A_204 = tpu.memref_slice %arg16[%dma_start3A_203] : memref<24576xf32, #tpu.memory_space<vmem>> -> memref<2048xf32, #tpu.memory_space<vmem>>
        %dma_start3A_205 = arith.constant 0 : i32
        %dma_start3A_206 = tpu.memref_slice %arg15[%run_scoped3A_179, %select_n3A, %dma_start3A_205] : memref<12x4x2048xf32, #tpu.memory_space<vmem_shared>> -> memref<1x1x2048xf32, #tpu.memory_space<vmem_shared>>
        %dma_start3A_207 = tpu.memref_squeeze %dma_start3A_206 : memref<1x1x2048xf32, #tpu.memory_space<vmem_shared>> -> memref<2048xf32, #tpu.memory_space<vmem_shared>>
        %dma_start3A_208 = arith.constant 10240 : i32
        %dma_start3A_209 = tpu.memref_slice %arg16[%dma_start3A_208] : memref<24576xf32, #tpu.memory_space<vmem>> -> memref<2048xf32, #tpu.memory_space<vmem>>
        %dma_start3A_210 = arith.constant 0 : i32
        %dma_start3A_211 = tpu.memref_slice %arg15[%run_scoped3A_179, %select_n3A, %dma_start3A_210] : memref<12x4x2048xf32, #tpu.memory_space<vmem_shared>> -> memref<1x1x2048xf32, #tpu.memory_space<vmem_shared>>
        %dma_start3A_212 = tpu.memref_squeeze %dma_start3A_211 : memref<1x1x2048xf32, #tpu.memory_space<vmem_shared>> -> memref<2048xf32, #tpu.memory_space<vmem_shared>>
        tpu.enqueue_dma source(%dma_start3A_212 : memref<2048xf32, #tpu.memory_space<vmem_shared>>) target(%dma_start3A_209 : memref<2048xf32, #tpu.memory_space<vmem>>) target_semaphore(%run_scoped3A_202 : memref<!tpu.dma_semaphore, #tpu.memory_space<semaphore_mem>>)
        %dma_wait3A_213 = arith.constant 10240 : i32
        %dma_wait3A_214 = tpu.memref_slice %arg16[%dma_wait3A_213] : memref<24576xf32, #tpu.memory_space<vmem>> -> memref<2048xf32, #tpu.memory_space<vmem>>
        %dma_wait3A_215 = arith.constant 0 : i32
        %dma_wait3A_216 = tpu.memref_slice %arg15[%run_scoped3A_179, %select_n3A, %dma_wait3A_215] : memref<12x4x2048xf32, #tpu.memory_space<vmem_shared>> -> memref<1x1x2048xf32, #tpu.memory_space<vmem_shared>>
        %dma_wait3A_217 = tpu.memref_squeeze %dma_wait3A_216 : memref<1x1x2048xf32, #tpu.memory_space<vmem_shared>> -> memref<2048xf32, #tpu.memory_space<vmem_shared>>
        %dma_wait3A_218 = arith.constant 10240 : i32
        %dma_wait3A_219 = tpu.memref_slice %arg16[%dma_wait3A_218] : memref<24576xf32, #tpu.memory_space<vmem>> -> memref<2048xf32, #tpu.memory_space<vmem>>
        %dma_wait3A_220 = arith.constant 0 : i32
        %dma_wait3A_221 = tpu.memref_slice %arg15[%run_scoped3A_179, %select_n3A, %dma_wait3A_220] : memref<12x4x2048xf32, #tpu.memory_space<vmem_shared>> -> memref<1x1x2048xf32, #tpu.memory_space<vmem_shared>>
        %dma_wait3A_222 = tpu.memref_squeeze %dma_wait3A_221 : memref<1x1x2048xf32, #tpu.memory_space<vmem_shared>> -> memref<2048xf32, #tpu.memory_space<vmem_shared>>
        tpu.wait_dma2 semaphore(%run_scoped3A_202 : memref<!tpu.dma_semaphore, #tpu.memory_space<semaphore_mem>>) src(%dma_wait3A_222 : memref<2048xf32, #tpu.memory_space<vmem_shared>>) dst(%dma_wait3A_219 : memref<2048xf32, #tpu.memory_space<vmem>>)
        tpu.yield
      }) : () -> ()
      %run_scoped3A_180 = arith.constant 6 : i32
      "tpu.region"() ({
        %run_scoped3A_202 = tpu.sem_alloc : memref<!tpu.dma_semaphore, #tpu.memory_space<semaphore_mem>>
        %dma_start3A_203 = arith.constant 12288 : i32
        %dma_start3A_204 = tpu.memref_slice %arg16[%dma_start3A_203] : memref<24576xf32, #tpu.memory_space<vmem>> -> memref<2048xf32, #tpu.memory_space<vmem>>
        %dma_start3A_205 = arith.constant 0 : i32
        %dma_start3A_206 = tpu.memref_slice %arg15[%run_scoped3A_180, %select_n3A, %dma_start3A_205] : memref<12x4x2048xf32, #tpu.memory_space<vmem_shared>> -> memref<1x1x2048xf32, #tpu.memory_space<vmem_shared>>
        %dma_start3A_207 = tpu.memref_squeeze %dma_start3A_206 : memref<1x1x2048xf32, #tpu.memory_space<vmem_shared>> -> memref<2048xf32, #tpu.memory_space<vmem_shared>>
        %dma_start3A_208 = arith.constant 12288 : i32
        %dma_start3A_209 = tpu.memref_slice %arg16[%dma_start3A_208] : memref<24576xf32, #tpu.memory_space<vmem>> -> memref<2048xf32, #tpu.memory_space<vmem>>
        %dma_start3A_210 = arith.constant 0 : i32
        %dma_start3A_211 = tpu.memref_slice %arg15[%run_scoped3A_180, %select_n3A, %dma_start3A_210] : memref<12x4x2048xf32, #tpu.memory_space<vmem_shared>> -> memref<1x1x2048xf32, #tpu.memory_space<vmem_shared>>
        %dma_start3A_212 = tpu.memref_squeeze %dma_start3A_211 : memref<1x1x2048xf32, #tpu.memory_space<vmem_shared>> -> memref<2048xf32, #tpu.memory_space<vmem_shared>>
        tpu.enqueue_dma source(%dma_start3A_212 : memref<2048xf32, #tpu.memory_space<vmem_shared>>) target(%dma_start3A_209 : memref<2048xf32, #tpu.memory_space<vmem>>) target_semaphore(%run_scoped3A_202 : memref<!tpu.dma_semaphore, #tpu.memory_space<semaphore_mem>>)
        %dma_wait3A_213 = arith.constant 12288 : i32
        %dma_wait3A_214 = tpu.memref_slice %arg16[%dma_wait3A_213] : memref<24576xf32, #tpu.memory_space<vmem>> -> memref<2048xf32, #tpu.memory_space<vmem>>
        %dma_wait3A_215 = arith.constant 0 : i32
        %dma_wait3A_216 = tpu.memref_slice %arg15[%run_scoped3A_180, %select_n3A, %dma_wait3A_215] : memref<12x4x2048xf32, #tpu.memory_space<vmem_shared>> -> memref<1x1x2048xf32, #tpu.memory_space<vmem_shared>>
        %dma_wait3A_217 = tpu.memref_squeeze %dma_wait3A_216 : memref<1x1x2048xf32, #tpu.memory_space<vmem_shared>> -> memref<2048xf32, #tpu.memory_space<vmem_shared>>
        %dma_wait3A_218 = arith.constant 12288 : i32
        %dma_wait3A_219 = tpu.memref_slice %arg16[%dma_wait3A_218] : memref<24576xf32, #tpu.memory_space<vmem>> -> memref<2048xf32, #tpu.memory_space<vmem>>
        %dma_wait3A_220 = arith.constant 0 : i32
        %dma_wait3A_221 = tpu.memref_slice %arg15[%run_scoped3A_180, %select_n3A, %dma_wait3A_220] : memref<12x4x2048xf32, #tpu.memory_space<vmem_shared>> -> memref<1x1x2048xf32, #tpu.memory_space<vmem_shared>>
        %dma_wait3A_222 = tpu.memref_squeeze %dma_wait3A_221 : memref<1x1x2048xf32, #tpu.memory_space<vmem_shared>> -> memref<2048xf32, #tpu.memory_space<vmem_shared>>
        tpu.wait_dma2 semaphore(%run_scoped3A_202 : memref<!tpu.dma_semaphore, #tpu.memory_space<semaphore_mem>>) src(%dma_wait3A_222 : memref<2048xf32, #tpu.memory_space<vmem_shared>>) dst(%dma_wait3A_219 : memref<2048xf32, #tpu.memory_space<vmem>>)
        tpu.yield
      }) : () -> ()
      %run_scoped3A_181 = arith.constant 7 : i32
      "tpu.region"() ({
        %run_scoped3A_202 = tpu.sem_alloc : memref<!tpu.dma_semaphore, #tpu.memory_space<semaphore_mem>>
        %dma_start3A_203 = arith.constant 14336 : i32
        %dma_start3A_204 = tpu.memref_slice %arg16[%dma_start3A_203] : memref<24576xf32, #tpu.memory_space<vmem>> -> memref<2048xf32, #tpu.memory_space<vmem>>
        %dma_start3A_205 = arith.constant 0 : i32
        %dma_start3A_206 = tpu.memref_slice %arg15[%run_scoped3A_181, %select_n3A, %dma_start3A_205] : memref<12x4x2048xf32, #tpu.memory_space<vmem_shared>> -> memref<1x1x2048xf32, #tpu.memory_space<vmem_shared>>
        %dma_start3A_207 = tpu.memref_squeeze %dma_start3A_206 : memref<1x1x2048xf32, #tpu.memory_space<vmem_shared>> -> memref<2048xf32, #tpu.memory_space<vmem_shared>>
        %dma_start3A_208 = arith.constant 14336 : i32
        %dma_start3A_209 = tpu.memref_slice %arg16[%dma_start3A_208] : memref<24576xf32, #tpu.memory_space<vmem>> -> memref<2048xf32, #tpu.memory_space<vmem>>
        %dma_start3A_210 = arith.constant 0 : i32
        %dma_start3A_211 = tpu.memref_slice %arg15[%run_scoped3A_181, %select_n3A, %dma_start3A_210] : memref<12x4x2048xf32, #tpu.memory_space<vmem_shared>> -> memref<1x1x2048xf32, #tpu.memory_space<vmem_shared>>
        %dma_start3A_212 = tpu.memref_squeeze %dma_start3A_211 : memref<1x1x2048xf32, #tpu.memory_space<vmem_shared>> -> memref<2048xf32, #tpu.memory_space<vmem_shared>>
        tpu.enqueue_dma source(%dma_start3A_212 : memref<2048xf32, #tpu.memory_space<vmem_shared>>) target(%dma_start3A_209 : memref<2048xf32, #tpu.memory_space<vmem>>) target_semaphore(%run_scoped3A_202 : memref<!tpu.dma_semaphore, #tpu.memory_space<semaphore_mem>>)
        %dma_wait3A_213 = arith.constant 14336 : i32
        %dma_wait3A_214 = tpu.memref_slice %arg16[%dma_wait3A_213] : memref<24576xf32, #tpu.memory_space<vmem>> -> memref<2048xf32, #tpu.memory_space<vmem>>
        %dma_wait3A_215 = arith.constant 0 : i32
        %dma_wait3A_216 = tpu.memref_slice %arg15[%run_scoped3A_181, %select_n3A, %dma_wait3A_215] : memref<12x4x2048xf32, #tpu.memory_space<vmem_shared>> -> memref<1x1x2048xf32, #tpu.memory_space<vmem_shared>>
        %dma_wait3A_217 = tpu.memref_squeeze %dma_wait3A_216 : memref<1x1x2048xf32, #tpu.memory_space<vmem_shared>> -> memref<2048xf32, #tpu.memory_space<vmem_shared>>
        %dma_wait3A_218 = arith.constant 14336 : i32
        %dma_wait3A_219 = tpu.memref_slice %arg16[%dma_wait3A_218] : memref<24576xf32, #tpu.memory_space<vmem>> -> memref<2048xf32, #tpu.memory_space<vmem>>
        %dma_wait3A_220 = arith.constant 0 : i32
        %dma_wait3A_221 = tpu.memref_slice %arg15[%run_scoped3A_181, %select_n3A, %dma_wait3A_220] : memref<12x4x2048xf32, #tpu.memory_space<vmem_shared>> -> memref<1x1x2048xf32, #tpu.memory_space<vmem_shared>>
        %dma_wait3A_222 = tpu.memref_squeeze %dma_wait3A_221 : memref<1x1x2048xf32, #tpu.memory_space<vmem_shared>> -> memref<2048xf32, #tpu.memory_space<vmem_shared>>
        tpu.wait_dma2 semaphore(%run_scoped3A_202 : memref<!tpu.dma_semaphore, #tpu.memory_space<semaphore_mem>>) src(%dma_wait3A_222 : memref<2048xf32, #tpu.memory_space<vmem_shared>>) dst(%dma_wait3A_219 : memref<2048xf32, #tpu.memory_space<vmem>>)
        tpu.yield
      }) : () -> ()
      %run_scoped3A_182 = arith.constant 8 : i32
      "tpu.region"() ({
        %run_scoped3A_202 = tpu.sem_alloc : memref<!tpu.dma_semaphore, #tpu.memory_space<semaphore_mem>>
        %dma_start3A_203 = arith.constant 16384 : i32
        %dma_start3A_204 = tpu.memref_slice %arg16[%dma_start3A_203] : memref<24576xf32, #tpu.memory_space<vmem>> -> memref<2048xf32, #tpu.memory_space<vmem>>
        %dma_start3A_205 = arith.constant 0 : i32
        %dma_start3A_206 = tpu.memref_slice %arg15[%run_scoped3A_182, %select_n3A, %dma_start3A_205] : memref<12x4x2048xf32, #tpu.memory_space<vmem_shared>> -> memref<1x1x2048xf32, #tpu.memory_space<vmem_shared>>
        %dma_start3A_207 = tpu.memref_squeeze %dma_start3A_206 : memref<1x1x2048xf32, #tpu.memory_space<vmem_shared>> -> memref<2048xf32, #tpu.memory_space<vmem_shared>>
        %dma_start3A_208 = arith.constant 16384 : i32
        %dma_start3A_209 = tpu.memref_slice %arg16[%dma_start3A_208] : memref<24576xf32, #tpu.memory_space<vmem>> -> memref<2048xf32, #tpu.memory_space<vmem>>
        %dma_start3A_210 = arith.constant 0 : i32
        %dma_start3A_211 = tpu.memref_slice %arg15[%run_scoped3A_182, %select_n3A, %dma_start3A_210] : memref<12x4x2048xf32, #tpu.memory_space<vmem_shared>> -> memref<1x1x2048xf32, #tpu.memory_space<vmem_shared>>
        %dma_start3A_212 = tpu.memref_squeeze %dma_start3A_211 : memref<1x1x2048xf32, #tpu.memory_space<vmem_shared>> -> memref<2048xf32, #tpu.memory_space<vmem_shared>>
        tpu.enqueue_dma source(%dma_start3A_212 : memref<2048xf32, #tpu.memory_space<vmem_shared>>) target(%dma_start3A_209 : memref<2048xf32, #tpu.memory_space<vmem>>) target_semaphore(%run_scoped3A_202 : memref<!tpu.dma_semaphore, #tpu.memory_space<semaphore_mem>>)
        %dma_wait3A_213 = arith.constant 16384 : i32
        %dma_wait3A_214 = tpu.memref_slice %arg16[%dma_wait3A_213] : memref<24576xf32, #tpu.memory_space<vmem>> -> memref<2048xf32, #tpu.memory_space<vmem>>
        %dma_wait3A_215 = arith.constant 0 : i32
        %dma_wait3A_216 = tpu.memref_slice %arg15[%run_scoped3A_182, %select_n3A, %dma_wait3A_215] : memref<12x4x2048xf32, #tpu.memory_space<vmem_shared>> -> memref<1x1x2048xf32, #tpu.memory_space<vmem_shared>>
        %dma_wait3A_217 = tpu.memref_squeeze %dma_wait3A_216 : memref<1x1x2048xf32, #tpu.memory_space<vmem_shared>> -> memref<2048xf32, #tpu.memory_space<vmem_shared>>
        %dma_wait3A_218 = arith.constant 16384 : i32
        %dma_wait3A_219 = tpu.memref_slice %arg16[%dma_wait3A_218] : memref<24576xf32, #tpu.memory_space<vmem>> -> memref<2048xf32, #tpu.memory_space<vmem>>
        %dma_wait3A_220 = arith.constant 0 : i32
        %dma_wait3A_221 = tpu.memref_slice %arg15[%run_scoped3A_182, %select_n3A, %dma_wait3A_220] : memref<12x4x2048xf32, #tpu.memory_space<vmem_shared>> -> memref<1x1x2048xf32, #tpu.memory_space<vmem_shared>>
        %dma_wait3A_222 = tpu.memref_squeeze %dma_wait3A_221 : memref<1x1x2048xf32, #tpu.memory_space<vmem_shared>> -> memref<2048xf32, #tpu.memory_space<vmem_shared>>
        tpu.wait_dma2 semaphore(%run_scoped3A_202 : memref<!tpu.dma_semaphore, #tpu.memory_space<semaphore_mem>>) src(%dma_wait3A_222 : memref<2048xf32, #tpu.memory_space<vmem_shared>>) dst(%dma_wait3A_219 : memref<2048xf32, #tpu.memory_space<vmem>>)
        tpu.yield
      }) : () -> ()
      %run_scoped3A_183 = arith.constant 9 : i32
      "tpu.region"() ({
        %run_scoped3A_202 = tpu.sem_alloc : memref<!tpu.dma_semaphore, #tpu.memory_space<semaphore_mem>>
        %dma_start3A_203 = arith.constant 18432 : i32
        %dma_start3A_204 = tpu.memref_slice %arg16[%dma_start3A_203] : memref<24576xf32, #tpu.memory_space<vmem>> -> memref<2048xf32, #tpu.memory_space<vmem>>
        %dma_start3A_205 = arith.constant 0 : i32
        %dma_start3A_206 = tpu.memref_slice %arg15[%run_scoped3A_183, %select_n3A, %dma_start3A_205] : memref<12x4x2048xf32, #tpu.memory_space<vmem_shared>> -> memref<1x1x2048xf32, #tpu.memory_space<vmem_shared>>
        %dma_start3A_207 = tpu.memref_squeeze %dma_start3A_206 : memref<1x1x2048xf32, #tpu.memory_space<vmem_shared>> -> memref<2048xf32, #tpu.memory_space<vmem_shared>>
        %dma_start3A_208 = arith.constant 18432 : i32
        %dma_start3A_209 = tpu.memref_slice %arg16[%dma_start3A_208] : memref<24576xf32, #tpu.memory_space<vmem>> -> memref<2048xf32, #tpu.memory_space<vmem>>
        %dma_start3A_210 = arith.constant 0 : i32
        %dma_start3A_211 = tpu.memref_slice %arg15[%run_scoped3A_183, %select_n3A, %dma_start3A_210] : memref<12x4x2048xf32, #tpu.memory_space<vmem_shared>> -> memref<1x1x2048xf32, #tpu.memory_space<vmem_shared>>
        %dma_start3A_212 = tpu.memref_squeeze %dma_start3A_211 : memref<1x1x2048xf32, #tpu.memory_space<vmem_shared>> -> memref<2048xf32, #tpu.memory_space<vmem_shared>>
        tpu.enqueue_dma source(%dma_start3A_212 : memref<2048xf32, #tpu.memory_space<vmem_shared>>) target(%dma_start3A_209 : memref<2048xf32, #tpu.memory_space<vmem>>) target_semaphore(%run_scoped3A_202 : memref<!tpu.dma_semaphore, #tpu.memory_space<semaphore_mem>>)
        %dma_wait3A_213 = arith.constant 18432 : i32
        %dma_wait3A_214 = tpu.memref_slice %arg16[%dma_wait3A_213] : memref<24576xf32, #tpu.memory_space<vmem>> -> memref<2048xf32, #tpu.memory_space<vmem>>
        %dma_wait3A_215 = arith.constant 0 : i32
        %dma_wait3A_216 = tpu.memref_slice %arg15[%run_scoped3A_183, %select_n3A, %dma_wait3A_215] : memref<12x4x2048xf32, #tpu.memory_space<vmem_shared>> -> memref<1x1x2048xf32, #tpu.memory_space<vmem_shared>>
        %dma_wait3A_217 = tpu.memref_squeeze %dma_wait3A_216 : memref<1x1x2048xf32, #tpu.memory_space<vmem_shared>> -> memref<2048xf32, #tpu.memory_space<vmem_shared>>
        %dma_wait3A_218 = arith.constant 18432 : i32
        %dma_wait3A_219 = tpu.memref_slice %arg16[%dma_wait3A_218] : memref<24576xf32, #tpu.memory_space<vmem>> -> memref<2048xf32, #tpu.memory_space<vmem>>
        %dma_wait3A_220 = arith.constant 0 : i32
        %dma_wait3A_221 = tpu.memref_slice %arg15[%run_scoped3A_183, %select_n3A, %dma_wait3A_220] : memref<12x4x2048xf32, #tpu.memory_space<vmem_shared>> -> memref<1x1x2048xf32, #tpu.memory_space<vmem_shared>>
        %dma_wait3A_222 = tpu.memref_squeeze %dma_wait3A_221 : memref<1x1x2048xf32, #tpu.memory_space<vmem_shared>> -> memref<2048xf32, #tpu.memory_space<vmem_shared>>
        tpu.wait_dma2 semaphore(%run_scoped3A_202 : memref<!tpu.dma_semaphore, #tpu.memory_space<semaphore_mem>>) src(%dma_wait3A_222 : memref<2048xf32, #tpu.memory_space<vmem_shared>>) dst(%dma_wait3A_219 : memref<2048xf32, #tpu.memory_space<vmem>>)
        tpu.yield
      }) : () -> ()
      %run_scoped3A_184 = arith.constant 10 : i32
      "tpu.region"() ({
        %run_scoped3A_202 = tpu.sem_alloc : memref<!tpu.dma_semaphore, #tpu.memory_space<semaphore_mem>>
        %dma_start3A_203 = arith.constant 20480 : i32
        %dma_start3A_204 = tpu.memref_slice %arg16[%dma_start3A_203] : memref<24576xf32, #tpu.memory_space<vmem>> -> memref<2048xf32, #tpu.memory_space<vmem>>
        %dma_start3A_205 = arith.constant 0 : i32
        %dma_start3A_206 = tpu.memref_slice %arg15[%run_scoped3A_184, %select_n3A, %dma_start3A_205] : memref<12x4x2048xf32, #tpu.memory_space<vmem_shared>> -> memref<1x1x2048xf32, #tpu.memory_space<vmem_shared>>
        %dma_start3A_207 = tpu.memref_squeeze %dma_start3A_206 : memref<1x1x2048xf32, #tpu.memory_space<vmem_shared>> -> memref<2048xf32, #tpu.memory_space<vmem_shared>>
        %dma_start3A_208 = arith.constant 20480 : i32
        %dma_start3A_209 = tpu.memref_slice %arg16[%dma_start3A_208] : memref<24576xf32, #tpu.memory_space<vmem>> -> memref<2048xf32, #tpu.memory_space<vmem>>
        %dma_start3A_210 = arith.constant 0 : i32
        %dma_start3A_211 = tpu.memref_slice %arg15[%run_scoped3A_184, %select_n3A, %dma_start3A_210] : memref<12x4x2048xf32, #tpu.memory_space<vmem_shared>> -> memref<1x1x2048xf32, #tpu.memory_space<vmem_shared>>
        %dma_start3A_212 = tpu.memref_squeeze %dma_start3A_211 : memref<1x1x2048xf32, #tpu.memory_space<vmem_shared>> -> memref<2048xf32, #tpu.memory_space<vmem_shared>>
        tpu.enqueue_dma source(%dma_start3A_212 : memref<2048xf32, #tpu.memory_space<vmem_shared>>) target(%dma_start3A_209 : memref<2048xf32, #tpu.memory_space<vmem>>) target_semaphore(%run_scoped3A_202 : memref<!tpu.dma_semaphore, #tpu.memory_space<semaphore_mem>>)
        %dma_wait3A_213 = arith.constant 20480 : i32
        %dma_wait3A_214 = tpu.memref_slice %arg16[%dma_wait3A_213] : memref<24576xf32, #tpu.memory_space<vmem>> -> memref<2048xf32, #tpu.memory_space<vmem>>
        %dma_wait3A_215 = arith.constant 0 : i32
        %dma_wait3A_216 = tpu.memref_slice %arg15[%run_scoped3A_184, %select_n3A, %dma_wait3A_215] : memref<12x4x2048xf32, #tpu.memory_space<vmem_shared>> -> memref<1x1x2048xf32, #tpu.memory_space<vmem_shared>>
        %dma_wait3A_217 = tpu.memref_squeeze %dma_wait3A_216 : memref<1x1x2048xf32, #tpu.memory_space<vmem_shared>> -> memref<2048xf32, #tpu.memory_space<vmem_shared>>
        %dma_wait3A_218 = arith.constant 20480 : i32
        %dma_wait3A_219 = tpu.memref_slice %arg16[%dma_wait3A_218] : memref<24576xf32, #tpu.memory_space<vmem>> -> memref<2048xf32, #tpu.memory_space<vmem>>
        %dma_wait3A_220 = arith.constant 0 : i32
        %dma_wait3A_221 = tpu.memref_slice %arg15[%run_scoped3A_184, %select_n3A, %dma_wait3A_220] : memref<12x4x2048xf32, #tpu.memory_space<vmem_shared>> -> memref<1x1x2048xf32, #tpu.memory_space<vmem_shared>>
        %dma_wait3A_222 = tpu.memref_squeeze %dma_wait3A_221 : memref<1x1x2048xf32, #tpu.memory_space<vmem_shared>> -> memref<2048xf32, #tpu.memory_space<vmem_shared>>
        tpu.wait_dma2 semaphore(%run_scoped3A_202 : memref<!tpu.dma_semaphore, #tpu.memory_space<semaphore_mem>>) src(%dma_wait3A_222 : memref<2048xf32, #tpu.memory_space<vmem_shared>>) dst(%dma_wait3A_219 : memref<2048xf32, #tpu.memory_space<vmem>>)
        tpu.yield
      }) : () -> ()
      %run_scoped3A_185 = arith.constant 11 : i32
      "tpu.region"() ({
        %run_scoped3A_202 = tpu.sem_alloc : memref<!tpu.dma_semaphore, #tpu.memory_space<semaphore_mem>>
        %dma_start3A_203 = arith.constant 22528 : i32
        %dma_start3A_204 = tpu.memref_slice %arg16[%dma_start3A_203] : memref<24576xf32, #tpu.memory_space<vmem>> -> memref<2048xf32, #tpu.memory_space<vmem>>
        %dma_start3A_205 = arith.constant 0 : i32
        %dma_start3A_206 = tpu.memref_slice %arg15[%run_scoped3A_185, %select_n3A, %dma_start3A_205] : memref<12x4x2048xf32, #tpu.memory_space<vmem_shared>> -> memref<1x1x2048xf32, #tpu.memory_space<vmem_shared>>
        %dma_start3A_207 = tpu.memref_squeeze %dma_start3A_206 : memref<1x1x2048xf32, #tpu.memory_space<vmem_shared>> -> memref<2048xf32, #tpu.memory_space<vmem_shared>>
        %dma_start3A_208 = arith.constant 22528 : i32
        %dma_start3A_209 = tpu.memref_slice %arg16[%dma_start3A_208] : memref<24576xf32, #tpu.memory_space<vmem>> -> memref<2048xf32, #tpu.memory_space<vmem>>
        %dma_start3A_210 = arith.constant 0 : i32
        %dma_start3A_211 = tpu.memref_slice %arg15[%run_scoped3A_185, %select_n3A, %dma_start3A_210] : memref<12x4x2048xf32, #tpu.memory_space<vmem_shared>> -> memref<1x1x2048xf32, #tpu.memory_space<vmem_shared>>
        %dma_start3A_212 = tpu.memref_squeeze %dma_start3A_211 : memref<1x1x2048xf32, #tpu.memory_space<vmem_shared>> -> memref<2048xf32, #tpu.memory_space<vmem_shared>>
        tpu.enqueue_dma source(%dma_start3A_212 : memref<2048xf32, #tpu.memory_space<vmem_shared>>) target(%dma_start3A_209 : memref<2048xf32, #tpu.memory_space<vmem>>) target_semaphore(%run_scoped3A_202 : memref<!tpu.dma_semaphore, #tpu.memory_space<semaphore_mem>>)
        %dma_wait3A_213 = arith.constant 22528 : i32
        %dma_wait3A_214 = tpu.memref_slice %arg16[%dma_wait3A_213] : memref<24576xf32, #tpu.memory_space<vmem>> -> memref<2048xf32, #tpu.memory_space<vmem>>
        %dma_wait3A_215 = arith.constant 0 : i32
        %dma_wait3A_216 = tpu.memref_slice %arg15[%run_scoped3A_185, %select_n3A, %dma_wait3A_215] : memref<12x4x2048xf32, #tpu.memory_space<vmem_shared>> -> memref<1x1x2048xf32, #tpu.memory_space<vmem_shared>>
        %dma_wait3A_217 = tpu.memref_squeeze %dma_wait3A_216 : memref<1x1x2048xf32, #tpu.memory_space<vmem_shared>> -> memref<2048xf32, #tpu.memory_space<vmem_shared>>
        %dma_wait3A_218 = arith.constant 22528 : i32
        %dma_wait3A_219 = tpu.memref_slice %arg16[%dma_wait3A_218] : memref<24576xf32, #tpu.memory_space<vmem>> -> memref<2048xf32, #tpu.memory_space<vmem>>
        %dma_wait3A_220 = arith.constant 0 : i32
        %dma_wait3A_221 = tpu.memref_slice %arg15[%run_scoped3A_185, %select_n3A, %dma_wait3A_220] : memref<12x4x2048xf32, #tpu.memory_space<vmem_shared>> -> memref<1x1x2048xf32, #tpu.memory_space<vmem_shared>>
        %dma_wait3A_222 = tpu.memref_squeeze %dma_wait3A_221 : memref<1x1x2048xf32, #tpu.memory_space<vmem_shared>> -> memref<2048xf32, #tpu.memory_space<vmem_shared>>
        tpu.wait_dma2 semaphore(%run_scoped3A_202 : memref<!tpu.dma_semaphore, #tpu.memory_space<semaphore_mem>>) src(%dma_wait3A_222 : memref<2048xf32, #tpu.memory_space<vmem_shared>>) dst(%dma_wait3A_219 : memref<2048xf32, #tpu.memory_space<vmem>>)
        tpu.yield
      }) : () -> ()
      %broadcast_in_dim3A_186 = arith.constant -1.000000e+09 : f32
      %broadcast_in_dim3A_187 = vector.broadcast %broadcast_in_dim3A_186 : f32 to vector<16xf32>
      %broadcast_in_dim3A_188 = arith.constant 0.000000e+00 : f32
      %broadcast_in_dim3A_189 = vector.broadcast %broadcast_in_dim3A_188 : f32 to vector<16xf32>
      %scan3A = arith.constant 0 : i32
      %scan3A_190 = arith.constant 100 : i32
      %scan3A_191 = arith.addi %scan3A, %scan3A_190 : i32
      %scan3A_192 = arith.constant 1 : i32
      %scan3A_193:5 = scf.for %scan3A_202 = %scan3A to %scan3A_191 step %scan3A_192 iter_args(%scan3A_203 = %broadcast_in_dim3A_187, %scan3A_204 = %broadcast_in_dim3A_187, %scan3A_205 = %broadcast_in_dim3A_187, %scan3A_206 = %broadcast_in_dim3A_187, %scan3A_207 = %broadcast_in_dim3A_189) -> (vector<16xf32>, vector<16xf32>, vector<16xf32>, vector<16xf32>, vector<16xf32>)  : i32 {
        %broadcast_in_dim3A_208 = arith.constant -2.000000e+00 : f32
        %broadcast_in_dim3A_209 = vector.broadcast %broadcast_in_dim3A_208 : f32 to vector<16xf32>
        %broadcast_in_dim3A_210 = arith.constant 0 : i32
        %broadcast_in_dim3A_211 = vector.broadcast %broadcast_in_dim3A_210 : i32 to vector<16xi32>
        %parallel_loop3A_212 = arith.constant 0 : i32
        %parallel_loop3A_213 = arith.constant 128 : i32
        %parallel_loop3A_214 = arith.constant 1 : i32
        %parallel_loop3A_215:2 = scf.for %parallel_loop3A_267 = %parallel_loop3A_212 to %parallel_loop3A_213 step %parallel_loop3A_214 iter_args(%parallel_loop3A_268 = %broadcast_in_dim3A_209, %parallel_loop3A_269 = %broadcast_in_dim3A_211) -> (vector<16xf32>, vector<16xi32>)  : i32 {
          %parallel_loop3A_270 = arith.constant 16 : i32
          %parallel_loop3A_271 = arith.muli %parallel_loop3A_267, %parallel_loop3A_270 : i32
          %parallel_loop3A_272 = arith.constant 0 : i32
          %parallel_loop3A_273 = arith.addi %parallel_loop3A_272, %parallel_loop3A_271 : i32
          %parallel_loop3A_274 = arith.index_cast %parallel_loop3A_273 : i32 to index
          %parallel_loop3A_275 = tpu.vector_load %arg16[%parallel_loop3A_274] {strides = array<i32>} : memref<24576xf32, #tpu.memory_space<vmem>>, vector<16xf32>,
          %parallel_loop3A_276 = arith.constant 2048 : i32
          %parallel_loop3A_277 = arith.addi %parallel_loop3A_276, %parallel_loop3A_271 : i32
          %parallel_loop3A_278 = arith.index_cast %parallel_loop3A_277 : i32 to index
          %parallel_loop3A_279 = tpu.vector_load %arg16[%parallel_loop3A_278] {strides = array<i32>} : memref<24576xf32, #tpu.memory_space<vmem>>, vector<16xf32>,
          %parallel_loop3A_280 = arith.constant 4096 : i32
          %parallel_loop3A_281 = arith.addi %parallel_loop3A_280, %parallel_loop3A_271 : i32
          %parallel_loop3A_282 = arith.index_cast %parallel_loop3A_281 : i32 to index
          %parallel_loop3A_283 = tpu.vector_load %arg16[%parallel_loop3A_282] {strides = array<i32>} : memref<24576xf32, #tpu.memory_space<vmem>>, vector<16xf32>,
          %parallel_loop3A_284 = arith.constant 6144 : i32
          %parallel_loop3A_285 = arith.addi %parallel_loop3A_284, %parallel_loop3A_271 : i32
          %parallel_loop3A_286 = arith.index_cast %parallel_loop3A_285 : i32 to index
          %parallel_loop3A_287 = tpu.vector_load %arg16[%parallel_loop3A_286] {strides = array<i32>} : memref<24576xf32, #tpu.memory_space<vmem>>, vector<16xf32>,
          %parallel_loop3A_288 = arith.constant 8192 : i32
          %parallel_loop3A_289 = arith.addi %parallel_loop3A_288, %parallel_loop3A_271 : i32
          %parallel_loop3A_290 = arith.index_cast %parallel_loop3A_289 : i32 to index
          %parallel_loop3A_291 = tpu.vector_load %arg16[%parallel_loop3A_290] {strides = array<i32>} : memref<24576xf32, #tpu.memory_space<vmem>>, vector<16xf32>,
          %parallel_loop3A_292 = arith.constant 10240 : i32
          %parallel_loop3A_293 = arith.addi %parallel_loop3A_292, %parallel_loop3A_271 : i32
          %parallel_loop3A_294 = arith.index_cast %parallel_loop3A_293 : i32 to index
          %parallel_loop3A_295 = tpu.vector_load %arg16[%parallel_loop3A_294] {strides = array<i32>} : memref<24576xf32, #tpu.memory_space<vmem>>, vector<16xf32>,
          %parallel_loop3A_296 = arith.maximumf %scan3A_203, %parallel_loop3A_275 : vector<16xf32>
          %parallel_loop3A_297 = arith.maximumf %scan3A_204, %parallel_loop3A_279 : vector<16xf32>
          %parallel_loop3A_298 = arith.minimumf %scan3A_205, %parallel_loop3A_283 : vector<16xf32>
          %parallel_loop3A_299 = arith.minimumf %scan3A_206, %parallel_loop3A_287 : vector<16xf32>
          %parallel_loop3A_300 = arith.subf %parallel_loop3A_298, %parallel_loop3A_296 : vector<16xf32>
          %parallel_loop3A_301 = arith.constant 0.000000e+00 : f32
          %parallel_loop3A_302 = vector.broadcast %parallel_loop3A_301 : f32 to vector<16xf32>
          %parallel_loop3A_303 = arith.maximumf %parallel_loop3A_300, %parallel_loop3A_302 : vector<16xf32>
          %parallel_loop3A_304 = arith.subf %parallel_loop3A_299, %parallel_loop3A_297 : vector<16xf32>
          %parallel_loop3A_305 = arith.constant 0.000000e+00 : f32
          %parallel_loop3A_306 = vector.broadcast %parallel_loop3A_305 : f32 to vector<16xf32>
          %parallel_loop3A_307 = arith.maximumf %parallel_loop3A_304, %parallel_loop3A_306 : vector<16xf32>
          %parallel_loop3A_308 = arith.mulf %parallel_loop3A_303, %parallel_loop3A_307 : vector<16xf32>
          %parallel_loop3A_309 = arith.addf %scan3A_207, %parallel_loop3A_291 : vector<16xf32>
          %parallel_loop3A_310 = arith.subf %parallel_loop3A_309, %parallel_loop3A_308 : vector<16xf32>
          %parallel_loop3A_311 = arith.constant 1.000000e-10 : f32
          %parallel_loop3A_312 = vector.broadcast %parallel_loop3A_311 : f32 to vector<16xf32>
          %parallel_loop3A_313 = arith.maximumf %parallel_loop3A_310, %parallel_loop3A_312 : vector<16xf32>
          %parallel_loop3A_314 = arith.divf %parallel_loop3A_308, %parallel_loop3A_313 : vector<16xf32>
          %parallel_loop3A_315 = arith.constant 3.000000e-01 : f32
          %parallel_loop3A_316 = vector.broadcast %parallel_loop3A_315 : f32 to vector<16xf32>
          %parallel_loop3A_317 = arith.cmpf oge, %parallel_loop3A_314, %parallel_loop3A_316 : vector<16xf32>
          %parallel_loop3A_318 = arith.constant -1.000000e+00 : f32
          %parallel_loop3A_319 = vector.broadcast %parallel_loop3A_318 : f32 to vector<16xf32>
          %parallel_loop3A_320 = arith.select %parallel_loop3A_317, %parallel_loop3A_319, %parallel_loop3A_295 : vector<16xi1>, vector<16xf32>
          %parallel_loop3A_321 = arith.constant 10240 : i32
          %parallel_loop3A_322 = arith.addi %parallel_loop3A_321, %parallel_loop3A_271 : i32
          %parallel_loop3A_323 = arith.index_cast %parallel_loop3A_322 : i32 to index
          %parallel_loop3A_324 = tpu.vector_load %arg16[%parallel_loop3A_323] {strides = array<i32>} : memref<24576xf32, #tpu.memory_space<vmem>>, vector<16xf32>,
          tpu.vector_store %arg16[%parallel_loop3A_323], %parallel_loop3A_320 {strides = array<i32>} : memref<24576xf32, #tpu.memory_space<vmem>>, vector<16xf32>,
          %parallel_loop3A_325 = arith.cmpf ogt, %parallel_loop3A_320, %parallel_loop3A_268 : vector<16xf32>
          %parallel_loop3A_326 = arith.select %parallel_loop3A_325, %parallel_loop3A_320, %parallel_loop3A_268 : vector<16xi1>, vector<16xf32>
          %parallel_loop3A_327 = vector.broadcast %parallel_loop3A_267 : i32 to vector<16xi32>
          %parallel_loop3A_328 = arith.select %parallel_loop3A_325, %parallel_loop3A_327, %parallel_loop3A_269 : vector<16xi1>, vector<16xi32>
          scf.yield %parallel_loop3A_326, %parallel_loop3A_328 : vector<16xf32>, vector<16xi32>
        } {sc.loop_unroll_factor = 4 : i64, sc.parallel_access}
        %reduce_max3A = arith.constant true
        %reduce_max3A_216 = vector.broadcast %reduce_max3A : i1 to vector<16xi1>
        %reduce_max3A_217 = tpu.scan <max>, %parallel_loop3A_215#0 masked %reduce_max3A_216 : vector<16xf32>, vector<16xi1> -> vector<16xf32>
        %reduce_max3A_218 = vector.extract %reduce_max3A_217[15] : f32 from vector<16xf32>
        %mul3A_219 = arith.constant 16 : i32
        %mul3A_220 = vector.broadcast %mul3A_219 : i32 to vector<16xi32>
        %mul3A_221 = arith.muli %parallel_loop3A_215#1, %mul3A_220 : vector<16xi32>
        %add3A_222 = arith.addi %mul3A_221, %iota3A : vector<16xi32>
        %eq3A_223 = vector.broadcast %reduce_max3A_218 : f32 to vector<16xf32>
        %eq3A_224 = arith.cmpf oeq, %parallel_loop3A_215#0, %eq3A_223 : vector<16xf32>
        %jit3A_225 = arith.constant 2048 : i32
        %broadcast_in_dim3A_226 = vector.broadcast %jit3A_225 : i32 to vector<16xi32>
        %select_n3A_227 = arith.select %eq3A_224, %add3A_222, %broadcast_in_dim3A_226 : vector<16xi1>, vector<16xi32>
        %reduce_min3A = arith.constant true
        %reduce_min3A_228 = vector.broadcast %reduce_min3A : i1 to vector<16xi1>
        %reduce_min3A_229 = arith.constant -2147483648 : i32
        %reduce_min3A_230 = vector.broadcast %reduce_min3A_229 : i32 to vector<16xi32>
        %reduce_min3A_231 = arith.xori %select_n3A_227, %reduce_min3A_230 : vector<16xi32>
        %reduce_min3A_232 = tpu.scan <min>, %reduce_min3A_231 masked %reduce_min3A_228 : vector<16xi32>, vector<16xi1> -> vector<16xi32>
        %reduce_min3A_233 = arith.xori %reduce_min3A_232, %reduce_min3A_230 : vector<16xi32>
        %reduce_min3A_234 = vector.extract %reduce_min3A_233[15] : i32 from vector<16xi32>
        %gt3A = arith.constant 0.000000e+00 : f32
        %gt3A_235 = arith.cmpf ogt, %reduce_max3A_218, %gt3A : f32
        %jit3A_236 = arith.constant 1.000000e+00 : f32
        %jit3A_237 = arith.constant 0.000000e+00 : f32
        %select_n3A_238 = arith.select %gt3A_235, %jit3A_236, %jit3A_237 : f32
        %eq3A_239 = arith.constant 0 : i32
        %eq3A_240 = vector.broadcast %eq3A_239 : i32 to vector<16xi32>
        %eq3A_241 = arith.cmpi eq, %iota3A, %eq3A_240 : vector<16xi32>
        %broadcast_in_dim3A_242 = vector.broadcast %scan3A_202 : i32 to vector<16xi32>
        %broadcast_in_dim3A_243 = vector.broadcast %reduce_min3A_234 : i32 to vector<16xi32>
        tpu.vector_store_idx %arg17[%broadcast_in_dim3A_242], %broadcast_in_dim3A_243 masked %eq3A_241 : memref<128xi32, #tpu.memory_space<vmem>>[vector<16xi32>], vector<16xi32>, vector<16xi1>
        %broadcast_in_dim3A_244 = vector.broadcast %scan3A_202 : i32 to vector<16xi32>
        %broadcast_in_dim3A_245 = vector.broadcast %select_n3A_238 : f32 to vector<16xf32>
        tpu.vector_store_idx %arg18[%broadcast_in_dim3A_244], %broadcast_in_dim3A_245 masked %eq3A_241 : memref<128xf32, #tpu.memory_space<vmem>>[vector<16xi32>], vector<16xf32>, vector<16xi1>
        %broadcast_in_dim3A_246 = vector.broadcast %reduce_min3A_234 : i32 to vector<16xi32>
        %broadcast_in_dim3A_247 = arith.constant 0 : i32
        %broadcast_in_dim3A_248 = vector.broadcast %broadcast_in_dim3A_247 : i32 to vector<16xi32>
        %add3A_249 = arith.addi %broadcast_in_dim3A_248, %broadcast_in_dim3A_246 : vector<16xi32>
        %gather3A_250 = tpu.vector_load_idx %arg16[%add3A_249] : memref<24576xf32, #tpu.memory_space<vmem>>[vector<16xi32>], vector<16xf32>,
        %broadcast_in_dim3A_251 = arith.constant 2048 : i32
        %broadcast_in_dim3A_252 = vector.broadcast %broadcast_in_dim3A_251 : i32 to vector<16xi32>
        %add3A_253 = arith.addi %broadcast_in_dim3A_252, %broadcast_in_dim3A_246 : vector<16xi32>
        %gather3A_254 = tpu.vector_load_idx %arg16[%add3A_253] : memref<24576xf32, #tpu.memory_space<vmem>>[vector<16xi32>], vector<16xf32>,
        %broadcast_in_dim3A_255 = arith.constant 4096 : i32
        %broadcast_in_dim3A_256 = vector.broadcast %broadcast_in_dim3A_255 : i32 to vector<16xi32>
        %add3A_257 = arith.addi %broadcast_in_dim3A_256, %broadcast_in_dim3A_246 : vector<16xi32>
        %gather3A_258 = tpu.vector_load_idx %arg16[%add3A_257] : memref<24576xf32, #tpu.memory_space<vmem>>[vector<16xi32>], vector<16xf32>,
        %broadcast_in_dim3A_259 = arith.constant 6144 : i32
        %broadcast_in_dim3A_260 = vector.broadcast %broadcast_in_dim3A_259 : i32 to vector<16xi32>
        %add3A_261 = arith.addi %broadcast_in_dim3A_260, %broadcast_in_dim3A_246 : vector<16xi32>
        %gather3A_262 = tpu.vector_load_idx %arg16[%add3A_261] : memref<24576xf32, #tpu.memory_space<vmem>>[vector<16xi32>], vector<16xf32>,
        %broadcast_in_dim3A_263 = arith.constant 8192 : i32
        %broadcast_in_dim3A_264 = vector.broadcast %broadcast_in_dim3A_263 : i32 to vector<16xi32>
        %add3A_265 = arith.addi %broadcast_in_dim3A_264, %broadcast_in_dim3A_246 : vector<16xi32>
        %gather3A_266 = tpu.vector_load_idx %arg16[%add3A_265] : memref<24576xf32, #tpu.memory_space<vmem>>[vector<16xi32>], vector<16xf32>,
        scf.yield %gather3A_250, %gather3A_254, %gather3A_258, %gather3A_262, %gather3A_266 : vector<16xf32>, vector<16xf32>, vector<16xf32>, vector<16xf32>, vector<16xf32>
      }
      %scan3A_194 = arith.constant 100 : i32
      %scan3A_195 = arith.constant 0 : i32
      %scan3A_196 = arith.constant 0 : i32
      %scan3A_197 = arith.constant 7 : i32
      %scan3A_198 = arith.addi %scan3A_196, %scan3A_197 : i32
      %scan3A_199 = arith.constant 1 : i32
      %scan3A_200 = scf.for %scan3A_202 = %scan3A_196 to %scan3A_198 step %scan3A_199 iter_args(%scan3A_203 = %scan3A_195) -> (i32)  : i32 {
        %mul3A_204 = arith.constant 16 : i32
        %mul3A_205 = arith.muli %scan3A_202, %mul3A_204 : i32
        %add3A_206 = vector.broadcast %mul3A_205 : i32 to vector<16xi32>
        %add3A_207 = arith.addi %iota3A, %add3A_206 : vector<16xi32>
        %min3A = arith.constant 99 : i32
        %min3A_208 = vector.broadcast %min3A : i32 to vector<16xi32>
        %min3A_209 = arith.minsi %add3A_207, %min3A_208 : vector<16xi32>
        %gather3A_210 = tpu.vector_load_idx %arg17[%min3A_209] : memref<128xi32, #tpu.memory_space<vmem>>[vector<16xi32>], vector<16xi32>,
        %gather3A_211 = tpu.vector_load_idx %arg18[%min3A_209] : memref<128xf32, #tpu.memory_space<vmem>>[vector<16xi32>], vector<16xf32>,
        %gt3A = arith.constant 0.000000e+00 : f32
        %gt3A_212 = vector.broadcast %gt3A : f32 to vector<16xf32>
        %gt3A_213 = arith.cmpf ogt, %gather3A_211, %gt3A_212 : vector<16xf32>
        %broadcast_in_dim3A_214 = arith.constant 12288 : i32
        %broadcast_in_dim3A_215 = vector.broadcast %broadcast_in_dim3A_214 : i32 to vector<16xi32>
        %add3A_216 = arith.addi %broadcast_in_dim3A_215, %gather3A_210 : vector<16xi32>
        %gather3A_217 = tpu.vector_load_idx %arg16[%add3A_216] : memref<24576xf32, #tpu.memory_space<vmem>>[vector<16xi32>], vector<16xf32>,
        %jit3A_218 = arith.constant 0.000000e+00 : f32
        %broadcast_in_dim3A_219 = vector.broadcast %jit3A_218 : f32 to vector<16xf32>
        %select_n3A_220 = arith.select %gt3A_213, %gather3A_217, %broadcast_in_dim3A_219 : vector<16xi1>, vector<16xf32>
        %mul3A_221 = arith.constant 8 : i32
        %mul3A_222 = vector.broadcast %mul3A_221 : i32 to vector<16xi32>
        %mul3A_223 = arith.muli %add3A_207, %mul3A_222 : vector<16xi32>
        %add3A_224 = arith.constant 0 : i32
        %add3A_225 = vector.broadcast %add3A_224 : i32 to vector<16xi32>
        %add3A_226 = arith.addi %mul3A_223, %add3A_225 : vector<16xi32>
        tpu.vector_store_idx %arg19[%add3A_226], %select_n3A_220 : memref<1024xf32, #tpu.memory_space<vmem>>[vector<16xi32>], vector<16xf32>,
        %broadcast_in_dim3A_227 = arith.constant 14336 : i32
        %broadcast_in_dim3A_228 = vector.broadcast %broadcast_in_dim3A_227 : i32 to vector<16xi32>
        %add3A_229 = arith.addi %broadcast_in_dim3A_228, %gather3A_210 : vector<16xi32>
        %gather3A_230 = tpu.vector_load_idx %arg16[%add3A_229] : memref<24576xf32, #tpu.memory_space<vmem>>[vector<16xi32>], vector<16xf32>,
        %jit3A_231 = arith.constant 0.000000e+00 : f32
        %broadcast_in_dim3A_232 = vector.broadcast %jit3A_231 : f32 to vector<16xf32>
        %select_n3A_233 = arith.select %gt3A_213, %gather3A_230, %broadcast_in_dim3A_232 : vector<16xi1>, vector<16xf32>
        %mul3A_234 = arith.constant 8 : i32
        %mul3A_235 = vector.broadcast %mul3A_234 : i32 to vector<16xi32>
        %mul3A_236 = arith.muli %add3A_207, %mul3A_235 : vector<16xi32>
        %add3A_237 = arith.constant 1 : i32
        %add3A_238 = vector.broadcast %add3A_237 : i32 to vector<16xi32>
        %add3A_239 = arith.addi %mul3A_236, %add3A_238 : vector<16xi32>
        tpu.vector_store_idx %arg19[%add3A_239], %select_n3A_233 : memref<1024xf32, #tpu.memory_space<vmem>>[vector<16xi32>], vector<16xf32>,
        %broadcast_in_dim3A_240 = arith.constant 16384 : i32
        %broadcast_in_dim3A_241 = vector.broadcast %broadcast_in_dim3A_240 : i32 to vector<16xi32>
        %add3A_242 = arith.addi %broadcast_in_dim3A_241, %gather3A_210 : vector<16xi32>
        %gather3A_243 = tpu.vector_load_idx %arg16[%add3A_242] : memref<24576xf32, #tpu.memory_space<vmem>>[vector<16xi32>], vector<16xf32>,
        %jit3A_244 = arith.constant 0.000000e+00 : f32
        %broadcast_in_dim3A_245 = vector.broadcast %jit3A_244 : f32 to vector<16xf32>
        %select_n3A_246 = arith.select %gt3A_213, %gather3A_243, %broadcast_in_dim3A_245 : vector<16xi1>, vector<16xf32>
        %mul3A_247 = arith.constant 8 : i32
        %mul3A_248 = vector.broadcast %mul3A_247 : i32 to vector<16xi32>
        %mul3A_249 = arith.muli %add3A_207, %mul3A_248 : vector<16xi32>
        %add3A_250 = arith.constant 2 : i32
        %add3A_251 = vector.broadcast %add3A_250 : i32 to vector<16xi32>
        %add3A_252 = arith.addi %mul3A_249, %add3A_251 : vector<16xi32>
        tpu.vector_store_idx %arg19[%add3A_252], %select_n3A_246 : memref<1024xf32, #tpu.memory_space<vmem>>[vector<16xi32>], vector<16xf32>,
        %broadcast_in_dim3A_253 = arith.constant 18432 : i32
        %broadcast_in_dim3A_254 = vector.broadcast %broadcast_in_dim3A_253 : i32 to vector<16xi32>
        %add3A_255 = arith.addi %broadcast_in_dim3A_254, %gather3A_210 : vector<16xi32>
        %gather3A_256 = tpu.vector_load_idx %arg16[%add3A_255] : memref<24576xf32, #tpu.memory_space<vmem>>[vector<16xi32>], vector<16xf32>,
        %jit3A_257 = arith.constant 0.000000e+00 : f32
        %broadcast_in_dim3A_258 = vector.broadcast %jit3A_257 : f32 to vector<16xf32>
        %select_n3A_259 = arith.select %gt3A_213, %gather3A_256, %broadcast_in_dim3A_258 : vector<16xi1>, vector<16xf32>
        %mul3A_260 = arith.constant 8 : i32
        %mul3A_261 = vector.broadcast %mul3A_260 : i32 to vector<16xi32>
        %mul3A_262 = arith.muli %add3A_207, %mul3A_261 : vector<16xi32>
        %add3A_263 = arith.constant 3 : i32
        %add3A_264 = vector.broadcast %add3A_263 : i32 to vector<16xi32>
        %add3A_265 = arith.addi %mul3A_262, %add3A_264 : vector<16xi32>
        tpu.vector_store_idx %arg19[%add3A_265], %select_n3A_259 : memref<1024xf32, #tpu.memory_space<vmem>>[vector<16xi32>], vector<16xf32>,
        %broadcast_in_dim3A_266 = arith.constant 20480 : i32
        %broadcast_in_dim3A_267 = vector.broadcast %broadcast_in_dim3A_266 : i32 to vector<16xi32>
        %add3A_268 = arith.addi %broadcast_in_dim3A_267, %gather3A_210 : vector<16xi32>
        %gather3A_269 = tpu.vector_load_idx %arg16[%add3A_268] : memref<24576xf32, #tpu.memory_space<vmem>>[vector<16xi32>], vector<16xf32>,
        %jit3A_270 = arith.constant 0.000000e+00 : f32
        %broadcast_in_dim3A_271 = vector.broadcast %jit3A_270 : f32 to vector<16xf32>
        %select_n3A_272 = arith.select %gt3A_213, %gather3A_269, %broadcast_in_dim3A_271 : vector<16xi1>, vector<16xf32>
        %mul3A_273 = arith.constant 8 : i32
        %mul3A_274 = vector.broadcast %mul3A_273 : i32 to vector<16xi32>
        %mul3A_275 = arith.muli %add3A_207, %mul3A_274 : vector<16xi32>
        %add3A_276 = arith.constant 4 : i32
        %add3A_277 = vector.broadcast %add3A_276 : i32 to vector<16xi32>
        %add3A_278 = arith.addi %mul3A_275, %add3A_277 : vector<16xi32>
        tpu.vector_store_idx %arg19[%add3A_278], %select_n3A_272 : memref<1024xf32, #tpu.memory_space<vmem>>[vector<16xi32>], vector<16xf32>,
        %broadcast_in_dim3A_279 = arith.constant 22528 : i32
        %broadcast_in_dim3A_280 = vector.broadcast %broadcast_in_dim3A_279 : i32 to vector<16xi32>
        %add3A_281 = arith.addi %broadcast_in_dim3A_280, %gather3A_210 : vector<16xi32>
        %gather3A_282 = tpu.vector_load_idx %arg16[%add3A_281] : memref<24576xf32, #tpu.memory_space<vmem>>[vector<16xi32>], vector<16xf32>,
        %jit3A_283 = arith.constant 0.000000e+00 : f32
        %broadcast_in_dim3A_284 = vector.broadcast %jit3A_283 : f32 to vector<16xf32>
        %select_n3A_285 = arith.select %gt3A_213, %gather3A_282, %broadcast_in_dim3A_284 : vector<16xi1>, vector<16xf32>
        %mul3A_286 = arith.constant 8 : i32
        %mul3A_287 = vector.broadcast %mul3A_286 : i32 to vector<16xi32>
        %mul3A_288 = arith.muli %add3A_207, %mul3A_287 : vector<16xi32>
        %add3A_289 = arith.constant 5 : i32
        %add3A_290 = vector.broadcast %add3A_289 : i32 to vector<16xi32>
        %add3A_291 = arith.addi %mul3A_288, %add3A_290 : vector<16xi32>
        tpu.vector_store_idx %arg19[%add3A_291], %select_n3A_285 : memref<1024xf32, #tpu.memory_space<vmem>>[vector<16xi32>], vector<16xf32>,
        %scan3A_292 = arith.constant 0 : i32
        scf.yield %scan3A_292 : i32
      }
      %scan3A_201 = arith.constant 7 : i32
      "tpu.region"() ({
        %run_scoped3A_202 = tpu.sem_alloc : memref<!tpu.dma_semaphore, #tpu.memory_space<semaphore_mem>>
        %dma_start3A_203 = arith.constant 0 : i32
        %dma_start3A_204 = tpu.memref_slice %arg6[%add3A_30, %dma_start3A_203] : memref<8x1024xf32, #tpu.memory_space<hbm>> -> memref<1x1024xf32, #tpu.memory_space<hbm>>
        %dma_start3A_205 = tpu.memref_squeeze %dma_start3A_204 : memref<1x1024xf32, #tpu.memory_space<hbm>> -> memref<1024xf32, #tpu.memory_space<hbm>>
        %dma_start3A_206 = arith.constant 0 : i32
        %dma_start3A_207 = tpu.memref_slice %arg6[%add3A_30, %dma_start3A_206] : memref<8x1024xf32, #tpu.memory_space<hbm>> -> memref<1x1024xf32, #tpu.memory_space<hbm>>
        %dma_start3A_208 = tpu.memref_squeeze %dma_start3A_207 : memref<1x1024xf32, #tpu.memory_space<hbm>> -> memref<1024xf32, #tpu.memory_space<hbm>>
        tpu.enqueue_dma source(%arg19 : memref<1024xf32, #tpu.memory_space<vmem>>) target(%dma_start3A_208 : memref<1024xf32, #tpu.memory_space<hbm>>) target_semaphore(%run_scoped3A_202 : memref<!tpu.dma_semaphore, #tpu.memory_space<semaphore_mem>>)
        %dma_wait3A_209 = arith.constant 0 : i32
        %dma_wait3A_210 = tpu.memref_slice %arg6[%add3A_30, %dma_wait3A_209] : memref<8x1024xf32, #tpu.memory_space<hbm>> -> memref<1x1024xf32, #tpu.memory_space<hbm>>
        %dma_wait3A_211 = tpu.memref_squeeze %dma_wait3A_210 : memref<1x1024xf32, #tpu.memory_space<hbm>> -> memref<1024xf32, #tpu.memory_space<hbm>>
        %dma_wait3A_212 = arith.constant 0 : i32
        %dma_wait3A_213 = tpu.memref_slice %arg6[%add3A_30, %dma_wait3A_212] : memref<8x1024xf32, #tpu.memory_space<hbm>> -> memref<1x1024xf32, #tpu.memory_space<hbm>>
        %dma_wait3A_214 = tpu.memref_squeeze %dma_wait3A_213 : memref<1x1024xf32, #tpu.memory_space<hbm>> -> memref<1024xf32, #tpu.memory_space<hbm>>
        tpu.wait_dma2 semaphore(%run_scoped3A_202 : memref<!tpu.dma_semaphore, #tpu.memory_space<semaphore_mem>>) src(%arg19 : memref<1024xf32, #tpu.memory_space<vmem>>) dst(%dma_wait3A_214 : memref<1024xf32, #tpu.memory_space<hbm>>)
        tpu.yield
      }) : () -> ()
    } else {
    }
    return
  }
}

module attributes {stable_mosaic.version = 14 : i64} {
  func.func @_scale_body(%arg0: i32, %arg1: memref<4096x128xf32, #tpu.memory_space<vmem>>, %arg2: memref<4096x128xf32, #tpu.memory_space<vmem>>) attributes {dimension_semantics = [#tpu.dimension_semantics<arbitrary>], iteration_bounds = array<i64: 10>, scalar_prefetch = 0 : i64, scratch_operands = 0 : i64, tpu.core_type = #tpu.core_type<tc>, window_params = [{transform_indices = @transform_0, window_bounds = array<i64: 4096, 128>}, {transform_indices = @transform_1, window_bounds = array<i64: 4096, 128>}]} {
    %iota3A = tpu.iota {dimensions = array<i32: 1>} : vector<4096x128xi32>
    %jit3A = arith.constant 4 : i32
    %eq3A = arith.constant 0 : i32
    %eq3A_0 = arith.cmpi eq, %jit3A, %eq3A : i32
    %jit3A_1 = arith.constant 1 : i32
    %select_n3A = arith.select %eq3A_0, %jit3A_1, %jit3A : i32
    %rem3A = vector.broadcast %select_n3A : i32 to vector<4096x128xi32>
    %rem3A_2 = arith.remsi %iota3A, %rem3A : vector<4096x128xi32>
    %ne3A = arith.constant 0 : i32
    %ne3A_3 = vector.broadcast %ne3A : i32 to vector<4096x128xi32>
    %ne3A_4 = arith.cmpi ne, %rem3A_2, %ne3A_3 : vector<4096x128xi32>
    %lt3A = arith.constant 0 : i32
    %lt3A_5 = vector.broadcast %lt3A : i32 to vector<4096x128xi32>
    %lt3A_6 = arith.cmpi slt, %rem3A_2, %lt3A_5 : vector<4096x128xi32>
    %lt3A_7 = arith.constant 0 : i32
    %lt3A_8 = arith.cmpi slt, %select_n3A, %lt3A_7 : i32
    %ne3A_9 = vector.broadcast %lt3A_8 : i1 to vector<4096x128xi1>
    %ne3A_10 = vector.broadcast %ne3A_9 : vector<4096x128xi1> to vector<4096x128xi1>
    %ne3A_11 = arith.xori %lt3A_6, %ne3A_10 : vector<4096x128xi1>
    %and3A = arith.andi %ne3A_11, %ne3A_4 : vector<4096x128xi1>
    %add3A = vector.broadcast %select_n3A : i32 to vector<4096x128xi32>
    %add3A_12 = arith.addi %rem3A_2, %add3A : vector<4096x128xi32>
    %select_n3A_13 = arith.select %and3A, %add3A_12, %rem3A_2 : vector<4096x128xi1>, vector<4096x128xi32>
    %lt3A_14 = arith.constant 2 : i32
    %lt3A_15 = vector.broadcast %lt3A_14 : i32 to vector<4096x128xi32>
    %lt3A_16 = arith.cmpi slt, %select_n3A_13, %lt3A_15 : vector<4096x128xi32>
    %jit3A_17 = arith.constant 1.000000e-01 : f32
    %jit3A_18 = arith.constant 2.000000e-01 : f32
    %broadcast_in_dim3A = vector.broadcast %jit3A_17 : f32 to vector<4096x128xf32>
    %broadcast_in_dim3A_19 = vector.broadcast %jit3A_18 : f32 to vector<4096x128xf32>
    %select_n3A_20 = arith.select %lt3A_16, %broadcast_in_dim3A, %broadcast_in_dim3A_19 : vector<4096x128xi1>, vector<4096x128xf32>
    %get3A = arith.constant 0 : index
    %get3A_21 = arith.constant 0 : index
    %get3A_22 = vector.load %arg1[%get3A, %get3A_21] : memref<4096x128xf32, #tpu.memory_space<vmem>>, vector<4096x128xf32>
    %mul3A = arith.mulf %get3A_22, %select_n3A_20 : vector<4096x128xf32>
    %swap3A = arith.constant 0 : index
    %swap3A_23 = arith.constant 0 : index
    %swap3A_24 = vector.load %arg2[%swap3A, %swap3A_23] : memref<4096x128xf32, #tpu.memory_space<vmem>>, vector<4096x128xf32>
    tpu.vector_store %arg2[%swap3A, %swap3A_23], %mul3A {strides = array<i32>} : memref<4096x128xf32, #tpu.memory_space<vmem>>, vector<4096x128xf32>,
    return
  }
  func.func @transform_0(%arg0: i32) -> (i32, i32) {
    %c0_i32 = arith.constant 0 : i32
    %c0_i32_0 = arith.constant 0 : i32
    return %arg0, %c0_i32 : i32, i32
  }
  func.func @transform_1(%arg0: i32) -> (i32, i32) {
    %c0_i32 = arith.constant 0 : i32
    %c0_i32_0 = arith.constant 0 : i32
    return %arg0, %c0_i32 : i32, i32
  }
}

</mosaic_0001>

<sc_bundles>
// kernel: kernel.4.cloned.1.call-start
scs
__scs_entry_jumppad:
0x0: {  	(pc) =	sbr.rel $0x88, $3  }
0x1: {  	(tag) =	ssettag $0x0;
	lr =	simm.s32 $0x1  }
0x2: {  	[smem:$0x3F9D] =	sst lr;
	_ =	strace $0xD0000000  }
0x3: {  	_ = 	snop  }
0x4: {  	_ = 	snop  }
0x5: {  	_ = 	snop  }
0x6: {  	_ = 	snop  }
0x7: {  	_ = 	snop  }
__scs_overlays_trampoline_lowered:
0x8: {  	[smem:$0x3FAC] =	sst s0  }
0x9: {  	[smem:$0x3FAD] =	sst s1  }
0xa: {  	[smem:$0x3FAE] =	sst s2  }
0xb: {  	[smem:$0x3FAF] =	sst s3  }
0xc: {  	[smem:$0x3FB0] =	sst s4  }
0xd: {  	[smem:$0x3FB1] =	sst s5  }
0xe: {  	[smem:$0x3FB2] =	sst s6  }
0xf: {  	[smem:$0x3FB3] =	sst s7  }
0x10: {  	[smem:$0x3FB4] =	sst s8  }
0x11: {  	[smem:$0x3FB5] =	sst s9;
	s0 =	simm.s32 @!p0 $0x0  }
0x12: {  	s1 =	sld [smem:$0x3F9B];
	s0 =	simm.s32 @p0 $0x1  }
0x13: {  	[smem:$0x3FB6] =	sst s0;
	s0 =	simm.s32 @!p1 $0x0  }
0x14: {  	s2 =	sld [smem:$0x3F9A];
	s0 =	simm.s32 @p1 $0x1  }
0x15: {  	[smem:$0x3FB7] =	sst s0;
	s0 =	simm.s32 @!p2 $0x0  }
0x16: {  	s3 =	sld [smem:$0x3FDB];
	s0 =	simm.s32 @p2 $0x1  }
0x17: {  	s4 =	simm.s32 $0x1BF5;
	[smem:$0x3FB9] =	sst s0  }
0x18: {  	s0 =	sld [smem:$0x3F9C];
	_ =	swait.ge [sflag:s4], $0x0  }
0x19: {  	s7 =	sld [smem:$0x3F9D]  }
0x1a: {  	s8 =	sadd.s32 $0xFFFFE003, lr  }
0x1b: {  	s9 =	sadd.s32 $0xFFFFFEF7, lr;
	s5 =	simm.s32 $0xFFFFFFFF;
	p2 =	slt.u32 s8, $0xFFFFF086  }
0x1c: {  	p1 =	slt.u32 s9, $0xF7A;
	s5 =	simm.s32 @!p2 $0x0  }
0x1d: {  	s5 =	simm.s32 @p1 $0x1;
	p0 =	seq.s32 s7, s2  }
0x1e: {  	s7 =	smul.u32 @!p0 $0xF7A, s2;
	p2 =	seq.s32 @!p0 s5, $0x0  }
0x1f: {  	s9 =	smul.u32 $0xF7A, s1;
	s8 =	simm.s32 @!p0 $0x1BF5;
	p2 =	por !p2, p0  }
0x20: {  	[sflag:s8] =	ssyncset.s32 @!p0 $0xFFFFF086;
	s6 =	sadd.s32 @!p0 s3, s7;
	s7 =	simm.s32 @!p0 $0x108  }
0x21: {  	s3 =	sadd.s32 s3, s9;
	s6 =	sadd.s32 @!p0 $0x88, s6;
	s7 =	simm.s32 @p2 $0x1082  }
0x22: {  	[simem:s7], [sflag:s8] =	dma.local @!p0 [hbm:s6], $0xF7A  }
0x23: {  	s9 =	sor.u32 $0xD0000000, s2;
	s6 =	simm.s32 $0x108;
	_ =	swait.ge @!p0 [sflag:s8], $0x0  }
0x24: {  	s3 =	sadd.s32 $0x88, s3;
	s6 =	simm.s32 @!p1 $0x1082;
	[sflag:s4] =	ssyncset.s32 $0xFFFFF086  }
0x25: {  	[simem:s6], [sflag:s4] =	dma.local [hbm:s3], $0xF7A  }
0x26: {  	[smem:$0x3F9D] =	sst s1;
	(tag) =	ssettag s2;
	_ =	strace s9  }
0x27: {  	s1 =	sld [smem:$0x3FAD]  }
0x28: {  	s2 =	sld [smem:$0x3FAE]  }
0x29: {  	s4 =	sld [smem:$0x3FB0]  }
0x2a: {  	p0 =	seq.s32 s5, $0x0;
	s5 =	sld [smem:$0x3FB1]  }
0x2b: {  	s6 =	sld [smem:$0x3FB2]  }
0x2c: {  	s7 =	sld [smem:$0x3FB3]  }
0x2d: {  	s3 =	simm.s32 $0x108;
	s8 =	sld [smem:$0x3FB4]  }
0x2e: {  	s3 =	simm.s32 @!p0 $0x1082;
	s9 =	sld [smem:$0x3FB5]  }
0x2f: {  	lr =	sadd.s32 s0, s3;
	s0 =	sld [smem:$0x3FAC]  }
0x30: {  	s3 =	sld [smem:$0x3FAF]  }
0x31: {  	[smem:$0x3FB8] =	sst s10  }
0x32: {  	s10 =	sld [smem:$0x3FB6];
	_ =	sdelay $0x3  }
0x33: {  	p0 =	seq.s32 s10, $0x1;
	s10 =	sld [smem:$0x3FB8];
	_ =	sdelay $0x3  }
0x34: {  	[smem:$0x3FB8] =	sst s10  }
0x35: {  	s10 =	sld [smem:$0x3FB7];
	_ =	sdelay $0x3  }
0x36: {  	p1 =	seq.s32 s10, $0x1;
	s10 =	sld [smem:$0x3FB8];
	_ =	sdelay $0x3  }
0x37: {  	[smem:$0x3FB8] =	sst s10  }
0x38: {  	s10 =	sld [smem:$0x3FB9]  }
0x39: {  	_ = 	snop;
	(pc) =	sbr.ind lr, $3  }
0x3a: {  	_ = 	snop  }
0x3b: {  	_ = 	snop  }
0x3c: {  	p2 =	seq.s32 s10, $0x1;
	s10 =	sld [smem:$0x3FB8]  }
0x3d: {  	_ =	shalt  }
0x3e: {  	_ =	shalt  }
0x3f: {  	_ =	shalt  }
0x40: {  	_ =	shalt  }
0x41: {  	_ =	shalt  }
0x42: {  	_ =	shalt  }
0x43: {  	_ =	shalt  }
0x44: {  	_ =	shalt  }
0x45: {  	_ =	shalt  }
0x46: {  	_ =	shalt  }
0x47: {  	_ =	shalt  }
0x48: {  	_ =	shalt  }
0x49: {  	_ =	shalt  }
0x4a: {  	_ =	shalt  }
0x4b: {  	_ =	shalt  }
0x4c: {  	_ =	shalt  }
0x4d: {  	_ =	shalt  }
0x4e: {  	_ =	shalt  }
0x4f: {  	_ =	shalt  }
0x50: {  	_ =	shalt  }
0x51: {  	_ =	shalt  }
0x52: {  	_ =	shalt  }
0x53: {  	_ =	shalt  }
0x54: {  	_ =	shalt  }
0x55: {  	_ =	shalt  }
0x56: {  	_ =	shalt  }
0x57: {  	_ =	shalt  }
0x58: {  	_ =	shalt  }
0x59: {  	_ =	shalt  }
0x5a: {  	_ =	shalt  }
0x5b: {  	_ =	shalt  }
0x5c: {  	_ =	shalt  }
0x5d: {  	_ =	shalt  }
0x5e: {  	_ =	shalt  }
0x5f: {  	_ =	shalt  }
0x60: {  	_ =	shalt  }
0x61: {  	_ =	shalt  }
0x62: {  	_ =	shalt  }
0x63: {  	_ =	shalt  }
0x64: {  	_ =	shalt  }
0x65: {  	_ =	shalt  }
0x66: {  	_ =	shalt  }
0x67: {  	_ =	shalt  }
0x68: {  	_ =	shalt  }
0x69: {  	_ =	shalt  }
0x6a: {  	_ =	shalt  }
0x6b: {  	_ =	shalt  }
0x6c: {  	_ =	shalt  }
0x6d: {  	_ =	shalt  }
0x6e: {  	_ =	shalt  }
0x6f: {  	_ =	shalt  }
0x70: {  	_ =	shalt  }
0x71: {  	_ =	shalt  }
0x72: {  	_ =	shalt  }
0x73: {  	_ =	shalt  }
0x74: {  	_ =	shalt  }
0x75: {  	_ =	shalt  }
0x76: {  	_ =	shalt  }
0x77: {  	_ =	shalt  }
0x78: {  	_ =	shalt  }
0x79: {  	_ =	shalt  }
0x7a: {  	_ =	shalt  }
0x7b: {  	_ =	shalt  }
0x7c: {  	_ =	shalt  }
0x7d: {  	_ =	shalt  }
0x7e: {  	_ =	shalt  }
0x7f: {  	_ =	shalt  }
0x80: {  	_ =	shalt  }
0x81: {  	_ =	shalt  }
0x82: {  	_ =	shalt  }
0x83: {  	_ =	shalt  }
0x84: {  	_ =	shalt  }
0x85: {  	_ =	shalt  }
0x86: {  	_ =	shalt  }
0x87: {  	_ =	shalt  }
.Lfunc_end0:
.L_simem_size_0:
called_computation_lowered:
.L_overlay_start_0:
0x88: {  	s2 =	sld [smem:$0x3FD9]  }
0x89: {  	s3 =	sld [smem:$0x3FFE];
	_ =	sdelay $0x1  }
0x8a: {  	s1 =	srdreg.scid  }
0x8b: {  	s0 =	sand.u32 $0x1, s1  }
0x8c: {  	s17 =	sshll.u32 s0, $0xA;
	s2 =	sadd.s32 s3, s2  }
0x8d: {  	s2 =	sadd.s32 s2, s17  }
0x8e: {  	[smem:$0x3FC4] =	sst s2  }
0x8f: {  	_ = 	snop  }
0x90: {  	s2 =	sld [smem:$0x3FD0];
	(tm) =	ssettm $0x1  }
0x91: {  	s18 =	sld [smem:$0x3FFB];
	_ =	sdelay $0x3  }
0x92: {  	_ =	strace s18  }
0x93: {  	s3 =	sld [smem:$0x3FFC];
	_ =	sdelay $0x3  }
0x94: {  	_ =	strace s3  }
0x95: {  	s3 =	sld [smem:$0x3FFD];
	_ =	sdelay $0x3  }
0x96: {  	_ =	strace s3  }
0x97: {  	_ =	strace $0x8FFFFFFF  }
0x98: {  	s19 =	sld [smem:$0x3FDB];
	_ =	sdelay $0x1  }
0x99: {  	s4 =	simm.s32 $_scs_section_size  }
0x9a: {  	s5 =	simm.s32 $_size__tile_overlayer_lowered;
	s6 =	simm.s32 $_tile_overlayer_lowered  }
0x9b: {  	s22 =	simm.s32 $0x1BFF;
	s21 =	sshll.u32 s6, $0x1;
	s3 =	sadd.s32 s4, s19  }
0x9c: {  	s7 =	simm.s32 $0x0;
	s20 =	sshll.u32 s5, $0x1;
	s5 =	sadd.s32 s21, s3  }
0x9d: {  	[timem:s7], [sflag:s22] =	dma.local [hbm:s5], s20  }
0x9e: {  	_ =	swait.ge [sflag:s22], s20  }
0x9f: {  	s4 =	ssub.s32 $0x0, s20;
	[sflag:s22] =	ssyncset.done $0x0  }
0xa0: {  	[sflag:s22] =	ssyncadd.s32 s4;
	_ =	sdelay $0x1  }
0xa1: {  	s23 =	simm.s32 $0x1B8B  }
0xa2: {  	_ =	swait.ge [sflag:s23], $0x1  }
0xa3: {  	[sflag:s23] =	ssyncset.done $0x0  }
0xa4: {  	s25 =	simm.s32 $0x1B8E;
	s24 =	sld [smem:$0x3FFE];
	[sflag:s23] =	ssyncadd.s32 $0xFFFFFFFF  }
0xa5: {  	s26 =	simm.s32 $execute0_lowered;
	[smem:$0x3FD2] =	sst s25  }
0xa6: {  	s5 =	sshll.u32 s26, $0x1;
	_ =	strace $0x80000046;
	[dreg:$0x1] =	wrdreg $0xFFFFFFFF  }
0xa7: {  	s28 =	simm.s32 $_size_execute0_lowered;
	s3 =	sadd.s32 s3, s5;
	[dreg:$0x0] =	wrdreg $0x0  }
0xa8: {  	s5 =	sshll.u32 s28, $0x1;
	[dreg:$0x2] =	wrdreg s3  }
0xa9: {  	[dreg:$0x3] =	wrdreg s5  }
0xaa: {  	[dreg:$0x4] =	wrdreg $0xC0  }
0xab: {  	_ =	task [dreg:s7], $0x5FFFF  }
0xac: {  	[dreg:$0x1] =	wrdreg $0xFFFFFFFF  }
0xad: {  	[dreg:$0x0] =	wrdreg $0x60  }
0xae: {  	[dreg:$0x2] =	wrdreg s24  }
0xaf: {  	[dreg:$0x3] =	wrdreg s2  }
0xb0: {  	[dreg:$0x4] =	wrdreg $0x148800  }
0xb1: {  	[dreg:$0x5] =	wrdreg $0x9  }
0xb2: {  	_ =	task.clear_ibuf [dreg:s7], $0x6FFFF;
	_ =	strace $0x90000046  }
0xb3: {  	s29 =	simm.s32 $0x9;
	_ =	strace $0x80000048  }
0xb4: {  	_ =	swait.ge [sflag:s29], $0x1  }
0xb5: {  	[sflag:s29] =	ssyncadd.s32 $0xFFFFFFFF  }
0xb6: {  	_ =	strace $0x90000048  }
0xb7: {  	_ =	sfence  }
0xb8: {  	s30 =	sld [smem:$0x0];
	_ =	sdelay $0x2  }
0xb9: {  	s31 =	sshll.u32 s1, $0xD;
	s1 =	sshrl.u32 s1, $0x2  }
0xba: {  	s3 =	sand.u32 $0x4000, s31;
	s1 =	sadd.s32 s1, s30  }
0xbb: {  	s0 =	sor.u32 s3, s0;
	s1 =	sshll.u32 s1, $0x11  }
0xbc: {  	s0 =	sor.u32 s1, s0  }
0xbd: {  	s0 =	sadd.s32 $0x8F2B, s0  }
0xbe: {  	[sflag:s0] =	ssyncadd.remote.s32 $0x1  }
0xbf: {  	_ =	sfence.sel $0xFFFF  }
0xc0: {  	[dreg:$0x0] =	wrdreg $0xFFFFFFFF;
	(pc) =	sbr.abs _section_cstart, $3  }
0xc1: {  	[dreg:$0x1] =	wrdreg $0xFFFFFFFF  }
0xc2: {  	_ =	task.clear_ibuf [dreg:s7], $0x2FFFF;
	_ =	strace $0x9FFFFFFF  }
0xc3: {  	(tm) =	ssettm $0x7FFFFFFF  }
tec
execute0_lowered:
.L_overlay_start_1:
0x0: {  	(tag) =	ssettag $0x1  }
0x1: {  	s0 =	srdreg.scid  }
0x2: {  	s3 =	stileid.u32;
	s7 =	rddreg [dreg:$0x0];
	s0 =	sand.u32 $0x1, s0  }
0x3: {  	s23 =	rddreg [dreg:$0x1];
	s1 =	sshrl.u32 s3, $0x2;
	s2 =	sshll.u32 s0, $0x2  }
0x4: {  	s8 =	rddreg [dreg:$0x2];
	s6 =	sand.u32 $0x3, s3;
	s5 =	sor.u32 s1, s2  }
0x5: {  	p0 =	seq.s32 s6, $0x3;
	s3 =	sshll.u32 s6, $0x9;
	s2 =	smul.u32 $0x7D0, s5  }
0x6: {  	s29 =	simm.s32 $0x200;
	s3 =	simm.s32 @p0 $0x5D0;
	s1 =	sshll.u32 s1, $0x7  }
0x7: {  	s8 =	sadd.s32 s1, s8;
	s2 =	sadd.s32 s3, s2;
	s3 =	simm.s32 $0x0  }
0x8: {  	s28 =	simm.s32 $0x1C100;
	s20 =	sadd.s32 $0x2000, s8;
	[smem:$0x7FF] =	sst s3  }
0x9: {  	s21 =	sadd.s32 $0x4000, s8;
	_ =	strace $0x80000047;
	[dreg:$0x6] =	wrdreg s20  }
0xa: {  	s0 =	ssub.s32 $0x2, s0;
	s22 =	sadd.s32 $0x6000, s8;
	[dreg:$0x9] =	wrdreg s21  }
0xb: {  	s11 =	sshrl.u32 s0, $0x1;
	s25 =	sadd.s32 $0x8000, s8;
	[dreg:$0xb] =	wrdreg s22  }
0xc: {  	s0 =	ssub.s32 s0, s11;
	s11 =	sadd.s32 $0xA000, s8;
	[dreg:$0xc] =	wrdreg s25  }
0xd: {  	s19 =	sshll.u32 s6, $0xB;
	s12 =	sadd.s32 $0xC000, s8;
	[dreg:$0xf] =	wrdreg s11  }
0xe: {  	p0 =	sne.s32 s6, $0x0;
	s13 =	sadd.s32 s19, s12;
	[dreg:$0x11] =	wrdreg s12  }
0xf: {  	s5 =	sshll.u32 s5, $0x4;
	s14 =	sadd.s32 $0xE000, s8;
	[dreg:$0x12] =	wrdreg s13  }
0x10: {  	s30 =	sadd.s32 s19, s8;
	s6 =	sadd.s32 s19, s14;
	[dreg:$0x13] =	wrdreg s14  }
0x11: {  	s15 =	sadd.s32 $0x10000, s8;
	s17 =	sadd.s32 $0x12000, s8;
	[dreg:$0x15] =	wrdreg s6  }
0x12: {  	s18 =	sadd.s32 $0x14000, s8;
	s16 =	sadd.s32 s19, s15;
	[dreg:$0x14] =	wrdreg s15  }
0x13: {  	s0 =	smax.u32 s0, $0x1;
	s31 =	sadd.s32 s19, s20;
	[dreg:$0x16] =	wrdreg s16  }
0x14: {  	s4 =	smul.u32 $0x51, s2;
	s9 =	sshrl.u32 s2, $0x1;
	[dreg:$0x17] =	wrdreg s17  }
0x15: {  	v0 =	vmov s2;
	s2 =	simm.s32 $0x1C180;
	s9 =	sadd.s32 s9, s7;
	[dreg:$0x4] =	wrdreg s8  }
0x16: {  	s6 =	sadd.s32 s19, s17;
	s8 =	sadd.s32 $0x16000, s8;
	[dreg:$0x19] =	wrdreg s18  }
0x17: {  	[dreg:$0x1e] =	wrdreg s0;
	s20 =	sor.u32 $0x1, s5;
	s13 =	simm.s32 $0x80  }
0x18: {  	s17 =	simm.s32 $0xB000;
	s14 =	simm.s32 $0x0;
	[dreg:$0x7] =	wrdreg s30  }
0x19: {  	[dreg:$0x8] =	wrdreg s31;
	s4 =	sshrl.u32 s4, $0x3;
	s26 =	sadd.s32 $0xC7000, s9  }
0x1a: {  	s9 =	sadd.s32 s19, s21;
	[dreg:$0x18] =	wrdreg s6;
	s6 =	sadd.s32 s19, s18  }
0x1b: {  	[dreg:$0x1a] =	wrdreg s8;
	s1 =	sadd.s32 s19, s8;
	s21 =	sor.u32 $0x2, s5  }
0x1c: {  	s8 =	simm.s32 $0xA200;
	s10 =	sadd.s32 s4, s7;
	[dreg:$0xa] =	wrdreg s9  }
0x1d: {  	s4 =	sadd.s32 $0x1200, s7;
	s7 =	sadd.s32 s5, s7;
	[dreg:$0x1b] =	wrdreg s6  }
0x1e: {  	s9 =	sadd.s32 s19, s22;
	[dreg:$0x1c] =	wrdreg s1;
	s1 =	simm.s32 $0x2  }
.Ltmp0:
0x1f: {  	s22 =	simm.s32 $0x1;
	[dreg:$0x5] =	wrdreg s26;
	(pc) =	sbr.rel .LBB2_1-.Ltmp0, $4  }
0x20: {  	v1 =	vmov s5;
	s24 =	sadd.s32 $0x9F600, s10;
	[dreg:$0xd] =	wrdreg s9;
	s10 =	sadd.s32 s19, s25  }
0x21: {  	v1 =	vbroadcast v1, $0x0;
	v2 =	vmov s20;
	s9 =	sadd.s32 s19, s11;
	s25 =	sor.u32 $0x3, s5;
	[dreg:$0xe] =	wrdreg s10  }
0x22: {  	v3 =	vmov s21;
	v2 =	vbroadcast v2, $0x0;
	s19 =	sadd.s32 $0xC9000, s7;
	s11 =	simm.s32 $0x14800;
	[dreg:$0x10] =	wrdreg s9;
	v4 =	vmov s25  }
0x23: {  	v5 =	vlaneseq.u32;
	v3 =	vbroadcast v3, $0x0;
	[dreg:$0x1d] =	wrdreg s19;
	s19 =	simm.s32 $0x16080;
	s25 =	simm.s32 $0x1C080;
	v4 =	vbroadcast v4, $0x0  }
.LBB2_19:
0x24: {  	s14 =	sadd.s32 $0x1, s14;
	s0 =	rddreg [dreg:$0x1e]  }
0x25: {  	p1 =	sne.s32 s14, s0  }
.Ltmp1:
0x26: {  	_ = 	snop;
	(pc) =	sbr.rel @!p1 .LBB2_20-.Ltmp1, $1  }
0x27: {  	_ =	sdelay $0x3  }
.LBB2_1:
0x28: {  	[tilespmem:s3], [sflag:$0x2] =	stream.linear.gather [hbm4b:s24+s3], $0xA200, $0x38;
	[tilespmem:$0x1C580] =	vst v63  }
0x29: {  	_ =	swait.ge [sflag:s1], $0xA200  }
0x2a: {  	[sflag:s1] =	ssyncset.done $0x0  }
0x2b: {  	[sflag:s1] =	ssyncadd.s32 $0xFFFF5E00  }
0x2c: {  	[tilespmem:s8], [sflag:$0x2] =	stream.linear.gather [hbm4b:s26+s3], $0x800, $0x38;
	[tilespmem:$0x1C580] =	vst v63  }
0x2d: {  	_ =	swait.ge [sflag:s1], $0x800  }
0x2e: {  	[sflag:s1] =	ssyncset.done $0x0  }
0x2f: {  	[sflag:s1] =	ssyncadd.s32 $0xFFFFF800  }
0x30: {  	[tilespmem:s11], [sflag:$0x2] =	stream.linear.gather [hbm4b:s23+s3], $0x80, $0x38;
	[tilespmem:$0x1C580] =	vst v63  }
0x31: {  	_ =	swait.ge [sflag:s1], $0x80  }
0x32: {  	[sflag:s1] =	ssyncset.done $0x0  }
0x33: {  	[sflag:s1] =	ssyncadd.s32 $0xFFFFFF80  }
0x34: {  	v9 =	vld.idx.msk [tilespmem:v1+s11+$0x0], $0xffff  }
0x35: {  	v8 =	vld.idx.msk [tilespmem:v2+s11+$0x0], $0xffff  }
0x36: {  	v6 =	vld.idx.msk [tilespmem:v4+s11+$0x0], $0xffff  }
0x37: {  	v7 =	vld.idx.msk [tilespmem:v3+s11+$0x0], $0xffff  }
0x38: {  	s5 =	simm.s32 $0x0  }
.LBB2_2:
0x39: {  	s6 =	sshll.u32 s5, $0x4  }
0x3a: {  	v12 =	vor.u32 s6, v5  }
0x3b: {  	v10 =	vmul.u32 $0x51, v12;
	_ =	sdelay $0x2  }
0x3c: {  	s9 =	simm.s32 $0x1  }
0x3d: {  	v13 =	vadd.s32 s9, v10  }
0x3e: {  	s10 =	simm.s32 $0x2  }
0x3f: {  	s18 =	simm.s32 $0x0;
	v11 =	vadd.s32 $0x3, v10;
	v15 =	vadd.s32 s10, v10;
	v19 =	vld.idx.msk [tilespmem:v10+s3+$0x0], $0xffff  }
0x40: {  	v18 =	vadd.s32 s18, v11  }
0x41: {  	s15 =	simm.s32 $0x4  }
0x42: {  	v17 =	vadd.s32 s15, v10;
	v14 =	vld.idx.msk [tilespmem:v13+s3+$0x0], $0xffff  }
0x43: {  	v20 =	vimm.f32 $-1.000000000e+00;
	s12 =	simm.s32 $0x5  }
0x44: {  	v21 =	vimm.s32 $0x0;
	s16 =	simm.s32 $0x3;
	v16 =	vadd.s32 s12, v10;
	v15 =	vld.idx.msk [tilespmem:v15+s3+$0x0], $0xffff;
	vm0 =	vgt.f32 v19, v20  }
0x45: {  	s7 =	simm.s32 $0x6;
	v13 =	vld.idx.msk [tilespmem:v18+s3+$0x0], $0xffff;
	v18 =	vadd.s32 s16, v11;
	v20 =	vsel vm0, v19, v20;
	v19 =	vsel vm0, s18, v21  }
.LBB2_3:
0x46: {  	s18 =	sadd.s32 $0x1, s7  }
0x47: {  	p1 =	slt.u32 s7, $0x4E;
	vm0 =	vgt.f32 v14, v20;
	v21 =	vmov v14;
	v14 =	vld.idx.msk [tilespmem:v17+s3+$0x0], $0xffff;
	s20 =	smov.u32 s7;
	s7 =	sadd.s32 $0x3, s7  }
.Ltmp2:
0x48: {  	v17 =	vadd.s32 s18, v10;
	v20 =	vsel vm0, v21, v20;
	v19 =	vsel vm0, s9, v19;
	s9 =	smov.u32 s15;
	s15 =	smov.u32 s18;
	(pc) =	sbr.rel @p1 .LBB2_3-.Ltmp2, $4  }
0x49: {  	s18 =	sadd.s32 $0x2, s20;
	v22 =	vmov v15;
	vm0 =	vgt.f32 v15, v20;
	v15 =	vld.idx.msk [tilespmem:v16+s3+$0x0], $0xffff  }
0x4a: {  	v16 =	vadd.s32 s18, v10;
	v20 =	vsel vm0, v22, v20;
	v19 =	vsel vm0, s10, v19;
	s10 =	smov.u32 s12;
	s12 =	smov.u32 s18  }
0x4b: {  	v21 =	vmov v13;
	vm0 =	vgt.f32 v13, v20;
	v13 =	vld.idx.msk [tilespmem:v18+s3+$0x0], $0xffff  }
0x4c: {  	v18 =	vadd.s32 s20, v11;
	v20 =	vsel vm0, v21, v20;
	v19 =	vsel vm0, s16, v19;
	s16 =	smov.u32 s20  }
0x4d: {  	_ =	sdelay $0x2  }
0x4e: {  	vm0 =	vgt.f32 v14, v20  }
0x4f: {  	v17 =	vld.idx.msk [tilespmem:v17+s3+$0x0], $0xffff;
	v10 =	vsel vm0, v14, v20  }
0x50: {  	s7 =	sor.u32 $0x10, s6;
	vm1 =	vgt.f32 v15, v10  }
0x51: {  	v14 =	vld.idx.msk [tilespmem:v16+s3+$0x0], $0xffff;
	v15 =	vsel vm1, v15, v10;
	v10 =	vor.u32 s7, v5  }
0x52: {  	vm2 =	vgt.f32 v13, v15;
	v11 =	vmul.u32 $0x51, v10  }
0x53: {  	v16 =	vsel vm0, s9, v19;
	v13 =	vsel vm2, v13, v15  }
0x54: {  	v15 =	vsel vm1, s10, v16;
	vm13 =	vgt.f32 v17, v13  }
0x55: {  	v12 =	vadd.s32 v0, v12;
	s9 =	simm.s32 $0x1;
	v15 =	vsel vm2, s16, v15;
	v13 =	vsel vm13, v17, v13  }
0x56: {  	v15 =	vsel vm13, s15, v15;
	v17 =	vadd.s32 s9, v11;
	vm14 =	vgt.f32 v14, v13  }
0x57: {  	v16 =	vmul.u32 $0x144, v12;
	s10 =	simm.s32 $0x2;
	v15 =	vsel vm14, s12, v15  }
0x58: {  	s20 =	simm.s32 $0x0;
	v12 =	vadd.s32 $0x3, v11;
	v19 =	vadd.s32 s10, v11;
	v18 =	vshll.u32 v15, $0x2;
	v20 =	vld.idx.msk [tilespmem:v11+s3+$0x0], $0xffff  }
0x59: {  	v16 =	vadd.s32 v16, v18;
	v18 =	vadd.s32 s20, v12  }
0x5a: {  	s15 =	simm.s32 $0x4  }
0x5b: {  	v22 =	vsel vm14, v14, v13;
	[tilespmem:s6+$0xAA00] =	vst v15;
	v21 =	vshrl.u32 v16, $0x7;
	v13 =	vld.idx.msk [tilespmem:v17+s3+$0x0], $0xffff;
	v17 =	vadd.s32 s15, v11  }
0x5c: {  	s12 =	simm.s32 $0x5;
	v14 =	vand.u32 $0x7C, v16;
	[tilespmem:s6+$0xAE00] =	vst v21;
	v21 =	vimm.f32 $-1.000000000e+00  }
0x5d: {  	v23 =	vimm.s32 $0x0;
	s18 =	sand.u32 $0x1E0, s6;
	s16 =	simm.s32 $0x3;
	v16 =	vadd.s32 s12, v11;
	[tilespmem:s6+$0xAC00] =	vst v14;
	v14 =	vld.idx.msk [tilespmem:v19+s3+$0x0], $0xffff;
	vm15 =	vgt.f32 v20, v21  }
0x5e: {  	[tilespmem:s18+$0x14600] =	vst v22;
	s18 =	simm.s32 $0x6;
	v15 =	vld.idx.msk [tilespmem:v18+s3+$0x0], $0xffff;
	v18 =	vadd.s32 s16, v12;
	v20 =	vsel vm15, v20, v21;
	v19 =	vsel vm15, s20, v23  }
.LBB2_5:
0x5f: {  	s20 =	sadd.s32 $0x1, s18  }
0x60: {  	p1 =	slt.u32 s18, $0x4E;
	vm0 =	vgt.f32 v13, v20;
	v21 =	vmov v13;
	v13 =	vld.idx.msk [tilespmem:v17+s3+$0x0], $0xffff;
	s21 =	smov.u32 s18;
	s18 =	sadd.s32 $0x3, s18  }
.Ltmp3:
0x61: {  	v17 =	vadd.s32 s20, v11;
	v20 =	vsel vm0, v21, v20;
	v19 =	vsel vm0, s9, v19;
	s9 =	smov.u32 s15;
	s15 =	smov.u32 s20;
	(pc) =	sbr.rel @p1 .LBB2_5-.Ltmp3, $4  }
0x62: {  	s20 =	sadd.s32 $0x2, s21;
	v22 =	vmov v14;
	vm0 =	vgt.f32 v14, v20;
	v14 =	vld.idx.msk [tilespmem:v16+s3+$0x0], $0xffff  }
0x63: {  	v16 =	vadd.s32 s20, v11;
	v20 =	vsel vm0, v22, v20;
	v19 =	vsel vm0, s10, v19;
	s10 =	smov.u32 s12;
	s12 =	smov.u32 s20  }
0x64: {  	v21 =	vmov v15;
	vm0 =	vgt.f32 v15, v20;
	v15 =	vld.idx.msk [tilespmem:v18+s3+$0x0], $0xffff  }
0x65: {  	v18 =	vadd.s32 s21, v12;
	v20 =	vsel vm0, v21, v20;
	v19 =	vsel vm0, s16, v19;
	s16 =	smov.u32 s21  }
0x66: {  	_ =	sdelay $0x2  }
0x67: {  	vm0 =	vgt.f32 v13, v20  }
0x68: {  	v11 =	vld.idx.msk [tilespmem:v17+s3+$0x0], $0xffff;
	v12 =	vsel vm0, v13, v20  }
0x69: {  	vm1 =	vgt.f32 v14, v12  }
0x6a: {  	v60 =	vld.idx.msk [tilespmem:v16+s3+$0x0], $0xffff;
	v12 =	vsel vm1, v14, v12  }
0x6b: {  	vm2 =	vgt.f32 v15, v12  }
0x6c: {  	v61 =	vsel vm0, s9, v19;
	v12 =	vsel vm2, v15, v12  }
0x6d: {  	v14 =	vsel vm1, s10, v61;
	vm14 =	vgt.f32 v11, v12  }
0x6e: {  	v14 =	vsel vm2, s16, v14;
	v11 =	vsel vm14, v11, v12  }
0x6f: {  	v10 =	vadd.s32 v0, v10;
	v62 =	vsel vm14, s15, v14;
	vm15 =	vgt.f32 v60, v11  }
0x70: {  	v10 =	vmul.u32 $0x144, v10;
	v12 =	vsel vm15, s12, v62  }
0x71: {  	p1 =	slt.u32 s5, $0x1E;
	v63 =	vshll.u32 v12, $0x2  }
.Ltmp4:
0x72: {  	v10 =	vadd.s32 v10, v63;
	(pc) =	sbr.rel @p1 .LBB2_2-.Ltmp4, $4  }
0x73: {  	[tilespmem:s7+$0xAA00] =	vst v12;
	v14 =	vshrl.u32 v10, $0x7  }
0x74: {  	v10 =	vand.u32 $0x7C, v10;
	[tilespmem:s7+$0xAE00] =	vst v14  }
0x75: {  	s21 =	sadd.s32 $0x2, s5;
	v11 =	vsel vm15, v60, v11;
	[tilespmem:s7+$0xAC00] =	vst v10  }
0x76: {  	s5 =	smov.u32 s21;
	[tilespmem:s6+$0x14610] =	vst v11  }
0x77: {  	s0 =	simm.s32 $0xAE00  }
0x78: {  	[tilespmem:s17], [sflag:$0x1] =	stream.indirect.gather [hbm4b:s4+s13], $0x80, s0, s13, $0xb8;
	[tilespmem:$0x1C580] =	vst v63  }
0x79: {  	s15 =	simm.s32 $0xAE80;
	s5 =	simm.s32 $0xF000  }
0x7a: {  	[tilespmem:s5], [sflag:$0x1] =	stream.indirect.gather [hbm4b:s4+s13], $0x80, s15, s13, $0xb8;
	[tilespmem:$0x1C580] =	vst v63  }
0x7b: {  	_ =	swait.ge [sflag:s22], $0x4000  }
0x7c: {  	[sflag:s22] =	ssyncset.done $0x0  }
0x7d: {  	[sflag:s22] =	ssyncadd.s32 $0xFFFFC000  }
0x7e: {  	_ =	swait.ge [sflag:s22], $0x4000  }
0x7f: {  	[sflag:s22] =	ssyncset.done $0x0  }
0x80: {  	s16 =	simm.s32 $0xAC10;
	[sflag:s22] =	ssyncadd.s32 $0xFFFFC000  }
0x81: {  	v10 =	vld [tilespmem:s16+$0xFFFFFFF0];
	_ =	sdelay $0x3  }
0x82: {  	s6 =	simm.s32 $0x0  }
0x83: {  	v11 =	vor.u32 s6, v5;
	v12 =	vadd.s32 $0x2, v10  }
0x84: {  	v13 =	vshll.u32 v11, $0x7;
	v15 =	vld [tilespmem:s16+$0x0];
	v14 =	vand.u32 $0xFFFFFF80, v12  }
0x85: {  	s18 =	simm.s32 $0x10;
	v12 =	vand.u32 $0x7F, v12;
	v14 =	vadd.s32 v13, v14  }
0x86: {  	v16 =	vor.u32 s18, v5;
	v12 =	vor.u32 v12, v14  }
0x87: {  	v18 =	vshll.u32 v16, $0x7;
	v16 =	vshll.u32 v16, $0x2  }
0x88: {  	s21 =	simm.s32 $0x30;
	s6 =	sand.u32 $0xE0, s6;
	v21 =	vshll.u32 v11, $0x2  }
0x89: {  	s7 =	simm.s32 $0xAA10;
	v35 =	vor.u32 s21, v5;
	v27 =	vor.u32 $0x1, v16;
	v23 =	vld [tilespmem:s6+$0x14600];
	v19 =	vadd.s32 $0x3, v15  }
0x8a: {  	v24 =	vld [tilespmem:s7+$0x0];
	v11 =	vadd.s32 $0x2, v15;
	v20 =	vand.u32 $0xFFFFFF80, v19;
	v14 =	vadd.s32 $0x3, v10  }
0x8b: {  	v19 =	vand.u32 $0x7F, v19;
	v20 =	vadd.s32 v18, v20;
	v17 =	vand.u32 $0xFFFFFF80, v14;
	v12 =	vld.idx.msk [tilespmem:v12+s17+$0x0], $0xffff  }
0x8c: {  	v25 =	vld.idx.msk [tilespmem:v16+s8+$0x0], $0xffff;
	v19 =	vor.u32 v19, v20;
	v14 =	vand.u32 $0x7F, v14;
	v17 =	vadd.s32 v13, v17  }
0x8d: {  	v28 =	vor.u32 $0x2, v16;
	v29 =	vld.idx.msk [tilespmem:v21+s8+$0x0], $0xffff;
	v14 =	vor.u32 v14, v17;
	v17 =	vand.u32 $0xFFFFFF80, v11  }
0x8e: {  	s10 =	simm.s32 $0x13C30;
	v16 =	vor.u32 $0x3, v16;
	v32 =	vld.idx.msk [tilespmem:v27+s8+$0x0], $0xffff;
	v11 =	vand.u32 $0x7F, v11;
	v17 =	vadd.s32 v18, v17  }
0x8f: {  	s5 =	simm.s32 $0x13C10;
	v22 =	vor.u32 $0x2, v21;
	v45 =	vld [tilespmem:s10+$0xA00];
	v30 =	vand.u32 $0xFFFFFF80, v10;
	v11 =	vor.u32 v11, v17  }
0x90: {  	v31 =	vand.u32 $0x7F, v10;
	v30 =	vadd.s32 v13, v30;
	v20 =	vld [tilespmem:s5+$0xA00];
	v12 =	vmul.f32 $1.442695020e+00, v12  }
0x91: {  	v27 =	vor.u32 $0x1, v21;
	vm0 =	vgt.s32 v24, $0x0;
	v30 =	vor.u32 v31, v30;
	v19 =	vld.idx.msk [tilespmem:v19+s17+$0x0], $0xffff  }
0x92: {  	v10 =	vadd.s32 $0x1, v10;
	v17 =	vadd.s32 $0x1, v15;
	(erf) = vpow2.f32 v12;
	v12 =	vld.idx.msk [tilespmem:v14+s17+$0x0], $0xffff  }
0x93: {  	v16 =	vld.idx.msk [tilespmem:v16+s8+$0x0], $0xffff;
	v26 =	vand.u32 $0xFFFFFF80, v17;
	v17 =	vand.u32 $0x7F, v17;
	v14 =	vand.u32 $0xFFFFFF80, v15  }
0x94: {  	v11 =	vld.idx.msk [tilespmem:v11+s17+$0x0], $0xffff;
	v15 =	vand.u32 $0x7F, v15;
	v14 =	vadd.s32 v18, v14;
	v18 =	vadd.s32 v18, v26  }
0x95: {  	v26 =	vld.idx.msk [tilespmem:v28+s8+$0x0], $0xffff;
	v14 =	vor.u32 v15, v14;
	v17 =	vor.u32 v17, v18;
	v18 =	vand.u32 $0xFFFFFF80, v10  }
0x96: {  	vm1 =	vge.f32 v20, $6.999999880e-01;
	v15 =	vld.idx.msk [tilespmem:v22+s8+$0x0], $0xffff;
	v10 =	vand.u32 $0x7F, v10;
	v13 =	vadd.s32 v13, v18  }
0x97: {  	s12 =	simm.s32 $0xAA30;
	v28 =	vld [tilespmem:s7+$0xFFFFFFF0];
	v31 =	vor.u32 v10, v13;
	v10 =	vmul.f32 $1.442695020e+00, v19;
	v12 =	vmul.f32 $1.442695020e+00, v12  }
0x98: {  	v62 =	vld [tilespmem:s12+$0xFFFFFFF0];
	vm0 =	vmand vm0, vm1;
	v22 =	vcvt.s32.f32 v24;
	v24 =	vsub.f32 v16, v32  }
0x99: {  	vm1 =	vge.f32 v23, $6.999999880e-01;
	v11 =	vmul.f32 $1.442695020e+00, v11;
	v19 =	vld.idx.msk [tilespmem:v30+s17+$0x0], $0xffff;
	(erf) = vpow2.f32 v12  }
0x9a: {  	v18 =	vnsel vm0, $0xBF800000, v20;
	v30 =	vmul.f32 $5.000000000e-01, v24;
	v14 =	vld.idx.msk [tilespmem:v14+s17+$0x0], $0xffff;
	(erf) = vpow2.f32 v10  }
0x9b: {  	s9 =	simm.s32 $0xAC30;
	v12 =	vsub.f32 v15, v29;
	v15 =	vsub.f32 v26, v25;
	v17 =	vld.idx.msk [tilespmem:v17+s17+$0x0], $0xffff;
	v10 =	vpop (erf);
	(erf) = vpow2.f32 v11  }
0x9c: {  	vm0 =	vgt.s32 v28, $0x0;
	v13 =	vcvt.s32.f32 v28;
	v26 =	vor.u32 $0x3, v21;
	v21 =	vld [tilespmem:s9+$0xFFFFFFF0]  }
0x9d: {  	v30 =	vadd.f32 v30, v32;
	vm0 =	vmand vm0, vm1;
	v20 =	vmul.f32 $5.000000000e-01, v15  }
0x9e: {  	vm1 =	vge.f32 v45, $6.999999880e-01;
	v11 =	vmul.f32 v12, v10;
	v10 =	vmul.f32 $5.000000000e-01, v12  }
0x9f: {  	[tilespmem:s5+$0xFFFFFE00] =	vst v18;
	v18 =	vcvt.s32.f32 v62;
	v19 =	vmul.f32 v12, v19;
	v12 =	vadd.f32 v13, v13  }
0xa0: {  	v20 =	vadd.f32 v20, v25;
	v14 =	vmul.f32 v15, v14;
	v10 =	vadd.f32 v10, v29  }
0xa1: {  	s20 =	simm.s32 $0x20;
	v17 =	vmul.f32 v24, v17;
	v28 =	vadd.s32 $0x2, v21;
	v36 =	vadd.s32 $0x3, v21  }
0xa2: {  	v57 =	vld [tilespmem:s12+$0x0];
	v20 =	vadd.f32 v20, v14;
	v14 =	vadd.f32 v10, v19;
	v19 =	vor.u32 s20, v5;
	v16 =	vpop (erf)  }
0xa3: {  	v25 =	vld [tilespmem:s9+$0x0];
	v56 =	vadd.s32 $0x1, v21;
	v29 =	vand.u32 $0xFFFFFF80, v28;
	v34 =	vshll.u32 v19, $0x7;
	v33 =	vpop (erf)  }
0xa4: {  	v28 =	vand.u32 $0x7F, v28;
	v10 =	vnsel vm0, $0xBF800000, v23;
	v29 =	vadd.s32 v34, v29;
	v23 =	vpop (erf)  }
0xa5: {  	v46 =	vand.u32 $0xFFFFFF80, v21;
	v15 =	vmul.f32 v15, v23;
	v23 =	vor.u32 v28, v29  }
0xa6: {  	v21 =	vand.u32 $0x7F, v21;
	v37 =	vand.u32 $0xFFFFFF80, v36;
	v52 =	vand.u32 $0x7F, v36  }
0xa7: {  	vm0 =	vgt.s32 v57, $0x0;
	v30 =	vadd.f32 v30, v17;
	v42 =	vshll.u32 v19, $0x2  }
0xa8: {  	vm0 =	vmand vm0, vm1;
	v38 =	vadd.s32 $0x3, v25;
	v37 =	vadd.s32 v34, v37  }
0xa9: {  	v54 =	vadd.s32 $0x1, v25;
	v43 =	vor.u32 $0x2, v42;
	v58 =	vadd.s32 $0x2, v25  }
0xaa: {  	v59 =	vand.u32 $0xFFFFFF80, v25;
	v25 =	vand.u32 $0x7F, v25;
	v45 =	vnsel vm0, $0xBF800000, v45;
	v23 =	vld.idx.msk [tilespmem:v23+s17+$0x0], $0xffff  }
0xab: {  	v53 =	vand.u32 $0x7F, v38;
	v40 =	vand.u32 $0xFFFFFF80, v54;
	v19 =	vand.u32 $0x7F, v54  }
0xac: {  	v32 =	vor.u32 v52, v37;
	v37 =	vand.u32 $0x7F, v58;
	v33 =	vmul.f32 v24, v33  }
0xad: {  	v24 =	vand.u32 $0xFFFFFF80, v38;
	v28 =	vshll.u32 v35, $0x7;
	v35 =	vshll.u32 v35, $0x2  }
0xae: {  	v55 =	vadd.s32 v28, v40;
	v24 =	vadd.s32 v28, v24;
	v40 =	vand.u32 $0x7F, v56  }
0xaf: {  	v36 =	vld.idx.msk [tilespmem:v27+s8+$0x0], $0xffff;
	v44 =	vor.u32 $0x2, v35;
	v39 =	vmul.f32 $5.000000000e-01, v15;
	v23 =	vmul.f32 $1.442695020e+00, v23  }
0xb0: {  	v38 =	vor.u32 v19, v55;
	v19 =	vld.idx.msk [tilespmem:v31+s17+$0x0], $0xffff;
	v31 =	vand.u32 $0xFFFFFF80, v56;
	v24 =	vor.u32 v53, v24  }
0xb1: {  	v60 =	vld.idx.msk [tilespmem:v43+s8+$0x0], $0xffff;
	v31 =	vadd.s32 v34, v31;
	(erf) = vpow2.f32 v23;
	v23 =	vand.u32 $0xFFFFFF80, v58  }
0xb2: {  	v20 =	vsub.f32 v20, v39;
	v40 =	vor.u32 v40, v31;
	v31 =	vld.idx.msk [tilespmem:v32+s17+$0x0], $0xffff;
	v23 =	vadd.s32 v28, v23  }
0xb3: {  	vm0 =	vgt.s32 v62, $0x0;
	v34 =	vadd.s32 v34, v46;
	v47 =	vld.idx.msk [tilespmem:v35+s8+$0x0], $0xffff;
	v23 =	vor.u32 v37, v23  }
0xb4: {  	v39 =	vmul.f32 $5.000000000e-01, v33;
	v21 =	vor.u32 v21, v34;
	v15 =	vadd.f32 v20, v15;
	v61 =	vld.idx.msk [tilespmem:v44+s8+$0x0], $0xffff  }
0xb5: {  	v41 =	vor.u32 $0x1, v35;
	v35 =	vor.u32 $0x3, v35;
	v48 =	vld.idx.msk [tilespmem:v24+s17+$0x0], $0xffff;
	v24 =	vadd.s32 v28, v59  }
0xb6: {  	s7 =	sand.u32 $0xE0, s20;
	v46 =	vld.idx.msk [tilespmem:v42+s8+$0x0], $0xffff;
	v30 =	vsub.f32 v30, v39;
	v25 =	vor.u32 v25, v24;
	v15 =	vmax.f32 v15, v9  }
0xb7: {  	[tilespmem:s5+$0x800] =	vst v22;
	v29 =	vadd.f32 v22, v22;
	v22 =	vadd.f32 v18, v18;
	v63 =	vmin.f32 v15, v7;
	v15 =	vld [tilespmem:s7+$0x14600]  }
0xb8: {  	v44 =	vmax.f32 v20, v9;
	v33 =	vadd.f32 v30, v33;
	v53 =	vmul.f32 $1.442695020e+00, v31;
	v52 =	vld.idx.msk [tilespmem:v23+s17+$0x0], $0xffff  }
0xb9: {  	v20 =	vor.u32 $0x1, v42;
	v24 =	vcvt.s32.f32 v57;
	v30 =	vmax.f32 v30, v8;
	v49 =	vld.idx.msk [tilespmem:v21+s17+$0x0], $0xffff  }
0xba: {  	v35 =	vld.idx.msk [tilespmem:v35+s8+$0x0], $0xffff;
	v27 =	vmax.f32 v33, v8;
	v31 =	vsub.f32 v61, v47;
	v17 =	vpop (erf);
	(erf) = vpow2.f32 v53  }
0xbb: {  	v21 =	vor.u32 $0x3, v42;
	v27 =	vmin.f32 v27, v6;
	v54 =	vmul.f32 $1.442695020e+00, v48;
	v50 =	vld.idx.msk [tilespmem:v25+s17+$0x0], $0xffff  }
0xbc: {  	v32 =	vadd.f32 v27, v29;
	v28 =	vadd.f32 v63, v29;
	v57 =	vmul.f32 $5.000000000e-01, v31;
	v23 =	vld.idx.msk [tilespmem:v41+s8+$0x0], $0xffff  }
0xbd: {  	v56 =	vld.idx.msk [tilespmem:v38+s17+$0x0], $0xffff;
	v37 =	vsub.f32 v60, v46;
	(erf) = vpow2.f32 v54;
	v58 =	vmul.f32 $1.442695020e+00, v52  }
0xbe: {  	[tilespmem:s5+$0x400] =	vst v63;
	v25 =	vld.idx.msk [tilespmem:v40+s17+$0x0], $0xffff;
	v63 =	vmin.f32 v30, v6;
	v40 =	vmin.f32 v44, v7;
	vm1 =	vge.f32 v15, $6.999999880e-01  }
0xbf: {  	v34 =	vld.idx.msk [tilespmem:v26+s8+$0x0], $0xffff;
	[tilespmem:s5+$0x600] =	vst v27;
	v30 =	vadd.f32 v63, v29;
	v55 =	vmul.f32 $5.000000000e-01, v37;
	(erf) = vpow2.f32 v58  }
0xc0: {  	[tilespmem:s5+$0x200] =	vst v63;
	v27 =	vadd.f32 v40, v29;
	v60 =	vadd.f32 v57, v47;
	v61 =	vmul.f32 v31, v50  }
0xc1: {  	[tilespmem:s5+$0xFFFFFA00] =	vst v32;
	v59 =	vmul.f32 v37, v49;
	v62 =	vadd.f32 v55, v46;
	v35 =	vsub.f32 v35, v23  }
0xc2: {  	vm0 =	vmand vm0, vm1;
	[tilespmem:s5+$0xFFFFF800] =	vst v28;
	v38 =	vadd.f32 v60, v61;
	v17 =	vmul.f32 v37, v17  }
0xc3: {  	s15 =	simm.s32 $0x2;
	s16 =	simm.s32 $0xAC50;
	s9 =	simm.s32 $0x13C30;
	[tilespmem:s10+$0xFFFFFE00] =	vst v45;
	v39 =	vadd.f32 v62, v59;
	v37 =	vmul.f32 $5.000000000e-01, v11;
	v26 =	vmul.f32 v35, v56;
	v33 =	vpop (erf)  }
.LBB2_8:
0xc4: {  	v41 =	vld [tilespmem:s16+$0xFFFFFFF0];
	s15 =	sadd.s32 $0x2, s15;
	v42 =	vmul.f32 $5.000000000e-01, v35;
	v43 =	vsub.f32 v34, v36;
	v32 =	vsub.f32 v32, v30;
	[tilespmem:s5+$0x0] =	vst v40  }
0xc5: {  	v29 =	vnsel vm0, $0xBF800000, v15;
	s21 =	sadd.s32 $0x20, s21;
	v40 =	vld [tilespmem:s16+$0x0];
	p1 =	slt.u32 s15, $0xE;
	v44 =	vsub.f32 v14, v37;
	v34 =	vsub.f32 v28, v27;
	[tilespmem:s5+$0xFFFFF400] =	vst v27;
	v14 =	vmovc v39  }
0xc6: {  	s18 =	sadd.s32 $0xFFFFFFF0, s21;
	v27 =	vadd.f32 v24, v24;
	[tilespmem:s10+$0x800] =	vst v24;
	v24 =	vpop (erf);
	v28 =	vmul.f32 $5.000000000e-01, v43;
	v37 =	vmul.f32 v43, v19  }
0xc7: {  	v45 =	vor.u32 s21, v5;
	v39 =	vor.u32 s18, v5;
	s18 =	sand.u32 $0xE0, s18;
	v19 =	vmovc v25;
	v46 =	vmax.f32 v44, v9  }
0xc8: {  	v47 =	vshll.u32 v45, $0x7;
	v43 =	vmul.f32 v43, v16;
	v25 =	vshll.u32 v39, $0x7;
	v15 =	vld [tilespmem:s18+$0x14600];
	v48 =	vpop (erf)  }
0xc9: {  	v16 =	vmovc v33;
	v49 =	vadd.s32 $0x2, v41;
	v50 =	vadd.s32 $0x3, v41;
	v31 =	vmul.f32 v31, v48  }
0xca: {  	v46 =	vmin.f32 v46, v7;
	v33 =	vand.u32 $0xFFFFFF80, v49;
	v48 =	vand.u32 $0xFFFFFF80, v50  }
0xcb: {  	s12 =	sadd.s32 $0x20, s12;
	v52 =	vadd.s32 $0x3, v40;
	v51 =	vadd.s32 v25, v33;
	v53 =	vmul.f32 $5.000000000e-01, v31  }
0xcc: {  	v42 =	vadd.f32 v42, v23;
	v49 =	vand.u32 $0x7F, v49;
	v48 =	vadd.s32 v25, v48;
	v33 =	vld [tilespmem:s12+$0xFFFFFFF0]  }
0xcd: {  	v35 =	vmul.f32 v35, v24;
	v23 =	vor.u32 v49, v51;
	v49 =	vand.u32 $0x7F, v50  }
0xce: {  	v24 =	vand.u32 $0xFFFFFF80, v52;
	v50 =	vand.u32 $0x7F, v52;
	v51 =	vsub.f32 v38, v53  }
0xcf: {  	v45 =	vshll.u32 v45, $0x2;
	v52 =	vadd.s32 $0x1, v40;
	v38 =	vmul.f32 $5.000000000e-01, v35  }
0xd0: {  	v54 =	vor.u32 $0x1, v45;
	v55 =	vmul.f32 $5.000000000e-01, v43;
	v53 =	vand.u32 $0xFFFFFF80, v52  }
0xd1: {  	v39 =	vshll.u32 v39, $0x2;
	v52 =	vand.u32 $0x7F, v52;
	v53 =	vadd.s32 v47, v53  }
0xd2: {  	v56 =	vadd.s32 $0x1, v41;
	v52 =	vor.u32 v52, v53;
	v57 =	vld.idx.msk [tilespmem:v23+s17+$0x0], $0xffff;
	v23 =	vadd.f32 v28, v36  }
0xd3: {  	v24 =	vadd.s32 v47, v24;
	v28 =	vand.u32 $0xFFFFFF80, v56;
	v36 =	vand.u32 $0x7F, v56  }
0xd4: {  	v53 =	vor.u32 $0x2, v45;
	v28 =	vadd.s32 v25, v28;
	v56 =	vld [tilespmem:s12+$0x0];
	v58 =	vadd.f32 v23, v37  }
0xd5: {  	v23 =	vand.u32 $0xFFFFFF80, v41;
	v28 =	vor.u32 v36, v28;
	v36 =	vand.u32 $0xFFFFFF80, v40  }
0xd6: {  	v59 =	vadd.s32 v25, v23;
	v25 =	vand.u32 $0x7F, v40;
	v36 =	vadd.s32 v47, v36;
	v23 =	vld.idx.msk [tilespmem:v54+s8+$0x0], $0xffff  }
0xd7: {  	s10 =	sadd.s32 $0x20, s10;
	v41 =	vand.u32 $0x7F, v41;
	v36 =	vor.u32 v25, v36;
	v25 =	vsub.f32 v58, v55;
	v37 =	vld.idx.msk [tilespmem:v52+s17+$0x0], $0xffff  }
0xd8: {  	v50 =	vor.u32 v50, v24;
	v52 =	vor.u32 $0x2, v39;
	v54 =	vmul.f32 $1.442695020e+00, v57;
	v55 =	vld [tilespmem:s10+$0xA00]  }
0xd9: {  	v48 =	vor.u32 v49, v48;
	v24 =	vadd.s32 $0x2, v40;
	v43 =	vadd.f32 v25, v43;
	v40 =	vld.idx.msk [tilespmem:v45+s8+$0x0], $0xffff  }
0xda: {  	v57 =	vand.u32 $0xFFFFFF80, v24;
	v49 =	vld.idx.msk [tilespmem:v39+s8+$0x0], $0xffff;
	(erf) = vpow2.f32 v54;
	v54 =	vmax.f32 v25, v8  }
0xdb: {  	v24 =	vand.u32 $0x7F, v24;
	v47 =	vadd.s32 v47, v57;
	v43 =	vmax.f32 v43, v8  }
0xdc: {  	v31 =	vadd.f32 v51, v31;
	v25 =	vld.idx.msk [tilespmem:v28+s17+$0x0], $0xffff;
	v28 =	vor.u32 v24, v47;
	v24 =	vcvt.s32.f32 v56  }
0xdd: {  	v41 =	vor.u32 v41, v59;
	vm0 =	vgt.s32 v56, $0x0;
	v47 =	vld.idx.msk [tilespmem:v50+s17+$0x0], $0xffff;
	v50 =	vadd.f32 v46, v12;
	[tilespmem:s5+$0xFFFFF600] =	vst v30  }
0xde: {  	v51 =	vmax.f32 v51, v9;
	v31 =	vmax.f32 v31, v9;
	v30 =	vld.idx.msk [tilespmem:v52+s8+$0x0], $0xffff;
	v52 =	vmin.f32 v54, v6  }
0xdf: {  	v44 =	vadd.f32 v44, v11;
	v11 =	vmov v17;
	v48 =	vld.idx.msk [tilespmem:v48+s17+$0x0], $0xffff;
	v54 =	vadd.f32 v52, v12;
	[tilespmem:s5+$0xFFFFF3F0] =	vst v50  }
0xe0: {  	v17 =	vmin.f32 v43, v6;
	v56 =	vmin.f32 v31, v7;
	vm1 =	vge.f32 v55, $6.999999880e-01;
	v53 =	vld.idx.msk [tilespmem:v53+s8+$0x0], $0xffff;
	[tilespmem:s6+$0x13E00] =	vst v52  }
0xe1: {  	v31 =	vmax.f32 v44, v9;
	v44 =	vadd.f32 v17, v12;
	vm0 =	vmand vm0, vm1;
	v43 =	vld.idx.msk [tilespmem:v28+s17+$0x0], $0xffff;
	[tilespmem:s6+$0x14400] =	vst v13  }
0xe2: {  	v31 =	vmin.f32 v31, v7;
	v52 =	vnsel vm0, $0xBF800000, v55;
	v28 =	vadd.f32 v56, v27;
	v41 =	vld.idx.msk [tilespmem:v41+s17+$0x0], $0xffff;
	[tilespmem:s6+$0x13C00] =	vst v46  }
0xe3: {  	v32 =	vmul.f32 v32, v34;
	v45 =	vor.u32 $0x3, v45;
	v55 =	vadd.f32 v31, v12;
	v46 =	vpop (erf);
	[tilespmem:s6+$0x14200] =	vst v17  }
0xe4: {  	v12 =	vmovc v22;
	v34 =	vsub.f32 v44, v54;
	v13 =	vmov v18;
	v30 =	vsub.f32 v30, v49;
	[tilespmem:s6+$0x13200] =	vst v54  }
0xe5: {  	v22 =	vor.u32 $0x1, v39;
	v18 =	vadd.f32 v42, v26;
	v26 =	vsub.f32 v55, v50;
	v54 =	vld.idx.msk [tilespmem:v36+s17+$0x0], $0xffff;
	[tilespmem:s6+$0x13600] =	vst v44  }
0xe6: {  	v39 =	vor.u32 $0x3, v39;
	v17 =	vmul.f32 v30, v46;
	v36 =	vmul.f32 $1.442695020e+00, v48;
	[tilespmem:s6+$0x14000] =	vst v31  }
0xe7: {  	v42 =	vmul.f32 $1.442695020e+00, v47;
	v26 =	vmul.f32 v34, v26;
	v31 =	vsub.f32 v53, v40;
	[tilespmem:s6+$0x13A00] =	vst v10;
	v10 =	vmovc v29  }
0xe8: {  	v34 =	vsub.f32 v18, v38;
	v29 =	vmul.f32 $5.000000000e-01, v30;
	(erf) = vpow2.f32 v36;
	[tilespmem:s6+$0x13400] =	vst v55  }
0xe9: {  	vm0 =	vgt.s32 v33, $0x0;
	v43 =	vmul.f32 $1.442695020e+00, v43;
	v38 =	vmul.f32 $5.000000000e-01, v31;
	v44 =	vld.idx.msk [tilespmem:v45+s8+$0x0], $0xffff;
	[tilespmem:s6+$0x13800] =	vst v26;
	s6 =	smov.u32 s7;
	s7 =	smov.u32 s18  }
0xea: {  	vm1 =	vge.f32 v15, $6.999999880e-01;
	v18 =	vcvt.s32.f32 v33;
	v26 =	vadd.f32 v34, v35;
	[tilespmem:s5+$0xFFFFFC00] =	vst v32;
	s5 =	smov.u32 s9;
	s9 =	smov.u32 s10  }
0xeb: {  	vm0 =	vmand vm0, vm1;
	v32 =	vmax.f32 v34, v8;
	(erf) = vpow2.f32 v42;
	v36 =	vld.idx.msk [tilespmem:v20+s8+$0x0], $0xffff;
	[tilespmem:s5+$0xFFFFF800] =	vst v28;
	v20 =	vmovc v22  }
0xec: {  	v30 =	vmul.f32 v30, v41;
	v33 =	vadd.f32 v38, v40;
	v35 =	vmul.f32 v31, v54;
	v34 =	vld.idx.msk [tilespmem:v21+s8+$0x0], $0xffff  }
.Ltmp5:
0xed: {  	v22 =	vadd.f32 v18, v18;
	v26 =	vmax.f32 v26, v8;
	v21 =	vmovc v39;
	(erf) = vpow2.f32 v43;
	[tilespmem:s5+$0x400] =	vst v56;
	(pc) =	sbr.rel @p1 .LBB2_8-.Ltmp5, $4  }
0xee: {  	v29 =	vadd.f32 v29, v49;
	v38 =	vadd.f32 v33, v35;
	v26 =	vmin.f32 v26, v6;
	[tilespmem:s10+$0xFFFFFE00] =	vst v52  }
0xef: {  	v41 =	vmin.f32 v32, v6;
	v32 =	vadd.f32 v26, v27;
	v35 =	vsub.f32 v44, v23;
	[tilespmem:s5+$0x600] =	vst v26  }
0xf0: {  	v40 =	vmin.f32 v51, v7;
	v39 =	vadd.f32 v29, v30;
	v30 =	vadd.f32 v41, v27;
	[tilespmem:s5+$0x200] =	vst v41  }
0xf1: {  	s16 =	sadd.s32 $0x20, s16;
	v27 =	vadd.f32 v40, v27;
	v26 =	vmul.f32 v35, v37;
	v37 =	vmul.f32 $5.000000000e-01, v11;
	v33 =	vpop (erf);
	[tilespmem:s5+$0xFFFFFA00] =	vst v32  }
0xf2: {  	v29 =	vsub.f32 v34, v36;
	_ =	sdelay $0x1  }
0xf3: {  	v34 =	vmul.f32 $5.000000000e-01, v29  }
0xf4: {  	v14 =	vsub.f32 v14, v37  }
0xf5: {  	v19 =	vmul.f32 v29, v19;
	v16 =	vmul.f32 v29, v16;
	v29 =	vadd.f32 v34, v36;
	_ =	sdelay $0x1  }
0xf6: {  	[tilespmem:s5+$0x0] =	vst v40;
	v60 =	vmul.f32 $5.000000000e-01, v16;
	v19 =	vadd.f32 v29, v19;
	v29 =	vmax.f32 v14, v9  }
0xf7: {  	[tilespmem:s10+$0x800] =	vst v24;
	v59 =	vpop (erf);
	v11 =	vadd.f32 v14, v11;
	v29 =	vmin.f32 v29, v7  }
0xf8: {  	v62 =	vmul.f32 $5.000000000e-01, v35;
	[tilespmem:s5+$0xFFFFF600] =	vst v30;
	v61 =	vpop (erf);
	v19 =	vsub.f32 v19, v60;
	v63 =	vadd.f32 v29, v12  }
0xf9: {  	v32 =	vsub.f32 v32, v30;
	[tilespmem:s5+$0xFFFFF400] =	vst v27;
	v31 =	vmul.f32 v31, v61  }
0xfa: {  	v11 =	vmax.f32 v11, v9;
	v14 =	vadd.f32 v62, v23;
	v16 =	vadd.f32 v19, v16;
	[tilespmem:s5+$0xFFFFF3F0] =	vst v63  }
0xfb: {  	v23 =	vmul.f32 v35, v59;
	v44 =	vmul.f32 $5.000000000e-01, v31;
	v41 =	vmax.f32 v19, v8;
	[tilespmem:s6+$0x14400] =	vst v13  }
0xfc: {  	v11 =	vmin.f32 v11, v7;
	v19 =	vmin.f32 v41, v6;
	[tilespmem:s6+$0x13C00] =	vst v29;
	v16 =	vmax.f32 v16, v8  }
0xfd: {  	v30 =	vsub.f32 v38, v44;
	[tilespmem:s6+$0x13E00] =	vst v19;
	v13 =	vmin.f32 v16, v6;
	v16 =	vld.idx.msk [tilespmem:v20+s8+$0x0], $0xffff  }
0xfe: {  	v19 =	vadd.f32 v19, v12;
	v20 =	vadd.f32 v13, v12;
	[tilespmem:s6+$0x14200] =	vst v13;
	v13 =	vld.idx.msk [tilespmem:v21+s8+$0x0], $0xffff  }
0xff: {  	v14 =	vadd.f32 v14, v26;
	v29 =	vadd.f32 v30, v31;
	[tilespmem:s6+$0x14000] =	vst v11;
	v21 =	vmul.f32 $5.000000000e-01, v23  }
0x100: {  	v12 =	vadd.f32 v11, v12;
	[tilespmem:s6+$0x13200] =	vst v19;
	v19 =	vsub.f32 v20, v19  }
0x101: {  	[tilespmem:s6+$0x13600] =	vst v20;
	v20 =	vsub.f32 v28, v27;
	v27 =	vmax.f32 v29, v9;
	v11 =	vsub.f32 v14, v21  }
0x102: {  	[tilespmem:s6+$0x13A00] =	vst v10;
	v26 =	vsub.f32 v12, v63;
	v14 =	vadd.f32 v24, v24;
	v21 =	vmin.f32 v27, v7  }
0x103: {  	[tilespmem:s6+$0x13400] =	vst v12;
	v10 =	vmul.f32 v32, v20;
	v12 =	vadd.f32 v11, v23;
	v13 =	vsub.f32 v13, v16  }
0x104: {  	v19 =	vmul.f32 v19, v26;
	v20 =	vadd.f32 v21, v14;
	[tilespmem:s9+$0x400] =	vst v21  }
0x105: {  	v11 =	vmax.f32 v11, v8;
	[tilespmem:s5+$0xFFFFFC00] =	vst v10;
	v10 =	vmax.f32 v12, v8;
	v12 =	vmul.f32 $5.000000000e-01, v13  }
0x106: {  	v23 =	vmul.f32 $5.000000000e-01, v17;
	v11 =	vmin.f32 v11, v6;
	[tilespmem:s6+$0x13800] =	vst v19;
	v19 =	vmax.f32 v30, v9  }
0x107: {  	[tilespmem:s9+$0xFFFFF800] =	vst v20;
	v10 =	vmin.f32 v10, v6;
	v21 =	vmul.f32 v13, v25;
	v12 =	vadd.f32 v12, v16  }
0x108: {  	v13 =	vmul.f32 v13, v33;
	[tilespmem:s9+$0x600] =	vst v10;
	v16 =	vadd.f32 v10, v14;
	v10 =	vsub.f32 v39, v23  }
0x109: {  	[tilespmem:s9+$0x200] =	vst v11;
	v11 =	vadd.f32 v11, v14;
	v19 =	vmin.f32 v19, v7  }
0x10a: {  	[tilespmem:s9+$0x0] =	vst v19;
	v23 =	vmul.f32 $5.000000000e-01, v13;
	v12 =	vadd.f32 v12, v21;
	v24 =	vmax.f32 v10, v9  }
0x10b: {  	[tilespmem:s9+$0xFFFFF600] =	vst v11;
	v21 =	vadd.f32 v19, v14;
	v14 =	vmin.f32 v24, v7  }
0x10c: {  	[tilespmem:s9+$0xFFFFFA00] =	vst v16;
	v12 =	vsub.f32 v12, v23;
	v19 =	vadd.f32 v14, v22  }
0x10d: {  	v10 =	vadd.f32 v10, v17;
	[tilespmem:s9+$0xFFFFF400] =	vst v21  }
0x10e: {  	v23 =	vmax.f32 v12, v8;
	v12 =	vadd.f32 v12, v13;
	[tilespmem:s9+$0xFFFFF3F0] =	vst v19  }
0x10f: {  	v10 =	vmax.f32 v10, v9;
	[tilespmem:s7+$0x14400] =	vst v18  }
0x110: {  	v10 =	vmin.f32 v10, v7;
	[tilespmem:s7+$0x13C00] =	vst v14;
	v12 =	vmax.f32 v12, v8  }
0x111: {  	v17 =	vadd.f32 v10, v22;
	v13 =	vmin.f32 v23, v6;
	[tilespmem:s7+$0x14000] =	vst v10;
	v12 =	vmin.f32 v12, v6  }
0x112: {  	[tilespmem:s7+$0x13E00] =	vst v13;
	v13 =	vadd.f32 v13, v22;
	v14 =	vadd.f32 v12, v22  }
0x113: {  	[tilespmem:s7+$0x14200] =	vst v12  }
0x114: {  	[tilespmem:s7+$0x13200] =	vst v13;
	v12 =	vsub.f32 v14, v13;
	v13 =	vsub.f32 v17, v19  }
0x115: {  	v11 =	vsub.f32 v16, v11;
	[tilespmem:s7+$0x13600] =	vst v14;
	v14 =	vnsel vm0, $0xBF800000, v15;
	v15 =	vsub.f32 v20, v21  }
0x116: {  	[tilespmem:s7+$0x13400] =	vst v17;
	v10 =	vmul.f32 v12, v13  }
0x117: {  	[tilespmem:s7+$0x13A00] =	vst v14;
	v11 =	vmul.f32 v11, v15  }
0x118: {  	[tilespmem:s7+$0x13800] =	vst v10  }
0x119: {  	s0 =	simm.s32 $0xAF00;
	[tilespmem:s9+$0xFFFFFC00] =	vst v11  }
0x11a: {  	[tilespmem:s17], [sflag:$0x1] =	stream.indirect.gather [hbm4b:s4+s13], $0x80, s0, s13, $0xb8;
	[tilespmem:$0x1C580] =	vst v63  }
0x11b: {  	s7 =	simm.s32 $0xF000;
	s9 =	simm.s32 $0xAF80  }
0x11c: {  	[tilespmem:s7], [sflag:$0x1] =	stream.indirect.gather [hbm4b:s4+s13], $0x80, s9, s13, $0xb8;
	[tilespmem:$0x1C580] =	vst v63  }
0x11d: {  	_ =	swait.ge [sflag:s22], $0x4000  }
0x11e: {  	[sflag:s22] =	ssyncset.done $0x0  }
0x11f: {  	[sflag:s22] =	ssyncadd.s32 $0xFFFFC000  }
0x120: {  	_ =	swait.ge [sflag:s22], $0x4000  }
0x121: {  	[sflag:s22] =	ssyncset.done $0x0  }
0x122: {  	s10 =	simm.s32 $0xAD10;
	[sflag:s22] =	ssyncadd.s32 $0xFFFFC000  }
0x123: {  	v13 =	vld [tilespmem:s10+$0x0]  }
0x124: {  	v14 =	vld [tilespmem:s10+$0xFFFFFFF0]  }
0x125: {  	s12 =	simm.s32 $0x110;
	v10 =	vmul.u32 $0x80, v5  }
0x126: {  	v12 =	vmov s12  }
0x127: {  	v11 =	vshll.u32 v12, $0x7;
	v10 =	vor.u32 $0xFFFF8000, v10  }
0x128: {  	v16 =	vadd.s32 v10, v11;
	v15 =	vadd.s32 $0x2, v13;
	v17 =	vadd.s32 $0x3, v13  }
0x129: {  	v19 =	vadd.s32 $0x2, v14;
	v21 =	vadd.s32 $0x3, v14;
	v11 =	vand.u32 $0xFFFFFF80, v15  }
0x12a: {  	v26 =	vand.u32 $0xFFFFFF80, v13;
	v15 =	vand.u32 $0x7F, v15;
	v11 =	vadd.s32 v16, v11  }
0x12b: {  	s15 =	simm.s32 $0x100;
	v28 =	vand.u32 $0x7F, v13;
	v18 =	vand.u32 $0xFFFFFF80, v17;
	v15 =	vor.u32 v15, v11  }
0x12c: {  	v11 =	vand.u32 $0x7F, v17;
	v17 =	vadd.s32 v16, v18;
	v18 =	vmov s15  }
0x12d: {  	v26 =	vadd.s32 v16, v26;
	v17 =	vor.u32 v11, v17;
	v11 =	vshll.u32 v18, $0x7  }
0x12e: {  	v20 =	vand.u32 $0xFFFFFF80, v19;
	v26 =	vor.u32 v28, v26;
	v22 =	vadd.s32 v10, v11  }
0x12f: {  	s16 =	simm.s32 $0xAB10;
	v19 =	vand.u32 $0x7F, v19;
	v11 =	vmul.u32 $0x4, v5;
	v20 =	vadd.s32 v22, v20  }
0x130: {  	v12 =	vshll.u32 v12, $0x2;
	v31 =	vld [tilespmem:s16+$0xFFFFFFF0];
	v23 =	vand.u32 $0xFFFFFF80, v21;
	v19 =	vor.u32 v19, v20  }
0x131: {  	v20 =	vadd.s32 v22, v23;
	v23 =	vor.u32 v11, v12;
	v15 =	vld.idx.msk [tilespmem:v15+s17+$0x0], $0xffff  }
0x132: {  	v12 =	vand.u32 $0x7F, v21;
	v21 =	vor.u32 $0x1, v23;
	v17 =	vld.idx.msk [tilespmem:v17+s17+$0x0], $0xffff  }
0x133: {  	s6 =	sand.u32 $0x1E0, s15;
	v13 =	vadd.s32 $0x1, v13;
	v26 =	vld.idx.msk [tilespmem:v26+s17+$0x0], $0xffff;
	v24 =	vor.u32 $0x2, v23  }
0x134: {  	v29 =	vand.u32 $0xFFFFFF80, v13;
	v20 =	vor.u32 v12, v20;
	v12 =	vld [tilespmem:s6+$0x14600];
	v27 =	vor.u32 $0x3, v23  }
0x135: {  	v13 =	vand.u32 $0x7F, v13;
	v16 =	vadd.s32 v16, v29;
	v18 =	vshll.u32 v18, $0x2;
	v19 =	vld.idx.msk [tilespmem:v19+s17+$0x0], $0xffff  }
0x136: {  	s20 =	simm.s32 $0x120;
	v13 =	vor.u32 v13, v16;
	v18 =	vor.u32 v11, v18;
	v23 =	vld.idx.msk [tilespmem:v23+s8+$0x0], $0xffff;
	v15 =	vmul.f32 $1.442695020e+00, v15  }
0x137: {  	v52 =	vmov s20;
	v25 =	vor.u32 $0x1, v18;
	v21 =	vld.idx.msk [tilespmem:v21+s8+$0x0], $0xffff;
	v17 =	vmul.f32 $1.442695020e+00, v17  }
0x138: {  	v54 =	vshll.u32 v52, $0x7;
	v29 =	vand.u32 $0xFFFFFF80, v14;
	v16 =	vld.idx.msk [tilespmem:v24+s8+$0x0], $0xffff;
	(erf) = vpow2.f32 v15  }
0x139: {  	v24 =	vld.idx.msk [tilespmem:v27+s8+$0x0], $0xffff;
	v27 =	vadd.s32 $0x1, v14;
	(erf) = vpow2.f32 v17;
	v17 =	vor.u32 $0x3, v18  }
0x13a: {  	v20 =	vld.idx.msk [tilespmem:v20+s17+$0x0], $0xffff;
	v14 =	vand.u32 $0x7F, v14;
	v28 =	vand.u32 $0xFFFFFF80, v27;
	v15 =	vor.u32 $0x2, v18  }
0x13b: {  	v13 =	vld.idx.msk [tilespmem:v13+s17+$0x0], $0xffff;
	v28 =	vadd.s32 v22, v28;
	v22 =	vadd.s32 v22, v29;
	v19 =	vmul.f32 $1.442695020e+00, v19  }
0x13c: {  	v36 =	vshll.u32 v52, $0x2;
	v25 =	vld.idx.msk [tilespmem:v25+s8+$0x0], $0xffff;
	v27 =	vand.u32 $0x7F, v27;
	v22 =	vor.u32 v14, v22  }
0x13d: {  	v16 =	vsub.f32 v16, v23;
	(erf) = vpow2.f32 v19;
	v19 =	vor.u32 v27, v28;
	v27 =	vld [tilespmem:s16+$0x0]  }
0x13e: {  	v35 =	vadd.s32 v10, v54;
	vm2 =	vgt.s32 v31, $0x0;
	v14 =	vld.idx.msk [tilespmem:v17+s8+$0x0], $0xffff;
	v17 =	vsub.f32 v24, v21  }
0x13f: {  	vm1 =	vge.f32 v12, $6.999999880e-01;
	v24 =	vld.idx.msk [tilespmem:v18+s8+$0x0], $0xffff;
	v18 =	vmul.f32 $1.442695020e+00, v20;
	v20 =	vmul.f32 $5.000000000e-01, v16  }
0x140: {  	v36 =	vor.u32 v11, v36;
	vm1 =	vmand vm2, vm1;
	v15 =	vld.idx.msk [tilespmem:v15+s8+$0x0], $0xffff;
	v28 =	vmul.f32 $5.000000000e-01, v17  }
0x141: {  	v39 =	vnsel vm1, $0xBF800000, v12;
	v26 =	vmul.f32 v16, v26;
	v20 =	vadd.f32 v20, v23;
	v29 =	vpop (erf)  }
0x142: {  	v22 =	vld.idx.msk [tilespmem:v22+s17+$0x0], $0xffff;
	v13 =	vmul.f32 v17, v13;
	v16 =	vmul.f32 v16, v29;
	v23 =	vpop (erf);
	v21 =	vadd.f32 v28, v21  }
0x143: {  	(erf) = vpow2.f32 v18;
	v18 =	vadd.f32 v20, v26;
	v17 =	vmul.f32 v17, v23  }
0x144: {  	v23 =	vsub.f32 v14, v25;
	v14 =	vcvt.s32.f32 v27;
	v20 =	vmul.f32 $5.000000000e-01, v16  }
0x145: {  	v26 =	vsub.f32 v15, v24;
	v13 =	vadd.f32 v21, v13;
	v21 =	vmul.f32 $5.000000000e-01, v17  }
0x146: {  	vm0 =	vgt.s32 v27, $0x0;
	v27 =	vadd.f32 v14, v14;
	v15 =	vsub.f32 v18, v20  }
0x147: {  	v22 =	vmul.f32 v26, v22;
	v20 =	vmul.f32 $5.000000000e-01, v23;
	v18 =	vpop (erf);
	v13 =	vsub.f32 v13, v21  }
0x148: {  	v21 =	vmul.f32 $5.000000000e-01, v26;
	v30 =	vmul.f32 v26, v18;
	v29 =	vadd.f32 v15, v16  }
0x149: {  	s21 =	simm.s32 $0x13D10;
	v28 =	vld.idx.msk [tilespmem:v19+s17+$0x0], $0xffff;
	v19 =	vmax.f32 v15, v9;
	v20 =	vadd.f32 v20, v25;
	v17 =	vadd.f32 v13, v17  }
0x14a: {  	v62 =	vld [tilespmem:s21+$0xA00];
	v13 =	vmax.f32 v13, v8;
	v16 =	vmin.f32 v19, v7;
	v21 =	vadd.f32 v21, v24  }
0x14b: {  	v45 =	vmul.f32 $5.000000000e-01, v30;
	v15 =	vmin.f32 v13, v6;
	v13 =	vmax.f32 v29, v9  }
0x14c: {  	v29 =	vadd.f32 v16, v27;
	v17 =	vmax.f32 v17, v8;
	v18 =	vmin.f32 v13, v7  }
0x14d: {  	v19 =	vadd.f32 v15, v27;
	v21 =	vadd.f32 v21, v22;
	v17 =	vmin.f32 v17, v6  }
0x14e: {  	s18 =	simm.s32 $0xAD30;
	v13 =	vmul.f32 v23, v28;
	v28 =	vpop (erf);
	v32 =	vadd.f32 v18, v27;
	v25 =	vadd.f32 v17, v27  }
0x14f: {  	vm1 =	vge.f32 v62, $6.999999880e-01;
	v23 =	vmul.f32 v23, v28;
	v27 =	vld [tilespmem:s18+$0x0];
	v21 =	vsub.f32 v21, v45  }
0x150: {  	vm0 =	vmand vm0, vm1;
	v24 =	vsub.f32 v32, v29;
	v28 =	vsub.f32 v25, v19  }
0x151: {  	s5 =	simm.s32 $0x130;
	v20 =	vadd.f32 v20, v13;
	v13 =	vcvt.s32.f32 v31;
	v26 =	vmul.f32 $5.000000000e-01, v23  }
0x152: {  	v30 =	vadd.f32 v21, v30;
	v22 =	vmul.f32 v28, v24;
	v28 =	vmov s5  }
0x153: {  	v21 =	vmax.f32 v21, v9;
	v20 =	vsub.f32 v20, v26;
	v31 =	vshll.u32 v28, $0x7  }
0x154: {  	v46 =	vadd.s32 $0x2, v27;
	v48 =	vadd.s32 $0x3, v27;
	v28 =	vshll.u32 v28, $0x2  }
0x155: {  	v31 =	vadd.s32 v10, v31;
	v47 =	vand.u32 $0xFFFFFF80, v46;
	v33 =	vand.u32 $0x7F, v46  }
0x156: {  	v49 =	vand.u32 $0xFFFFFF80, v48;
	v28 =	vor.u32 v11, v28;
	v34 =	vadd.s32 v31, v47  }
0x157: {  	v26 =	vld [tilespmem:s18+$0xFFFFFFF0];
	v50 =	vand.u32 $0x7F, v48;
	v51 =	vadd.s32 v31, v49;
	v33 =	vor.u32 v33, v34  }
0x158: {  	[tilespmem:s21+$0xFFFFFA00] =	vst v25;
	v21 =	vmin.f32 v21, v7;
	v24 =	vadd.f32 v13, v13;
	v34 =	vor.u32 v50, v51  }
0x159: {  	v25 =	vmax.f32 v30, v9;
	v42 =	vadd.s32 $0x1, v27;
	[tilespmem:s21+$0xFFFFFC00] =	vst v22;
	v22 =	vor.u32 $0x3, v36  }
0x15a: {  	v61 =	vand.u32 $0xFFFFFF80, v27;
	v27 =	vand.u32 $0x7F, v27;
	v43 =	vand.u32 $0xFFFFFF80, v42  }
0x15b: {  	v59 =	vor.u32 $0x1, v28;
	v60 =	vor.u32 $0x2, v28;
	v63 =	vor.u32 $0x3, v28;
	v28 =	vld.idx.msk [tilespmem:v28+s8+$0x0], $0xffff  }
0x15c: {  	v47 =	vor.u32 $0x1, v36;
	v53 =	vadd.s32 $0x2, v26;
	v56 =	vadd.s32 $0x3, v26;
	v33 =	vld.idx.msk [tilespmem:v33+s17+$0x0], $0xffff  }
0x15d: {  	v55 =	vand.u32 $0xFFFFFF80, v53;
	v37 =	vand.u32 $0x7F, v53;
	v57 =	vand.u32 $0xFFFFFF80, v56;
	v12 =	vld.idx.msk [tilespmem:v34+s17+$0x0], $0xffff  }
0x15e: {  	s9 =	simm.s32 $0xAB30;
	v58 =	vand.u32 $0x7F, v56;
	v38 =	vadd.s32 v35, v55;
	v40 =	vadd.s32 v35, v57;
	v22 =	vld.idx.msk [tilespmem:v22+s8+$0x0], $0xffff  }
0x15f: {  	v41 =	vadd.s32 v31, v61;
	v37 =	vor.u32 v37, v38;
	v38 =	vor.u32 v58, v40;
	v58 =	vld [tilespmem:s9+$0x0]  }
0x160: {  	v42 =	vand.u32 $0x7F, v42;
	v31 =	vadd.s32 v31, v43;
	v27 =	vor.u32 v27, v41;
	v40 =	vld.idx.msk [tilespmem:v60+s8+$0x0], $0xffff  }
0x161: {  	v23 =	vadd.f32 v20, v23;
	v31 =	vor.u32 v42, v31;
	v43 =	vld.idx.msk [tilespmem:v63+s8+$0x0], $0xffff;
	v33 =	vmul.f32 $1.442695020e+00, v33  }
0x162: {  	v20 =	vmax.f32 v20, v8;
	v48 =	vor.u32 $0x2, v36;
	v30 =	vld.idx.msk [tilespmem:v47+s8+$0x0], $0xffff;
	v12 =	vmul.f32 $1.442695020e+00, v12  }
0x163: {  	v49 =	vmin.f32 v20, v6;
	v23 =	vmax.f32 v23, v8;
	v34 =	vld.idx.msk [tilespmem:v59+s8+$0x0], $0xffff;
	(erf) = vpow2.f32 v33  }
0x164: {  	[tilespmem:s21+$0xFFFFF400] =	vst v29;
	v45 =	vadd.s32 $0x1, v26;
	v29 =	vmin.f32 v23, v6;
	v37 =	vld.idx.msk [tilespmem:v37+s17+$0x0], $0xffff;
	(erf) = vpow2.f32 v12  }
0x165: {  	[tilespmem:s21+$0x400] =	vst v18;
	v46 =	vand.u32 $0xFFFFFF80, v45;
	v56 =	vadd.f32 v21, v24;
	v55 =	vmin.f32 v25, v7;
	v27 =	vld.idx.msk [tilespmem:v27+s17+$0x0], $0xffff  }
0x166: {  	[tilespmem:s21+$0xFFFFF600] =	vst v19;
	v42 =	vand.u32 $0x7F, v45;
	v18 =	vadd.f32 v29, v24;
	v19 =	vadd.f32 v55, v24;
	v31 =	vld.idx.msk [tilespmem:v31+s17+$0x0], $0xffff  }
0x167: {  	v53 =	vnsel vm0, $0xBF800000, v62;
	v24 =	vadd.f32 v49, v24;
	v50 =	vsub.f32 v40, v28  }
0x168: {  	[tilespmem:s21+$0x800] =	vst v14;
	v59 =	vsub.f32 v19, v56;
	v20 =	vld.idx.msk [tilespmem:v38+s17+$0x0], $0xffff;
	v14 =	vcvt.s32.f32 v58;
	v51 =	vsub.f32 v43, v34  }
0x169: {  	v60 =	vsub.f32 v18, v24;
	v52 =	vmul.f32 $5.000000000e-01, v50;
	v37 =	vmul.f32 $1.442695020e+00, v37  }
0x16a: {  	v22 =	vsub.f32 v22, v30;
	v27 =	vmul.f32 v50, v27;
	v54 =	vmul.f32 $5.000000000e-01, v51  }
0x16b: {  	v36 =	vld.idx.msk [tilespmem:v36+s8+$0x0], $0xffff;
	v33 =	vadd.s32 v35, v46;
	v31 =	vmul.f32 v51, v31;
	(erf) = vpow2.f32 v37  }
0x16c: {  	v23 =	vld.idx.msk [tilespmem:v48+s8+$0x0], $0xffff;
	v12 =	vand.u32 $0xFFFFFF80, v26;
	v26 =	vand.u32 $0x7F, v26;
	v25 =	vadd.f32 v52, v28;
	v28 =	vpop (erf)  }
0x16d: {  	[tilespmem:s21+$0x0] =	vst v16;
	v63 =	vld [tilespmem:s9+$0xFFFFFFF0];
	v33 =	vor.u32 v42, v33;
	v20 =	vmul.f32 $1.442695020e+00, v20;
	v28 =	vmul.f32 v50, v28;
	v57 =	vpop (erf)  }
0x16e: {  	[tilespmem:s21+$0xFFFFF800] =	vst v32;
	v12 =	vadd.s32 v35, v12;
	v34 =	vadd.f32 v54, v34;
	v32 =	vmul.f32 v51, v57  }
0x16f: {  	[tilespmem:s21+$0x600] =	vst v17;
	v17 =	vadd.f32 v25, v27;
	(erf) = vpow2.f32 v20;
	v16 =	vmul.f32 $5.000000000e-01, v28  }
0x170: {  	[tilespmem:s21+$0x200] =	vst v15;
	v26 =	vor.u32 v26, v12;
	v15 =	vadd.f32 v34, v31;
	v20 =	vmul.f32 $5.000000000e-01, v32  }
0x171: {  	[tilespmem:s21+$0xFFFFF3F0] =	vst v56;
	vm0 =	vgt.s32 v58, $0x0;
	v27 =	vsub.f32 v23, v36;
	v16 =	vsub.f32 v17, v16  }
0x172: {  	[tilespmem:s6+$0x14400] =	vst v13;
	v13 =	vcvt.s32.f32 v63;
	v62 =	vadd.f32 v14, v14;
	v15 =	vsub.f32 v15, v20  }
0x173: {  	[tilespmem:s6+$0x13400] =	vst v19;
	v61 =	vmul.f32 $5.000000000e-01, v27;
	v31 =	vld.idx.msk [tilespmem:v33+s17+$0x0], $0xffff;
	v17 =	vmul.f32 $5.000000000e-01, v22;
	v19 =	vmax.f32 v16, v9  }
0x174: {  	[tilespmem:s6+$0x13600] =	vst v18;
	v18 =	vpop (erf);
	v16 =	vadd.f32 v16, v28;
	v23 =	vadd.f32 v15, v32;
	v25 =	vmax.f32 v15, v8  }
0x175: {  	v28 =	vld.idx.msk [tilespmem:v26+s17+$0x0], $0xffff;
	v15 =	vmul.f32 v27, v18;
	v20 =	vmin.f32 v19, v7;
	v19 =	vmin.f32 v25, v6  }
0x176: {  	v16 =	vmax.f32 v16, v9;
	v25 =	vadd.f32 v20, v62;
	v18 =	vmax.f32 v23, v8  }
0x177: {  	s7 =	sand.u32 $0x1E0, s20;
	[tilespmem:s6+$0x13200] =	vst v24;
	v24 =	vmin.f32 v16, v7;
	v26 =	vadd.f32 v19, v62;
	v23 =	vmin.f32 v18, v6  }
0x178: {  	[tilespmem:s6+$0x13C00] =	vst v21;
	v12 =	vld [tilespmem:s7+$0x14600];
	v21 =	vmul.f32 v22, v31;
	v31 =	vpop (erf);
	v18 =	vadd.f32 v24, v62;
	v16 =	vadd.f32 v23, v62  }
0x179: {  	[tilespmem:s21+$0xFFFFFE00] =	vst v53;
	v33 =	vadd.f32 v61, v36;
	v30 =	vadd.f32 v17, v30;
	v17 =	vmul.f32 v22, v31  }
0x17a: {  	[tilespmem:s6+$0x13A00] =	vst v39;
	v27 =	vmul.f32 v27, v28;
	v28 =	vsub.f32 v18, v25;
	v31 =	vsub.f32 v16, v26  }
0x17b: {  	[tilespmem:s6+$0x14200] =	vst v29;
	vm2 =	vgt.s32 v63, $0x0;
	v21 =	vadd.f32 v30, v21;
	v29 =	vmul.f32 $5.000000000e-01, v17  }
0x17c: {  	[tilespmem:s6+$0x13E00] =	vst v49;
	v22 =	vmul.f32 $5.000000000e-01, v15;
	v27 =	vadd.f32 v33, v27;
	v28 =	vmul.f32 v31, v28  }
0x17d: {  	s12 =	simm.s32 $0x12;
	s10 =	simm.s32 $0x13D30;
	s15 =	simm.s32 $0xAD50;
	[tilespmem:s6+$0x14000] =	vst v55;
	vm1 =	vge.f32 v12, $6.999999880e-01;
	v21 =	vsub.f32 v21, v29;
	v29 =	vmul.f32 v60, v59  }
.LBB2_10:
0x17e: {  	v30 =	vld [tilespmem:s15+$0x0];
	v27 =	vsub.f32 v27, v22;
	vm1 =	vmand vm2, vm1;
	v22 =	vadd.f32 v13, v13;
	[tilespmem:s10+$0xFFFFFC00] =	vst v28  }
0x17f: {  	s12 =	sadd.s32 $0x2, s12;
	v28 =	vld [tilespmem:s15+$0xFFFFFFF0];
	v31 =	vadd.f32 v21, v17;
	v21 =	vmax.f32 v21, v8;
	v17 =	vnsel vm1, $0xBF800000, v12;
	[tilespmem:s6+$0x13800] =	vst v29;
	s6 =	smov.u32 s7  }
0x180: {  	p1 =	slt.u32 s12, $0x1E;
	v12 =	vadd.f32 v27, v15;
	v27 =	vmax.f32 v27, v9;
	v15 =	vmin.f32 v21, v6;
	v21 =	vld [tilespmem:s10+$0xA00];
	[tilespmem:s10+$0xFFFFF800] =	vst v18  }
0x181: {  	s5 =	sadd.s32 $0x20, s5;
	v18 =	vmin.f32 v27, v7;
	v27 =	vmax.f32 v31, v8;
	[tilespmem:s10+$0xFFFFFA00] =	vst v16  }
0x182: {  	s16 =	sadd.s32 $0xFFFFFFF0, s5;
	v29 =	vmov s5;
	v31 =	vmax.f32 v12, v9;
	v16 =	vmin.f32 v27, v6;
	[tilespmem:s10+$0xFFFFF400] =	vst v25  }
0x183: {  	s7 =	sand.u32 $0x1E0, s16;
	v25 =	vshll.u32 v29, $0x7;
	v27 =	vadd.s32 $0x2, v30;
	[tilespmem:s10+$0xFFFFF600] =	vst v26  }
0x184: {  	v25 =	vadd.s32 v10, v25;
	v32 =	vadd.s32 $0x3, v30;
	v12 =	vld [tilespmem:s7+$0x14600];
	v26 =	vand.u32 $0xFFFFFF80, v27;
	[tilespmem:s10+$0x400] =	vst v24  }
0x185: {  	v24 =	vand.u32 $0x7F, v27;
	v27 =	vand.u32 $0xFFFFFF80, v32;
	v26 =	vadd.s32 v25, v26;
	[tilespmem:s10+$0x600] =	vst v23  }
0x186: {  	v23 =	vor.u32 v24, v26;
	v24 =	vand.u32 $0x7F, v32;
	v26 =	vadd.s32 v25, v27;
	[tilespmem:s10+$0x0] =	vst v20  }
0x187: {  	v20 =	vmov s16;
	v27 =	vadd.s32 $0x2, v28;
	v24 =	vor.u32 v24, v26;
	[tilespmem:s10+$0x200] =	vst v19  }
0x188: {  	v32 =	vadd.s32 $0x3, v28;
	v19 =	vshll.u32 v20, $0x7;
	v26 =	vand.u32 $0xFFFFFF80, v27;
	[tilespmem:s10+$0x800] =	vst v14  }
0x189: {  	v14 =	vadd.s32 v10, v19;
	v19 =	vand.u32 $0x7F, v27;
	v27 =	vand.u32 $0xFFFFFF80, v32  }
0x18a: {  	v26 =	vadd.s32 v14, v26;
	v27 =	vadd.s32 v14, v27  }
0x18b: {  	v29 =	vshll.u32 v29, $0x2;
	v19 =	vor.u32 v19, v26;
	v26 =	vand.u32 $0x7F, v32;
	v23 =	vld.idx.msk [tilespmem:v23+s17+$0x0], $0xffff  }
0x18c: {  	v20 =	vshll.u32 v20, $0x2;
	v26 =	vor.u32 v26, v27;
	v27 =	vor.u32 v11, v29;
	v24 =	vld.idx.msk [tilespmem:v24+s17+$0x0], $0xffff  }
0x18d: {  	v20 =	vor.u32 v11, v20;
	v29 =	vadd.s32 $0x1, v28;
	v32 =	vor.u32 $0x1, v27  }
0x18e: {  	v33 =	vor.u32 $0x1, v20;
	v34 =	vor.u32 $0x2, v20;
	v35 =	vor.u32 $0x2, v27  }
0x18f: {  	v37 =	vand.u32 $0xFFFFFF80, v30;
	v36 =	vor.u32 $0x3, v20;
	v38 =	vor.u32 $0x3, v27  }
0x190: {  	v39 =	vand.u32 $0x7F, v30;
	v30 =	vadd.s32 $0x1, v30;
	v37 =	vadd.s32 v25, v37;
	v19 =	vld.idx.msk [tilespmem:v19+s17+$0x0], $0xffff  }
0x191: {  	v40 =	vand.u32 $0xFFFFFF80, v30;
	v30 =	vand.u32 $0x7F, v30;
	v23 =	vmul.f32 $1.442695020e+00, v23;
	v27 =	vld.idx.msk [tilespmem:v27+s8+$0x0], $0xffff  }
0x192: {  	v37 =	vor.u32 v39, v37;
	v25 =	vadd.s32 v25, v40;
	v24 =	vmul.f32 $1.442695020e+00, v24;
	v32 =	vld.idx.msk [tilespmem:v32+s8+$0x0], $0xffff  }
0x193: {  	v25 =	vor.u32 v30, v25;
	v39 =	vand.u32 $0xFFFFFF80, v29;
	v30 =	vld.idx.msk [tilespmem:v35+s8+$0x0], $0xffff;
	(erf) = vpow2.f32 v23  }
0x194: {  	v23 =	vand.u32 $0xFFFFFF80, v28;
	v35 =	vadd.s32 v14, v39;
	v38 =	vld.idx.msk [tilespmem:v38+s8+$0x0], $0xffff;
	(erf) = vpow2.f32 v24  }
0x195: {  	v24 =	vand.u32 $0x7F, v28;
	v14 =	vadd.s32 v14, v23;
	v23 =	vand.u32 $0x7F, v29;
	v26 =	vld.idx.msk [tilespmem:v26+s17+$0x0], $0xffff  }
0x196: {  	v14 =	vor.u32 v24, v14;
	v23 =	vor.u32 v23, v35;
	v19 =	vmul.f32 $1.442695020e+00, v19;
	v28 =	vld.idx.msk [tilespmem:v33+s8+$0x0], $0xffff  }
0x197: {  	v29 =	vmin.f32 v31, v7;
	v31 =	vadd.f32 v18, v22;
	v33 =	vadd.f32 v16, v22;
	v24 =	vld.idx.msk [tilespmem:v37+s17+$0x0], $0xffff  }
0x198: {  	v25 =	vld.idx.msk [tilespmem:v25+s17+$0x0], $0xffff;
	(erf) = vpow2.f32 v19;
	v19 =	vadd.f32 v15, v22;
	v22 =	vadd.f32 v29, v22  }
0x199: {  	vm2 =	vge.f32 v21, $6.999999880e-01;
	vm1 =	vge.f32 v12, $6.999999880e-01;
	v30 =	vsub.f32 v30, v27;
	v34 =	vld.idx.msk [tilespmem:v34+s8+$0x0], $0xffff;
	[tilespmem:s10+$0xFFFFF3F0] =	vst v31  }
0x19a: {  	vm0 =	vmand vm0, vm2;
	v35 =	vld.idx.msk [tilespmem:v36+s8+$0x0], $0xffff;
	v36 =	vsub.f32 v38, v32;
	v31 =	vsub.f32 v22, v31;
	[tilespmem:s6+$0x13400] =	vst v22  }
0x19b: {  	s9 =	sadd.s32 $0x20, s9;
	v41 =	vmul.f32 $5.000000000e-01, v30;
	v37 =	vsub.f32 v33, v19;
	v22 =	vld.idx.msk [tilespmem:v20+s8+$0x0], $0xffff;
	v20 =	vmul.f32 $1.442695020e+00, v26;
	[tilespmem:s6+$0x13600] =	vst v33  }
0x19c: {  	v21 =	vnsel vm0, $0xBF800000, v21;
	v33 =	vld [tilespmem:s9+$0x0];
	v38 =	vmul.f32 $5.000000000e-01, v36;
	v39 =	vpop (erf);
	[tilespmem:s6+$0x13200] =	vst v19  }
0x19d: {  	v19 =	vadd.f32 v41, v27;
	v40 =	vld.idx.msk [tilespmem:v23+s17+$0x0], $0xffff;
	v23 =	vmul.f32 v30, v24;
	v24 =	vmul.f32 v30, v39;
	v26 =	vpop (erf)  }
0x19e: {  	v25 =	vmul.f32 v36, v25;
	v27 =	vld.idx.msk [tilespmem:v14+s17+$0x0], $0xffff;
	v14 =	vadd.f32 v38, v32;
	v26 =	vmul.f32 v36, v26  }
0x19f: {  	v30 =	vld [tilespmem:s9+$0xFFFFFFF0];
	v36 =	vadd.f32 v19, v23;
	v23 =	vmul.f32 $5.000000000e-01, v24;
	(erf) = vpow2.f32 v20;
	[tilespmem:s6+$0x13A00] =	vst v17  }
0x1a0: {  	v17 =	vsub.f32 v35, v28;
	v20 =	vadd.f32 v14, v25;
	v25 =	vmul.f32 $5.000000000e-01, v26;
	[tilespmem:s6+$0x13C00] =	vst v18  }
0x1a1: {  	v32 =	vsub.f32 v34, v22;
	v18 =	vsub.f32 v36, v23;
	v14 =	vcvt.s32.f32 v33;
	v19 =	vpop (erf);
	[tilespmem:s6+$0x13E00] =	vst v15  }
0x1a2: {  	v34 =	vmul.f32 $5.000000000e-01, v17;
	vm0 =	vgt.s32 v33, $0x0;
	v15 =	vsub.f32 v20, v25;
	[tilespmem:s6+$0x14000] =	vst v29  }
0x1a3: {  	v29 =	vmul.f32 $5.000000000e-01, v32;
	v20 =	vmax.f32 v18, v9;
	v33 =	vadd.f32 v14, v14;
	[tilespmem:s6+$0x14200] =	vst v16  }
0x1a4: {  	v16 =	vadd.f32 v18, v24;
	v18 =	vadd.f32 v15, v26;
	v23 =	vmax.f32 v15, v8;
	[tilespmem:s6+$0x14400] =	vst v13  }
0x1a5: {  	v15 =	vmul.f32 v32, v19;
	v20 =	vmin.f32 v20, v7;
	v19 =	vmin.f32 v23, v6;
	[tilespmem:s10+$0xFFFFFE00] =	vst v21  }
0x1a6: {  	v13 =	vmax.f32 v16, v9;
	v25 =	vadd.f32 v20, v33;
	v16 =	vmax.f32 v18, v8  }
0x1a7: {  	v24 =	vmin.f32 v13, v7;
	v26 =	vadd.f32 v19, v33;
	v23 =	vmin.f32 v16, v6  }
0x1a8: {  	v13 =	vmul.f32 v17, v40;
	v18 =	vadd.f32 v24, v33;
	v16 =	vadd.f32 v23, v33;
	v21 =	vpop (erf)  }
.Ltmp6:
0x1a9: {  	v29 =	vadd.f32 v29, v22;
	v22 =	vadd.f32 v34, v28;
	v17 =	vmul.f32 v17, v21;
	(pc) =	sbr.rel @p1 .LBB2_10-.Ltmp6, $4  }
0x1aa: {  	v21 =	vmul.f32 v32, v27;
	v28 =	vsub.f32 v18, v25;
	v32 =	vsub.f32 v16, v26  }
0x1ab: {  	v33 =	vadd.f32 v22, v13;
	v22 =	vmul.f32 $5.000000000e-01, v15;
	v34 =	vmul.f32 $5.000000000e-01, v17  }
0x1ac: {  	v13 =	vcvt.s32.f32 v30;
	v27 =	vadd.f32 v29, v21;
	v28 =	vmul.f32 v32, v28  }
0x1ad: {  	s15 =	sadd.s32 $0x20, s15;
	vm2 =	vgt.s32 v30, $0x0;
	s10 =	sadd.s32 $0x20, s10;
	v29 =	vmul.f32 v37, v31;
	v21 =	vsub.f32 v33, v34  }
0x1ae: {  	[tilespmem:s10+$0xFFFFFC00] =	vst v28  }
0x1af: {  	[tilespmem:s10+$0xFFFFF800] =	vst v18  }
0x1b0: {  	[tilespmem:s10+$0xFFFFFA00] =	vst v16  }
0x1b1: {  	[tilespmem:s10+$0xFFFFF400] =	vst v25  }
0x1b2: {  	[tilespmem:s10+$0xFFFFF600] =	vst v26  }
0x1b3: {  	v11 =	vsub.f32 v27, v22;
	[tilespmem:s10+$0x400] =	vst v24  }
0x1b4: {  	[tilespmem:s10+$0x600] =	vst v23;
	v17 =	vadd.f32 v21, v17  }
0x1b5: {  	v57 =	vadd.f32 v13, v13;
	[tilespmem:s10+$0x0] =	vst v20;
	v15 =	vadd.f32 v11, v15;
	v11 =	vmax.f32 v11, v9  }
0x1b6: {  	[tilespmem:s10+$0x200] =	vst v19;
	v11 =	vmin.f32 v11, v7;
	v61 =	vmax.f32 v17, v8  }
0x1b7: {  	v10 =	vld [tilespmem:s10+$0xA00];
	[tilespmem:s10+$0x800] =	vst v14;
	v60 =	vmax.f32 v21, v8;
	v59 =	vadd.f32 v11, v57;
	v8 =	vmin.f32 v61, v6  }
0x1b8: {  	[tilespmem:s6+$0x13800] =	vst v29;
	v6 =	vmin.f32 v60, v6;
	v62 =	vadd.f32 v8, v57  }
0x1b9: {  	v63 =	vadd.f32 v6, v57;
	[tilespmem:s10+$0xFFFFF3F0] =	vst v59  }
0x1ba: {  	vm15 =	vmand vm2, vm1;
	[tilespmem:s7+$0x13600] =	vst v62  }
0x1bb: {  	v12 =	vnsel vm15, $0xBF800000, v12;
	[tilespmem:s7+$0x13200] =	vst v63  }
0x1bc: {  	v58 =	vmax.f32 v15, v9;
	vm3 =	vge.f32 v10, $6.999999880e-01;
	[tilespmem:s7+$0x13A00] =	vst v12  }
0x1bd: {  	v7 =	vmin.f32 v58, v7;
	vm0 =	vmand vm0, vm3;
	[tilespmem:s7+$0x13C00] =	vst v11  }
0x1be: {  	v9 =	vadd.f32 v7, v57;
	v10 =	vnsel vm0, $0xBF800000, v10;
	[tilespmem:s7+$0x13E00] =	vst v6  }
0x1bf: {  	[tilespmem:s10+$0xFFFFFE00] =	vst v10  }
0x1c0: {  	[tilespmem:s7+$0x13400] =	vst v9;
	v9 =	vsub.f32 v9, v59;
	v10 =	vsub.f32 v62, v63  }
0x1c1: {  	[tilespmem:s7+$0x14000] =	vst v7  }
0x1c2: {  	[tilespmem:s7+$0x14200] =	vst v8;
	v6 =	vmul.f32 v10, v9  }
0x1c3: {  	[tilespmem:s7+$0x14400] =	vst v13  }
0x1c4: {  	s0 =	simm.s32 $0x13000;
	[tilespmem:s7+$0x13800] =	vst v6  }
0x1c5: {  	[spmem:s30] =	stream.strided.scatter [tilespmem:s0], [sflag:$0x2], $0x200, s29, s13, $0x38;
	[tilespmem:$0x1C580] =	vst v63  }
0x1c6: {  	_ =	swait.ge [sflag:s1], $0x200  }
0x1c7: {  	[sflag:s1] =	ssyncset.done $0x0  }
0x1c8: {  	s6 =	simm.s32 $0x13200;
	[sflag:s1] =	ssyncadd.s32 $0xFFFFFE00  }
0x1c9: {  	[spmem:s31] =	stream.strided.scatter [tilespmem:s6], [sflag:$0x2], $0x200, s29, s13, $0x38;
	[tilespmem:$0x1C580] =	vst v63  }
0x1ca: {  	_ =	swait.ge [sflag:s1], $0x200  }
0x1cb: {  	[sflag:s1] =	ssyncset.done $0x0  }
0x1cc: {  	s5 =	simm.s32 $0x13400;
	s7 =	rddreg [dreg:$0xa];
	[sflag:s1] =	ssyncadd.s32 $0xFFFFFE00  }
0x1cd: {  	[spmem:s7] =	stream.strided.scatter [tilespmem:s5], [sflag:$0x2], $0x200, s29, s13, $0x38;
	[tilespmem:$0x1C580] =	vst v63  }
0x1ce: {  	_ =	swait.ge [sflag:s1], $0x200  }
0x1cf: {  	[sflag:s1] =	ssyncset.done $0x0  }
0x1d0: {  	s10 =	simm.s32 $0x13600;
	s9 =	rddreg [dreg:$0xd];
	[sflag:s1] =	ssyncadd.s32 $0xFFFFFE00  }
0x1d1: {  	[spmem:s9] =	stream.strided.scatter [tilespmem:s10], [sflag:$0x2], $0x200, s29, s13, $0x38;
	[tilespmem:$0x1C580] =	vst v63  }
0x1d2: {  	_ =	swait.ge [sflag:s1], $0x200  }
0x1d3: {  	[sflag:s1] =	ssyncset.done $0x0  }
0x1d4: {  	s15 =	simm.s32 $0x13800;
	s12 =	rddreg [dreg:$0xe];
	[sflag:s1] =	ssyncadd.s32 $0xFFFFFE00  }
0x1d5: {  	[spmem:s12] =	stream.strided.scatter [tilespmem:s15], [sflag:$0x2], $0x200, s29, s13, $0x38;
	[tilespmem:$0x1C580] =	vst v63  }
0x1d6: {  	_ =	swait.ge [sflag:s1], $0x200  }
0x1d7: {  	[sflag:s1] =	ssyncset.done $0x0  }
0x1d8: {  	s18 =	simm.s32 $0x13A00;
	s16 =	rddreg [dreg:$0x10];
	[sflag:s1] =	ssyncadd.s32 $0xFFFFFE00  }
0x1d9: {  	[spmem:s16] =	stream.strided.scatter [tilespmem:s18], [sflag:$0x2], $0x200, s29, s13, $0x38;
	[tilespmem:$0x1C580] =	vst v63  }
0x1da: {  	_ =	swait.ge [sflag:s1], $0x200  }
0x1db: {  	[sflag:s1] =	ssyncset.done $0x0  }
0x1dc: {  	s21 =	simm.s32 $0x13C00;
	s20 =	rddreg [dreg:$0x12];
	[sflag:s1] =	ssyncadd.s32 $0xFFFFFE00  }
0x1dd: {  	[spmem:s20] =	stream.strided.scatter [tilespmem:s21], [sflag:$0x2], $0x200, s29, s13, $0x38;
	[tilespmem:$0x1C580] =	vst v63  }
0x1de: {  	_ =	swait.ge [sflag:s1], $0x200  }
0x1df: {  	[sflag:s1] =	ssyncset.done $0x0  }
0x1e0: {  	s7 =	simm.s32 $0x13E00;
	s6 =	rddreg [dreg:$0x15];
	[sflag:s1] =	ssyncadd.s32 $0xFFFFFE00  }
0x1e1: {  	[spmem:s6] =	stream.strided.scatter [tilespmem:s7], [sflag:$0x2], $0x200, s29, s13, $0x38;
	[tilespmem:$0x1C580] =	vst v63  }
0x1e2: {  	_ =	swait.ge [sflag:s1], $0x200  }
0x1e3: {  	[sflag:s1] =	ssyncset.done $0x0  }
0x1e4: {  	s10 =	simm.s32 $0x14000;
	s9 =	rddreg [dreg:$0x16];
	[sflag:s1] =	ssyncadd.s32 $0xFFFFFE00  }
0x1e5: {  	[spmem:s9] =	stream.strided.scatter [tilespmem:s10], [sflag:$0x2], $0x200, s29, s13, $0x38;
	[tilespmem:$0x1C580] =	vst v63  }
0x1e6: {  	_ =	swait.ge [sflag:s1], $0x200  }
0x1e7: {  	[sflag:s1] =	ssyncset.done $0x0  }
0x1e8: {  	s15 =	simm.s32 $0x14200;
	s12 =	rddreg [dreg:$0x18];
	[sflag:s1] =	ssyncadd.s32 $0xFFFFFE00  }
0x1e9: {  	[spmem:s12] =	stream.strided.scatter [tilespmem:s15], [sflag:$0x2], $0x200, s29, s13, $0x38;
	[tilespmem:$0x1C580] =	vst v63  }
0x1ea: {  	_ =	swait.ge [sflag:s1], $0x200  }
0x1eb: {  	[sflag:s1] =	ssyncset.done $0x0  }
0x1ec: {  	s18 =	simm.s32 $0x14400;
	s16 =	rddreg [dreg:$0x1b];
	[sflag:s1] =	ssyncadd.s32 $0xFFFFFE00  }
0x1ed: {  	[spmem:s16] =	stream.strided.scatter [tilespmem:s18], [sflag:$0x2], $0x200, s29, s13, $0x38;
	[tilespmem:$0x1C580] =	vst v63  }
0x1ee: {  	_ =	swait.ge [sflag:s1], $0x200  }
0x1ef: {  	[sflag:s1] =	ssyncset.done $0x0  }
0x1f0: {  	s21 =	simm.s32 $0x14600;
	s20 =	rddreg [dreg:$0x1c];
	[sflag:s1] =	ssyncadd.s32 $0xFFFFFE00  }
0x1f1: {  	[spmem:s20] =	stream.strided.scatter [tilespmem:s21], [sflag:$0x2], $0x200, s29, s13, $0x38;
	[tilespmem:$0x1C580] =	vst v63  }
.Ltmp7:
0x1f2: {  	_ =	swait.ge [sflag:s1], $0x200;
	(pc) =	sbr.rel @p0 .LBB2_19-.Ltmp7, $3  }
0x1f3: {  	[sflag:s1] =	ssyncset.done $0x0  }
0x1f4: {  	[sflag:s1] =	ssyncadd.s32 $0xFFFFFE00  }
0x1f5: {  	[bflag:$0x0] =	sbarrier.arrive $0xFFFF;
	_ =	sdelay $0x1  }
0x1f6: {  	s5 =	rddreg [dreg:$0x4]  }
0x1f7: {  	[tilespmem:s19], [sflag:$0x2] =	stream.strided.gather [spmem:s5], $0x800, s29, s13, $0x38;
	[tilespmem:$0x1C580] =	vst v63  }
0x1f8: {  	_ =	swait.ge [sflag:s1], $0x800  }
0x1f9: {  	[sflag:s1] =	ssyncset.done $0x0  }
0x1fa: {  	s6 =	simm.s32 $0x16880;
	s18 =	rddreg [dreg:$0x6];
	[sflag:s1] =	ssyncadd.s32 $0xFFFFF800  }
0x1fb: {  	[tilespmem:s6], [sflag:$0x2] =	stream.strided.gather [spmem:s18], $0x800, s29, s13, $0x38;
	[tilespmem:$0x1C580] =	vst v63  }
0x1fc: {  	_ =	swait.ge [sflag:s1], $0x800  }
0x1fd: {  	[sflag:s1] =	ssyncset.done $0x0  }
0x1fe: {  	s21 =	simm.s32 $0x17080;
	s20 =	rddreg [dreg:$0x9];
	[sflag:s1] =	ssyncadd.s32 $0xFFFFF800  }
0x1ff: {  	[tilespmem:s21], [sflag:$0x2] =	stream.strided.gather [spmem:s20], $0x800, s29, s13, $0x38;
	[tilespmem:$0x1C580] =	vst v63  }
0x200: {  	_ =	swait.ge [sflag:s1], $0x800  }
0x201: {  	s0 =	smov.u32 s24;
	s31 =	smov.u32 s23;
	[sflag:s1] =	ssyncset.done $0x0  }
0x202: {  	s24 =	simm.s32 $0x17880;
	s23 =	rddreg [dreg:$0xb];
	[sflag:s1] =	ssyncadd.s32 $0xFFFFF800  }
0x203: {  	[tilespmem:s24], [sflag:$0x2] =	stream.strided.gather [spmem:s23], $0x800, s29, s13, $0x38;
	[tilespmem:$0x1C580] =	vst v63  }
0x204: {  	_ =	swait.ge [sflag:s1], $0x800  }
0x205: {  	[sflag:s1] =	ssyncset.done $0x0  }
0x206: {  	s30 =	simm.s32 $0x18080;
	s26 =	rddreg [dreg:$0xc];
	[sflag:s1] =	ssyncadd.s32 $0xFFFFF800  }
0x207: {  	[tilespmem:s30], [sflag:$0x2] =	stream.strided.gather [spmem:s26], $0x800, s29, s13, $0x38;
	[tilespmem:$0x1C580] =	vst v63  }
0x208: {  	_ =	swait.ge [sflag:s1], $0x800  }
0x209: {  	[sflag:s1] =	ssyncset.done $0x0  }
0x20a: {  	s7 =	simm.s32 $0x18880;
	s6 =	rddreg [dreg:$0xf];
	[sflag:s1] =	ssyncadd.s32 $0xFFFFF800  }
0x20b: {  	[tilespmem:s7], [sflag:$0x2] =	stream.strided.gather [spmem:s6], $0x800, s29, s13, $0x38;
	[tilespmem:$0x1C580] =	vst v63  }
0x20c: {  	_ =	swait.ge [sflag:s1], $0x800  }
0x20d: {  	[sflag:s1] =	ssyncset.done $0x0  }
0x20e: {  	s10 =	simm.s32 $0x19080;
	s9 =	rddreg [dreg:$0x11];
	[sflag:s1] =	ssyncadd.s32 $0xFFFFF800  }
0x20f: {  	[tilespmem:s10], [sflag:$0x2] =	stream.strided.gather [spmem:s9], $0x800, s29, s13, $0x38;
	[tilespmem:$0x1C580] =	vst v63  }
0x210: {  	_ =	swait.ge [sflag:s1], $0x800  }
0x211: {  	[sflag:s1] =	ssyncset.done $0x0  }
0x212: {  	s15 =	simm.s32 $0x19880;
	s12 =	rddreg [dreg:$0x13];
	[sflag:s1] =	ssyncadd.s32 $0xFFFFF800  }
0x213: {  	[tilespmem:s15], [sflag:$0x2] =	stream.strided.gather [spmem:s12], $0x800, s29, s13, $0x38;
	[tilespmem:$0x1C580] =	vst v63  }
0x214: {  	_ =	swait.ge [sflag:s1], $0x800  }
0x215: {  	[sflag:s1] =	ssyncset.done $0x0  }
0x216: {  	s18 =	simm.s32 $0x1A080;
	s16 =	rddreg [dreg:$0x14];
	[sflag:s1] =	ssyncadd.s32 $0xFFFFF800  }
0x217: {  	[tilespmem:s18], [sflag:$0x2] =	stream.strided.gather [spmem:s16], $0x800, s29, s13, $0x38;
	[tilespmem:$0x1C580] =	vst v63  }
0x218: {  	_ =	swait.ge [sflag:s1], $0x800  }
0x219: {  	[sflag:s1] =	ssyncset.done $0x0  }
0x21a: {  	s21 =	simm.s32 $0x1A880;
	s20 =	rddreg [dreg:$0x17];
	[sflag:s1] =	ssyncadd.s32 $0xFFFFF800  }
0x21b: {  	[tilespmem:s21], [sflag:$0x2] =	stream.strided.gather [spmem:s20], $0x800, s29, s13, $0x38;
	[tilespmem:$0x1C580] =	vst v63  }
0x21c: {  	_ =	swait.ge [sflag:s1], $0x800  }
0x21d: {  	[sflag:s1] =	ssyncset.done $0x0  }
0x21e: {  	s24 =	simm.s32 $0x1B080;
	s23 =	rddreg [dreg:$0x19];
	[sflag:s1] =	ssyncadd.s32 $0xFFFFF800  }
0x21f: {  	[tilespmem:s24], [sflag:$0x2] =	stream.strided.gather [spmem:s23], $0x800, s29, s13, $0x38;
	[tilespmem:$0x1C580] =	vst v63  }
0x220: {  	_ =	swait.ge [sflag:s1], $0x800  }
0x221: {  	[sflag:s1] =	ssyncset.done $0x0  }
0x222: {  	s30 =	simm.s32 $0x1B880;
	s26 =	rddreg [dreg:$0x1a];
	[sflag:s1] =	ssyncadd.s32 $0xFFFFF800  }
0x223: {  	[tilespmem:s30], [sflag:$0x2] =	stream.strided.gather [spmem:s26], $0x800, s29, s13, $0x38;
	[tilespmem:$0x1C580] =	vst v63  }
0x224: {  	_ =	swait.ge [sflag:s1], $0x800  }
0x225: {  	v7 =	vimm.f32 $-1.000000000e+09;
	v6 =	vimm.f32 $0.0e+00;
	[sflag:s1] =	ssyncset.done $0x0  }
0x226: {  	v8 =	vimm.f32 $-1.000000000e+09;
	v9 =	vimm.f32 $-1.000000000e+09;
	v10 =	vimm.f32 $-1.000000000e+09;
	s5 =	simm.s32 $0x0;
	[sflag:s1] =	ssyncadd.s32 $0xFFFFF800  }
.LBB2_13:
0x227: {  	s6 =	simm.s32 $0x160A0  }
0x228: {  	v11 =	vld [tilespmem:s6+$0x10]  }
0x229: {  	v12 =	vld [tilespmem:s6+$0x0]  }
0x22a: {  	v13 =	vld [tilespmem:s6+$0xFFFFFFF0]  }
0x22b: {  	s10 =	simm.s32 $0x160E0;
	v14 =	vld [tilespmem:s6+$0xFFFFFFE0]  }
0x22c: {  	s7 =	simm.s32 $0x30;
	v31 =	vld [tilespmem:s10+$0x10]  }
0x22d: {  	s6 =	sand.u32 $0x7F0, s7;
	v32 =	vld [tilespmem:s10+$0xFFFFFFE0]  }
0x22e: {  	v15 =	vld [tilespmem:s6+$0x18080]  }
0x22f: {  	v16 =	vld [tilespmem:s6+$0x16880]  }
0x230: {  	s26 =	simm.s32 $0x20;
	v17 =	vld [tilespmem:s6+$0x17080]  }
0x231: {  	s9 =	simm.s32 $0x0;
	s7 =	sand.u32 $0x7E0, s26;
	v18 =	vld [tilespmem:s6+$0x17880]  }
0x232: {  	s21 =	sand.u32 $0x7C0, s9;
	v19 =	vld [tilespmem:s7+$0x18080]  }
0x233: {  	v20 =	vld [tilespmem:s21+$0x18080]  }
0x234: {  	s30 =	simm.s32 $0x10;
	v21 =	vld [tilespmem:s7+$0x16880]  }
0x235: {  	s9 =	sand.u32 $0x7D0, s30;
	v22 =	vld [tilespmem:s7+$0x17080]  }
0x236: {  	v25 =	vld [tilespmem:s9+$0x17080]  }
0x237: {  	v26 =	vld [tilespmem:s21+$0x16880]  }
0x238: {  	v27 =	vld [tilespmem:s21+$0x17080]  }
0x239: {  	v28 =	vld [tilespmem:s21+$0x17880]  }
0x23a: {  	v24 =	vld [tilespmem:s9+$0x16880];
	v11 =	vmax.f32 v10, v11  }
0x23b: {  	s12 =	simm.s32 $0x60;
	v23 =	vld [tilespmem:s7+$0x17880];
	v13 =	vmax.f32 v10, v13;
	v12 =	vmax.f32 v10, v12;
	v14 =	vmax.f32 v10, v14  }
0x23c: {  	s12 =	sand.u32 $0x7E0, s12;
	v29 =	vld [tilespmem:s9+$0x17880];
	v30 =	vadd.f32 v15, v6;
	v15 =	vmax.f32 v9, v16;
	v16 =	vmin.f32 v8, v17  }
0x23d: {  	s16 =	simm.s32 $0x50;
	v35 =	vld [tilespmem:s12+$0x16880];
	v19 =	vadd.f32 v19, v6;
	v17 =	vmin.f32 v7, v18;
	v26 =	vmax.f32 v9, v26  }
0x23e: {  	s18 =	sand.u32 $0x7D0, s16;
	v36 =	vld [tilespmem:s12+$0x17880];
	v27 =	vmin.f32 v8, v27;
	v28 =	vmin.f32 v7, v28;
	v25 =	vmin.f32 v8, v25  }
0x23f: {  	v38 =	vld [tilespmem:s18+$0x16880];
	v24 =	vmax.f32 v9, v24;
	v11 =	vsub.f32 v16, v11;
	v16 =	vadd.f32 v20, v6  }
0x240: {  	v20 =	vmax.f32 v9, v21;
	v14 =	vsub.f32 v27, v14;
	v26 =	vsub.f32 v28, v26;
	v27 =	vld [tilespmem:s9+$0x18080]  }
0x241: {  	s15 =	simm.s32 $0x40;
	v39 =	vld [tilespmem:s18+$0x17080];
	v21 =	vmin.f32 v8, v22;
	v28 =	vmin.f32 v7, v29;
	v13 =	vsub.f32 v25, v13  }
0x242: {  	s15 =	sand.u32 $0x7C0, s15;
	v40 =	vld [tilespmem:s18+$0x17880];
	v24 =	vsub.f32 v28, v24;
	v14 =	vmax.f32 v14, $0.0e+00;
	v25 =	vmax.f32 v26, $0.0e+00  }
0x243: {  	v41 =	vld [tilespmem:s15+$0x16880];
	v23 =	vmin.f32 v7, v23;
	v12 =	vsub.f32 v21, v12;
	v37 =	vmul.f32 v25, v14  }
0x244: {  	s20 =	simm.s32 $0x70;
	v18 =	vld [tilespmem:s10+$0x0];
	v20 =	vsub.f32 v23, v20;
	v13 =	vmax.f32 v13, $0.0e+00;
	v14 =	vmax.f32 v24, $0.0e+00  }
0x245: {  	v22 =	vld [tilespmem:s10+$0xFFFFFFF0];
	s10 =	sand.u32 $0x7F0, s20;
	v24 =	vsub.f32 v16, v37;
	v16 =	vmul.f32 v14, v13;
	v13 =	vadd.f32 v27, v6  }
0x246: {  	v15 =	vsub.f32 v17, v15;
	v29 =	vld [tilespmem:s10+$0x18080];
	v12 =	vmax.f32 v12, $0.0e+00;
	v14 =	vmax.f32 v20, $0.0e+00  }
0x247: {  	v21 =	vld [tilespmem:s10+$0x17080];
	v17 =	vmul.f32 v14, v12;
	v20 =	vmax.f32 v24, $1.000000010e-10;
	v13 =	vsub.f32 v13, v16  }
0x248: {  	v33 =	vld [tilespmem:s10+$0x16880];
	v11 =	vmax.f32 v11, $0.0e+00;
	v12 =	vmax.f32 v15, $0.0e+00;
	(erf) = vrcp.f32 v20  }
0x249: {  	v34 =	vld [tilespmem:s10+$0x17880];
	v15 =	vmul.f32 v12, v11;
	v19 =	vsub.f32 v19, v17;
	v14 =	vmax.f32 v13, $1.000000010e-10  }
0x24a: {  	v31 =	vmax.f32 v10, v31;
	v23 =	vld [tilespmem:s12+$0x18080];
	v28 =	vmax.f32 v10, v32;
	(erf) = vrcp.f32 v14  }
0x24b: {  	v26 =	vmax.f32 v10, v18;
	v27 =	vld [tilespmem:s15+$0x18080];
	v12 =	vmax.f32 v19, $1.000000010e-10;
	v14 =	vsub.f32 v30, v15  }
0x24c: {  	v25 =	vmax.f32 v10, v22;
	v18 =	vmin.f32 v8, v21;
	v24 =	vld [tilespmem:s12+$0x17080];
	(erf) = vrcp.f32 v12  }
0x24d: {  	v22 =	vmax.f32 v9, v35;
	v18 =	vsub.f32 v18, v31;
	v31 =	vld [tilespmem:s15+$0x17880];
	v14 =	vmax.f32 v14, $1.000000010e-10  }
0x24e: {  	v35 =	vmin.f32 v8, v39;
	v11 =	vimm.s32 $0x0;
	v30 =	vld [tilespmem:s15+$0x17080];
	(erf) = vrcp.f32 v14  }
0x24f: {  	v20 =	vmin.f32 v7, v34;
	v13 =	vimm.f32 $-2.000000000e+00;
	v19 =	vmax.f32 v9, v33  }
0x250: {  	v21 =	vadd.f32 v27, v6;
	v27 =	vld [tilespmem:s21+$0x18880];
	v33 =	vmax.f32 v9, v38;
	v12 =	vadd.f32 v29, v6  }
0x251: {  	s24 =	simm.s32 $0x16120;
	v29 =	vmax.f32 v9, v41;
	v34 =	vmin.f32 v8, v24;
	v14 =	vadd.f32 v23, v6;
	v24 =	vpop (erf)  }
0x252: {  	s23 =	simm.s32 $0x0;
	s16 =	simm.s32 $0x4;
	s26 =	simm.s32 $0x8;
	v23 =	vmin.f32 v7, v36;
	v36 =	vmin.f32 v7, v40;
	v32 =	vmul.f32 v24, v37;
	v24 =	vld [tilespmem:s9+$0x18880]  }
.LBB2_14:
0x253: {  	v37 =	vld [tilespmem:s24+$0x10];
	p1 =	slt.u32 s26, $0x7C;
	v30 =	vmin.f32 v8, v30;
	v31 =	vmin.f32 v7, v31;
	v26 =	vsub.f32 v34, v26;
	v34 =	vpop (erf)  }
0x254: {  	v25 =	vsub.f32 v35, v25;
	vm0 =	vge.f32 v32, $3.000000120e-01;
	v16 =	vmul.f32 v34, v16;
	v32 =	vld [tilespmem:s7+$0x18880]  }
0x255: {  	v28 =	vsub.f32 v30, v28;
	v30 =	vsub.f32 v36, v33;
	v34 =	vld [tilespmem:s24+$0x0];
	v35 =	vsel vm0, $0xBF800000, v27;
	v33 =	vpop (erf)  }
0x256: {  	[tilespmem:s21+$0x18880] =	vst v35;
	vm0 =	vgt.f32 v35, v13;
	vm1 =	vge.f32 v16, $3.000000120e-01;
	v16 =	vmul.f32 v33, v17;
	v17 =	vld [tilespmem:s6+$0x18880];
	s21 =	smov.u32 s15  }
0x257: {  	s20 =	sadd.s32 $0x40, s20;
	v33 =	vld [tilespmem:s24+$0xFFFFFFF0];
	v13 =	vsel vm0, v35, v13;
	v11 =	vsel vm0, s23, v11;
	v24 =	vsel vm1, $0xBF800000, v24;
	v27 =	vpop (erf)  }
0x258: {  	s30 =	sadd.s32 $0x1, s23;
	s15 =	sand.u32 $0x7F0, s20;
	v35 =	vld [tilespmem:s24+$0xFFFFFFE0];
	[tilespmem:s9+$0x18880] =	vst v24;
	vm0 =	vgt.f32 v24, v13;
	vm1 =	vge.f32 v16, $3.000000120e-01;
	v15 =	vmul.f32 v27, v15;
	s9 =	smov.u32 s18  }
0x259: {  	v27 =	vld [tilespmem:s15+$0x18080];
	v13 =	vsel vm0, v24, v13;
	v11 =	vsel vm0, s30, v11;
	v16 =	vsel vm1, $0xBF800000, v32  }
0x25a: {  	s18 =	sadd.s32 $0x2, s23;
	v24 =	vsub.f32 v31, v29;
	v29 =	vld [tilespmem:s9+$0x18080];
	[tilespmem:s7+$0x18880] =	vst v16;
	vm0 =	vgt.f32 v16, v13;
	vm1 =	vge.f32 v15, $3.000000120e-01;
	s7 =	smov.u32 s12  }
0x25b: {  	v32 =	vld [tilespmem:s15+$0x16880];
	v13 =	vsel vm0, v16, v13;
	v11 =	vsel vm0, s18, v11;
	v15 =	vsel vm1, $0xBF800000, v17  }
0x25c: {  	s12 =	sadd.s32 $0xFFFFFFF0, s20;
	v16 =	vmax.f32 v28, $0.0e+00;
	v17 =	vmax.f32 v24, $0.0e+00;
	s18 =	sadd.s32 $0x3, s23;
	v36 =	vld [tilespmem:s15+$0x17080];
	[tilespmem:s6+$0x18880] =	vst v15;
	vm0 =	vgt.f32 v15, v13;
	s6 =	smov.u32 s10  }
0x25d: {  	s23 =	sadd.s32 $0xFFFFFFD0, s20;
	s12 =	sand.u32 $0x7E0, s12;
	v38 =	vmul.f32 v17, v16;
	s10 =	smov.u32 s15;
	v24 =	vld [tilespmem:s15+$0x17880];
	v13 =	vsel vm0, v15, v13;
	v11 =	vsel vm0, s18, v11  }
0x25e: {  	v16 =	vmax.f32 v30, $0.0e+00;
	v17 =	vsub.f32 v23, v22;
	s15 =	sand.u32 $0x7C0, s23;
	v15 =	vmax.f32 v25, $0.0e+00;
	s23 =	smov.u32 s16;
	s16 =	smov.u32 s26;
	v39 =	vld [tilespmem:s12+$0x18080]  }
0x25f: {  	v21 =	vsub.f32 v21, v38;
	v16 =	vmul.f32 v16, v15;
	v22 =	vld [tilespmem:s15+$0x18080];
	v15 =	vadd.f32 v29, v6  }
0x260: {  	v19 =	vsub.f32 v20, v19;
	v25 =	vmax.f32 v26, $0.0e+00;
	v17 =	vmax.f32 v17, $0.0e+00;
	v23 =	vld [tilespmem:s12+$0x16880]  }
0x261: {  	s18 =	sadd.s32 $0xFFFFFFE0, s20;
	v17 =	vmul.f32 v17, v25;
	v20 =	vmax.f32 v21, $1.000000010e-10;
	v29 =	vld [tilespmem:s12+$0x17080];
	v15 =	vsub.f32 v15, v16  }
0x262: {  	v18 =	vmax.f32 v18, $0.0e+00;
	v19 =	vmax.f32 v19, $0.0e+00;
	s18 =	sand.u32 $0x7D0, s18;
	v40 =	vld [tilespmem:s12+$0x17880];
	(erf) = vrcp.f32 v20  }
0x263: {  	v14 =	vsub.f32 v14, v17;
	v41 =	vld [tilespmem:s18+$0x16880];
	v20 =	vmax.f32 v15, $1.000000010e-10;
	v15 =	vmul.f32 v19, v18  }
0x264: {  	v42 =	vld [tilespmem:s18+$0x17080];
	(erf) = vrcp.f32 v20  }
0x265: {  	v18 =	vmax.f32 v10, v37;
	v14 =	vmax.f32 v14, $1.000000010e-10;
	v43 =	vld [tilespmem:s18+$0x17880];
	v19 =	vsub.f32 v12, v15  }
0x266: {  	v26 =	vmax.f32 v10, v34;
	v25 =	vmax.f32 v10, v33;
	v37 =	vld [tilespmem:s15+$0x16880];
	(erf) = vrcp.f32 v14  }
0x267: {  	v28 =	vmax.f32 v10, v35;
	v12 =	vadd.f32 v27, v6;
	v30 =	vld [tilespmem:s15+$0x17080];
	v14 =	vmax.f32 v19, $1.000000010e-10  }
.Ltmp8:
0x268: {  	v21 =	vmin.f32 v8, v36;
	v19 =	vmax.f32 v9, v32;
	v31 =	vld [tilespmem:s15+$0x17880];
	(erf) = vrcp.f32 v14;
	(pc) =	sbr.rel @p1 .LBB2_14-.Ltmp8, $4  }
0x269: {  	v20 =	vmin.f32 v7, v24;
	v18 =	vsub.f32 v21, v18;
	v14 =	vadd.f32 v39, v6  }
0x26a: {  	v21 =	vadd.f32 v22, v6;
	v22 =	vmax.f32 v9, v23;
	v34 =	vmin.f32 v8, v29;
	v27 =	vld [tilespmem:s21+$0x18880]  }
0x26b: {  	v23 =	vmin.f32 v7, v40;
	v33 =	vmax.f32 v9, v41;
	v35 =	vmin.f32 v8, v42;
	v24 =	vpop (erf)  }
0x26c: {  	s24 =	sadd.s32 $0x40, s24;
	s26 =	sadd.s32 $0x4, s26;
	v36 =	vmin.f32 v7, v43;
	v29 =	vmax.f32 v9, v37;
	v32 =	vmul.f32 v24, v38;
	v24 =	vld [tilespmem:s9+$0x18880]  }
0x26d: {  	_ =	sdelay $0x3  }
0x26e: {  	v9 =	vld [tilespmem:s18+$0x18080];
	v8 =	vmin.f32 v8, v30;
	v7 =	vmin.f32 v7, v31  }
0x26f: {  	v8 =	vsub.f32 v8, v28;
	v7 =	vsub.f32 v7, v29  }
0x270: {  	v10 =	vsub.f32 v35, v25;
	v46 =	vsub.f32 v36, v33  }
0x271: {  	v26 =	vsub.f32 v34, v26;
	v8 =	vmax.f32 v8, $0.0e+00;
	v7 =	vmax.f32 v7, $0.0e+00  }
0x272: {  	v7 =	vmul.f32 v7, v8;
	v8 =	vmax.f32 v10, $0.0e+00;
	v10 =	vmax.f32 v46, $0.0e+00  }
0x273: {  	v22 =	vsub.f32 v23, v22;
	v6 =	vadd.f32 v9, v6;
	v8 =	vmul.f32 v10, v8  }
0x274: {  	v19 =	vsub.f32 v20, v19;
	v21 =	vsub.f32 v21, v7  }
0x275: {  	v9 =	vmax.f32 v26, $0.0e+00;
	v10 =	vmax.f32 v22, $0.0e+00;
	v6 =	vsub.f32 v6, v8  }
0x276: {  	v48 =	vmax.f32 v19, $0.0e+00;
	v9 =	vmul.f32 v10, v9;
	v47 =	vmax.f32 v21, $1.000000010e-10  }
0x277: {  	v10 =	vmax.f32 v18, $0.0e+00;
	(erf) = vrcp.f32 v47;
	v6 =	vmax.f32 v6, $1.000000010e-10  }
0x278: {  	v10 =	vmul.f32 v48, v10;
	v14 =	vsub.f32 v14, v9  }
0x279: {  	(erf) = vrcp.f32 v6  }
0x27a: {  	vm0 =	vge.f32 v32, $3.000000120e-01;
	v12 =	vsub.f32 v12, v10;
	v14 =	vmax.f32 v14, $1.000000010e-10;
	v6 =	vpop (erf)  }
0x27b: {  	v49 =	vld [tilespmem:s7+$0x18880];
	v50 =	vsel vm0, $0xBF800000, v27;
	(erf) = vrcp.f32 v14;
	v6 =	vmul.f32 v6, v16  }
0x27c: {  	vm0 =	vgt.f32 v50, v13;
	v12 =	vmax.f32 v12, $1.000000010e-10;
	v51 =	vpop (erf)  }
0x27d: {  	v52 =	vld [tilespmem:s6+$0x18880];
	(erf) = vrcp.f32 v12;
	vm1 =	vge.f32 v6, $3.000000120e-01;
	v6 =	vmul.f32 v51, v17  }
0x27e: {  	v13 =	vsel vm0, v50, v13;
	v53 =	vpop (erf);
	v54 =	vsel vm1, $0xBF800000, v24  }
0x27f: {  	v55 =	vld [tilespmem:s15+$0x18880];
	vm1 =	vgt.f32 v54, v13;
	vm2 =	vge.f32 v6, $3.000000120e-01;
	v6 =	vmul.f32 v53, v15  }
0x280: {  	v13 =	vsel vm1, v54, v13;
	v56 =	vsel vm2, $0xBF800000, v49;
	v57 =	vpop (erf)  }
0x281: {  	vm2 =	vgt.f32 v56, v13;
	vm3 =	vge.f32 v6, $3.000000120e-01;
	v6 =	vmul.f32 v57, v7;
	v7 =	vld [tilespmem:s18+$0x18880]  }
0x282: {  	v58 =	vpop (erf);
	v13 =	vsel vm2, v56, v13;
	v14 =	vsel vm3, $0xBF800000, v52  }
0x283: {  	vm3 =	vgt.f32 v14, v13;
	vm4 =	vge.f32 v6, $3.000000120e-01;
	v6 =	vmul.f32 v58, v8;
	v8 =	vld [tilespmem:s12+$0x18880]  }
0x284: {  	v59 =	vpop (erf);
	v13 =	vsel vm3, v14, v13;
	v12 =	vsel vm4, $0xBF800000, v55  }
0x285: {  	vm4 =	vgt.f32 v12, v13;
	vm5 =	vge.f32 v6, $3.000000120e-01;
	v6 =	vmul.f32 v59, v9;
	v9 =	vld [tilespmem:s10+$0x18880]  }
0x286: {  	v60 =	vpop (erf);
	v13 =	vsel vm4, v12, v13;
	v7 =	vsel vm5, $0xBF800000, v7  }
0x287: {  	vm5 =	vgt.f32 v7, v13;
	vm6 =	vge.f32 v6, $3.000000120e-01;
	v6 =	vmul.f32 v60, v10  }
0x288: {  	v10 =	vsel vm5, v7, v13;
	v8 =	vsel vm6, $0xBF800000, v8  }
0x289: {  	vm6 =	vgt.f32 v8, v10;
	vm7 =	vge.f32 v6, $3.000000120e-01  }
0x28a: {  	v6 =	vsel vm6, v8, v10;
	v9 =	vsel vm7, $0xBF800000, v9  }
0x28b: {  	vm7 =	vgt.f32 v9, v6  }
0x28c: {  	v6 =	vsel vm7, v9, v6  }
0x28d: {  	s20 =	sadd.s32 $0x1, s23;
	v10 =	vsel vm0, s23, v11;
	(xrf0) =	vmax.scan.msk.f32 $0xffff, v6  }
0x28e: {  	s24 =	sadd.s32 $0x2, s23;
	v10 =	vsel vm1, s20, v10  }
0x28f: {  	s26 =	sadd.s32 $0x3, s23;
	v10 =	vsel vm2, s24, v10  }
0x290: {  	v10 =	vsel vm3, s26, v10  }
0x291: {  	s30 =	sadd.s32 $0x1, s16;
	v10 =	vsel vm4, s16, v10  }
0x292: {  	s23 =	sadd.s32 $0x2, s16;
	v10 =	vsel vm5, s30, v10  }
0x293: {  	s24 =	sadd.s32 $0x3, s16;
	v10 =	vsel vm6, s23, v10;
	v11, _, _ =	vpop (xrf0)  }
0x294: {  	v10 =	vsel vm7, s24, v10;
	v61 =	vbroadcast v11, $0xF  }
0x295: {  	v62 =	vor.u32 $0x80000000, v5;
	v10 =	vshll.u32 v10, $0x4  }
0x296: {  	vm15 =	veq.f32 v6, v61;
	v6 =	vxor.u32 v62, v10  }
0x297: {  	v6 =	vnsel vm15, $0x80000800, v6  }
0x298: {  	(xrf0) =	vmin.scan.msk.u32 $0xffff, v6;
	_ =	sdelay $0x5  }
0x299: {  	(v2sf) =	vpush v11, $0xF;
	v6, _, _ =	vpop (xrf0)  }
0x29a: {  	(v2sf) =	vpush v6, $0xF;
	_ =	sdelay $0xb  }
0x29b: {  	[tilespmem:s21+$0x18880] =	vst v50  }
0x29c: {  	[tilespmem:s9+$0x18880] =	vst v54  }
0x29d: {  	[tilespmem:s7+$0x18880] =	vst v56;
	s26 =	spop (v2sf)  }
0x29e: {  	[tilespmem:s6+$0x18880] =	vst v14;
	v6 =	vmov s5;
	s30 =	spop (v2sf)  }
0x29f: {  	[tilespmem:s15+$0x18880] =	vst v12;
	s6 =	sxor.u32 $0x80000000, s30  }
0x2a0: {  	[tilespmem:s18+$0x18880] =	vst v7;
	p1 =	sgt.f32 s26, $0.0e+00;
	v7 =	vmov s6  }
0x2a1: {  	[tilespmem:s12+$0x18880] =	vst v8;
	s6 =	simm.f32 $1.000000000e+00;
	v8 =	vadd.s32 $0x800, v7  }
0x2a2: {  	[tilespmem:s10+$0x18880] =	vst v9;
	s6 =	simm.s32 @!p1 $0x0;
	v11 =	vadd.s32 $0x1000, v7  }
0x2a3: {  	[tilespmem:v6+s25+$0x0] =	vst.idx.msk $0x1, v7;
	v63 =	vadd.s32 $0x1800, v7;
	v9 =	vmov s6  }
0x2a4: {  	[tilespmem:v6+s28+$0x0] =	vst.idx.msk $0x1, v9  }
0x2a5: {  	v10 =	vld.idx.msk [tilespmem:v7+s19+$0x0], $0xffff  }
0x2a6: {  	s5 =	sadd.s32 $0x1, s5;
	v9 =	vld.idx.msk [tilespmem:v8+s19+$0x0], $0xffff  }
0x2a7: {  	p1 =	sne.s32 s5, $0x64;
	v6 =	vadd.s32 $0x2000, v7;
	v8 =	vld.idx.msk [tilespmem:v11+s19+$0x0], $0xffff  }
.Ltmp9:
0x2a8: {  	v7 =	vld.idx.msk [tilespmem:v63+s19+$0x0], $0xffff;
	(pc) =	sbr.rel @p1 .LBB2_13-.Ltmp9, $2  }
0x2a9: {  	_ =	sdelay $0x2  }
0x2aa: {  	v6 =	vld.idx.msk [tilespmem:v6+s19+$0x0], $0xffff  }
0x2ab: {  	s5 =	simm.s32 $0x0  }
0x2ac: {  	v6 =	vor.u32 s5, v5  }
0x2ad: {  	vm0 =	vlt.s32 v6, $0x63  }
0x2ae: {  	v7 =	vnsel vm0, $0x63, v6;
	_ =	sdelay $0x4  }
0x2af: {  	v8 =	vld.idx.msk [tilespmem:v7+s25+$0x0], $0xffff;
	_ =	sdelay $0x4  }
0x2b0: {  	v9 =	vadd.s32 $0x3000, v8;
	_ =	sdelay $0x3  }
0x2b1: {  	v7 =	vld.idx.msk [tilespmem:v7+s28+$0x0], $0xffff  }
0x2b2: {  	v9 =	vld.idx.msk [tilespmem:v9+s19+$0x0], $0xffff  }
0x2b3: {  	v10 =	vshll.u32 v6, $0x3  }
0x2b4: {  	v6 =	vadd.s32 $0x3800, v8;
	_ =	sdelay $0x1  }
0x2b5: {  	vm15 =	vgt.f32 v7, $0.0e+00  }
0x2b6: {  	v7 =	vnsel vm15, $0x0, v9  }
0x2b7: {  	[tilespmem:v10+s2+$0x0] =	vst.idx.msk $0xffff, v7  }
0x2b8: {  	v6 =	vld.idx.msk [tilespmem:v6+s19+$0x0], $0xffff  }
0x2b9: {  	v7 =	vor.u32 $0x1, v10  }
0x2ba: {  	v9 =	vadd.s32 $0x4000, v8;
	_ =	sdelay $0x2  }
0x2bb: {  	v6 =	vnsel vm15, $0x0, v6  }
0x2bc: {  	[tilespmem:v7+s2+$0x0] =	vst.idx.msk $0xffff, v6  }
0x2bd: {  	v6 =	vld.idx.msk [tilespmem:v9+s19+$0x0], $0xffff  }
0x2be: {  	v7 =	vor.u32 $0x2, v10  }
0x2bf: {  	v9 =	vadd.s32 $0x4800, v8;
	_ =	sdelay $0x2  }
0x2c0: {  	v6 =	vnsel vm15, $0x0, v6  }
0x2c1: {  	[tilespmem:v7+s2+$0x0] =	vst.idx.msk $0xffff, v6  }
0x2c2: {  	v6 =	vld.idx.msk [tilespmem:v9+s19+$0x0], $0xffff  }
0x2c3: {  	v7 =	vor.u32 $0x3, v10  }
0x2c4: {  	v9 =	vadd.s32 $0x5000, v8;
	_ =	sdelay $0x2  }
0x2c5: {  	v6 =	vnsel vm15, $0x0, v6  }
0x2c6: {  	[tilespmem:v7+s2+$0x0] =	vst.idx.msk $0xffff, v6  }
0x2c7: {  	v6 =	vld.idx.msk [tilespmem:v9+s19+$0x0], $0xffff  }
0x2c8: {  	v7 =	vor.u32 $0x4, v10  }
0x2c9: {  	v8 =	vadd.s32 $0x5800, v8;
	_ =	sdelay $0x2  }
0x2ca: {  	v6 =	vnsel vm15, $0x0, v6  }
0x2cb: {  	s30 =	simm.s32 $0x10;
	[tilespmem:v7+s2+$0x0] =	vst.idx.msk $0xffff, v6  }
0x2cc: {  	v6 =	vor.u32 s30, v5;
	v9 =	vld.idx.msk [tilespmem:v8+s19+$0x0], $0xffff  }
0x2cd: {  	vm1 =	vlt.s32 v6, $0x63;
	v8 =	vor.u32 $0x5, v10  }
0x2ce: {  	v7 =	vnsel vm1, $0x63, v6;
	_ =	sdelay $0x2  }
0x2cf: {  	s5 =	simm.s32 $0x20;
	v9 =	vnsel vm15, $0x0, v9  }
.LBB2_17:
0x2d0: {  	p1 =	sne.s32 s5, $0x60;
	[tilespmem:v8+s2+$0x0] =	vst.idx.msk $0xffff, v9;
	s6 =	smov.u32 s5;
	s5 =	sadd.s32 $0x10, s5  }
0x2d1: {  	v8 =	vld.idx.msk [tilespmem:v7+s25+$0x0], $0xffff;
	_ =	sdelay $0x5  }
0x2d2: {  	v9 =	vadd.s32 $0x3000, v8;
	_ =	sdelay $0x3  }
0x2d3: {  	v7 =	vld.idx.msk [tilespmem:v7+s28+$0x0], $0xffff  }
0x2d4: {  	v9 =	vld.idx.msk [tilespmem:v9+s19+$0x0], $0xffff;
	_ =	sdelay $0x1  }
0x2d5: {  	v10 =	vshll.u32 v6, $0x3  }
0x2d6: {  	v6 =	vadd.s32 $0x3800, v8;
	_ =	sdelay $0x1  }
0x2d7: {  	vm0 =	vgt.f32 v7, $0.0e+00  }
0x2d8: {  	v7 =	vnsel vm0, $0x0, v9  }
0x2d9: {  	[tilespmem:v10+s2+$0x0] =	vst.idx.msk $0xffff, v7  }
0x2da: {  	v6 =	vld.idx.msk [tilespmem:v6+s19+$0x0], $0xffff;
	_ =	sdelay $0x1  }
0x2db: {  	v7 =	vor.u32 $0x1, v10  }
0x2dc: {  	v9 =	vadd.s32 $0x4000, v8;
	_ =	sdelay $0x2  }
0x2dd: {  	v6 =	vnsel vm0, $0x0, v6  }
0x2de: {  	[tilespmem:v7+s2+$0x0] =	vst.idx.msk $0xffff, v6  }
0x2df: {  	v6 =	vld.idx.msk [tilespmem:v9+s19+$0x0], $0xffff;
	_ =	sdelay $0x1  }
0x2e0: {  	v7 =	vor.u32 $0x2, v10  }
0x2e1: {  	v9 =	vadd.s32 $0x4800, v8;
	_ =	sdelay $0x2  }
0x2e2: {  	v6 =	vnsel vm0, $0x0, v6  }
0x2e3: {  	[tilespmem:v7+s2+$0x0] =	vst.idx.msk $0xffff, v6  }
0x2e4: {  	v6 =	vld.idx.msk [tilespmem:v9+s19+$0x0], $0xffff;
	_ =	sdelay $0x1  }
0x2e5: {  	v7 =	vor.u32 $0x3, v10  }
0x2e6: {  	v9 =	vadd.s32 $0x5000, v8;
	_ =	sdelay $0x2  }
0x2e7: {  	v6 =	vnsel vm0, $0x0, v6  }
0x2e8: {  	[tilespmem:v7+s2+$0x0] =	vst.idx.msk $0xffff, v6  }
0x2e9: {  	v6 =	vld.idx.msk [tilespmem:v9+s19+$0x0], $0xffff;
	_ =	sdelay $0x1  }
0x2ea: {  	v7 =	vor.u32 $0x4, v10  }
0x2eb: {  	v8 =	vadd.s32 $0x5800, v8;
	_ =	sdelay $0x2  }
0x2ec: {  	v6 =	vnsel vm0, $0x0, v6  }
0x2ed: {  	[tilespmem:v7+s2+$0x0] =	vst.idx.msk $0xffff, v6  }
0x2ee: {  	v9 =	vld.idx.msk [tilespmem:v8+s19+$0x0], $0xffff  }
0x2ef: {  	v6 =	vor.u32 s6, v5  }
.Ltmp10:
0x2f0: {  	vm1 =	vlt.s32 v6, $0x63;
	v8 =	vor.u32 $0x5, v10;
	(pc) =	sbr.rel @p1 .LBB2_17-.Ltmp10, $2  }
0x2f1: {  	v7 =	vnsel vm1, $0x63, v6;
	_ =	sdelay $0x2  }
0x2f2: {  	v9 =	vnsel vm0, $0x0, v9  }
0x2f3: {  	_ =	sdelay $0x3  }
0x2f4: {  	[tilespmem:v8+s2+$0x0] =	vst.idx.msk $0xffff, v9  }
0x2f5: {  	v8 =	vld.idx.msk [tilespmem:v7+s25+$0x0], $0xffff;
	_ =	sdelay $0x4  }
0x2f6: {  	v56 =	vadd.s32 $0x3000, v8;
	_ =	sdelay $0x3  }
0x2f7: {  	v7 =	vld.idx.msk [tilespmem:v7+s28+$0x0], $0xffff  }
0x2f8: {  	v9 =	vld.idx.msk [tilespmem:v56+s19+$0x0], $0xffff  }
0x2f9: {  	v6 =	vshll.u32 v6, $0x3  }
0x2fa: {  	v10 =	vadd.s32 $0x3800, v8;
	_ =	sdelay $0x1  }
0x2fb: {  	vm0 =	vgt.f32 v7, $0.0e+00  }
0x2fc: {  	v7 =	vnsel vm0, $0x0, v9  }
0x2fd: {  	[tilespmem:v6+s2+$0x0] =	vst.idx.msk $0xffff, v7  }
0x2fe: {  	v7 =	vld.idx.msk [tilespmem:v10+s19+$0x0], $0xffff  }
0x2ff: {  	v57 =	vor.u32 $0x1, v6  }
0x300: {  	v58 =	vadd.s32 $0x4000, v8;
	_ =	sdelay $0x2  }
0x301: {  	v7 =	vnsel vm0, $0x0, v7  }
0x302: {  	[tilespmem:v57+s2+$0x0] =	vst.idx.msk $0xffff, v7  }
0x303: {  	v7 =	vld.idx.msk [tilespmem:v58+s19+$0x0], $0xffff  }
0x304: {  	v59 =	vor.u32 $0x2, v6  }
0x305: {  	v60 =	vadd.s32 $0x4800, v8;
	_ =	sdelay $0x2  }
0x306: {  	v7 =	vnsel vm0, $0x0, v7  }
0x307: {  	[tilespmem:v59+s2+$0x0] =	vst.idx.msk $0xffff, v7  }
0x308: {  	v7 =	vld.idx.msk [tilespmem:v60+s19+$0x0], $0xffff  }
0x309: {  	v61 =	vor.u32 $0x3, v6  }
0x30a: {  	v62 =	vadd.s32 $0x5000, v8;
	_ =	sdelay $0x2  }
0x30b: {  	v7 =	vnsel vm0, $0x0, v7  }
0x30c: {  	[tilespmem:v61+s2+$0x0] =	vst.idx.msk $0xffff, v7  }
0x30d: {  	v7 =	vld.idx.msk [tilespmem:v62+s19+$0x0], $0xffff  }
0x30e: {  	v63 =	vor.u32 $0x4, v6  }
0x30f: {  	v8 =	vadd.s32 $0x5800, v8;
	_ =	sdelay $0x2  }
0x310: {  	v7 =	vnsel vm0, $0x0, v7  }
0x311: {  	[tilespmem:v63+s2+$0x0] =	vst.idx.msk $0xffff, v7  }
0x312: {  	v7 =	vld.idx.msk [tilespmem:v8+s19+$0x0], $0xffff  }
0x313: {  	v6 =	vor.u32 $0x5, v6;
	_ =	sdelay $0x3  }
0x314: {  	v7 =	vnsel vm0, $0x0, v7  }
0x315: {  	s5 =	rddreg [dreg:$0x1d];
	s6 =	simm.s32 $0x400;
	[tilespmem:v6+s2+$0x0] =	vst.idx.msk $0xffff, v7  }
0x316: {  	[hbm4b:s5+s13] =	stream.strided.scatter [tilespmem:s2], [sflag:$0x2], $0x400, s6, s13, $0x38;
	[tilespmem:$0x1C580] =	vst v63  }
.Ltmp11:
0x317: {  	_ = 	snop;
	(pc) =	sbr.rel .LBB2_19-.Ltmp11, $4  }
0x318: {  	_ =	swait.ge [sflag:s1], $0x400  }
0x319: {  	s26 =	rddreg [dreg:$0x5]  }
0x31a: {  	s23 =	smov.u32 s31;
	[sflag:s1] =	ssyncset.done $0x0;
	s30 =	rddreg [dreg:$0x7]  }
0x31b: {  	s24 =	smov.u32 s0;
	s31 =	rddreg [dreg:$0x8];
	[sflag:s1] =	ssyncadd.s32 $0xFFFFFC00  }
.LBB2_20:
0x31c: {  	_ =	sfence.sel $0x180000  }
0x31d: {  	[bflag:$0x0] =	sbarrier.arrive $0xFFFF  }
0x31e: {  	_ =	strace $0x90000047  }
0x31f: {  	s0 =	stileid.u32;
	[bflag:$0x2] =	sbarrier.arrive $0xFFFF  }
0x320: {  	p0 =	sne.s32 s0, $0x0;
	s0 =	rddreg [dreg:$0x3]  }
0x321: {  	s0 =	sadd.s32 @!p0 $0x100000, s0  }
0x322: {  	[sflag:s0] =	ssyncadd.tile.s32 @!p0 $0x1;
	_ =	shalt  }
.Lfunc_end2:
_tile_overlayer_lowered:
.L_overlay_start_2:
0x323: {  	(tag) =	ssettag $0x2  }
0x324: {  	s0 =	rddreg [dreg:$0x0];
	s2 =	stileid.u32  }
0x325: {  	s1 =	rddreg [dreg:$0x1];
	p0 =	sne.s32 s2, $0x0  }
0x326: {  	s3 =	rddreg [dreg:$0x2];
	[bflag:$0x3] =	sbarrier.arrive $0xFFFF;
	s2 =	simm.s32 @!p0 $0x1C02  }
0x327: {  	[timem:s3], [sflag:s2] =	dma.local @!p0 [hbm:s0], s1  }
0x328: {  	s0 =	simm.s32 @!p0 $0x2  }
0x329: {  	_ =	swait.ge @!p0 [sflag:s0], s1  }
0x32a: {  	s1 =	ssub.s32 @!p0 $0x0, s1;
	[sflag:s0] =	ssyncset.done @!p0 $0x0  }
0x32b: {  	[sflag:s0] =	ssyncadd.s32 @!p0 s1  }
0x32c: {  	[bflag:$0x3] =	sbarrier.arrive $0xFFFF  }
0x32d: {  	_ =	shalt  }

</sc_bundles>
